<compile_context>
chip_gen: v7x
topology: tpu7x:2x2x1
jax: 0.10.2.dev20260603
libtpu: 0.0.44.dev20260713+nightly
codegen_flags: <defaults>
</compile_context>

<pallas_src>
import functools

import jax
import jax.numpy as jnp
from jax import lax
from jax.experimental import pallas as pl
from jax.experimental.pallas import tpu as pltpu
from jax.experimental.pallas import tpu_sc as plsc

_B, _S, _D = 2, 2048, 2048
_H = 8
_KD = 128
_NE = 16384
_NK = 128
_TOPK = 2
_N = _B * _S
_F = 2 * _H * _KD
_TM = 256
_NT = _N // _TM
_EPS = 1e-5

_NC, _NS = 2, 16
_NW = _NC * _NS
_TPW = _N // _NW
_PK = _H * _TOPK
_LANES = 16
_CHUNKS = _D // _LANES


def _proj_body(x_ref, w_ref, q_ref, s1_ref, s2_ref):
    i = pl.program_id(0)
    q = lax.dot_general(x_ref[...], w_ref[...], (((1,), (1,)), ((), ())),
                        preferred_element_type=jnp.float32)
    q_ref[...] = q

    @pl.when(i == 0)
    def _init():
        s1_ref[...] = jnp.zeros_like(s1_ref)
        s2_ref[...] = jnp.zeros_like(s2_ref)

    s1_ref[...] += jnp.sum(q, axis=0, keepdims=True)
    s2_ref[...] += jnp.sum(q * q, axis=0, keepdims=True)


def _route_body(q_ref, s1_ref, s2_ref, g_ref, b_ref, k_ref, idx_ref, w_ref):
    n = jnp.float32(_N)
    mean = s1_ref[...] / n
    var = s2_ref[...] / n - mean * mean
    qn = (q_ref[...] - mean) / jnp.sqrt(var + _EPS) * g_ref[...] + b_ref[...]
    idx_cols = []
    w_cols = []
    for h in range(_H):
        per_p = []
        for p in range(2):
            f0 = p * _H * _KD + h * _KD
            qs = qn[:, f0:f0 + _KD]
            kp = k_ref[p * _H + h]
            sim = lax.dot_general(qs, kp, (((1,), (1,)), ((), ())),
                                  preferred_element_type=jnp.float32)
            iota = lax.broadcasted_iota(jnp.int32, sim.shape, 1)
            m1 = jnp.max(sim, axis=1, keepdims=True)
            i1 = jnp.min(jnp.where(sim == m1, iota, _NK), axis=1, keepdims=True)
            simm = jnp.where(iota == i1, -jnp.inf, sim)
            m2 = jnp.max(simm, axis=1, keepdims=True)
            i2 = jnp.min(jnp.where(simm == m2, iota, _NK), axis=1, keepdims=True)
            per_p.append((m1, i1, m2, i2))
        (m1x, i1x, m2x, i2x), (m1y, i1y, m2y, i2y) = per_p
        s_a = m1x + m1y
        idx_a = i1x * _NK + i1y
        c01 = m1x + m2y
        c10 = m2x + m1y
        take01 = c01 >= c10
        s_b = jnp.where(take01, c01, c10)
        idx_b = jnp.where(take01, i1x * _NK + i2y, i2x * _NK + i1y)
        e = jnp.exp(s_b - s_a)
        denom = 1.0 + e
        idx_cols += [idx_a, idx_b]
        w_cols += [1.0 / denom, e / denom]
    idx_ref[...] = jnp.concatenate(idx_cols, axis=1)
    w_ref[...] = jnp.concatenate(w_cols, axis=1)


_HALF = _PK // 2


def _make_sc_combine():
    mesh = plsc.VectorSubcoreMesh(core_axis_name="c", subcore_axis_name="s",
                                  num_cores=_NC, num_subcores=_NS)

    @functools.partial(
        pl.kernel,
        out_type=jax.ShapeDtypeStruct((_N, _D), jnp.float32),
        mesh=mesh,
        compiler_params=pltpu.CompilerParams(needs_layout_passes=False),
        scratch_types=[
            pltpu.VMEM((_TPW * _PK,), jnp.int32),
            pltpu.VMEM((_TPW * _PK,), jnp.float32),
            pltpu.VMEM((2 * _D,), jnp.float32),
            pltpu.VMEM((_HALF, _D), jnp.float32),
            pltpu.VMEM((_HALF, _D), jnp.float32),
            pltpu.VMEM((_HALF, _D), jnp.float32),
            pltpu.VMEM((_HALF, _D), jnp.float32),
            pltpu.VMEM((_D,), jnp.float32),
            pltpu.SemaphoreType.DMA,
            pltpu.SemaphoreType.DMA,
            pltpu.SemaphoreType.DMA,
            pltpu.SemaphoreType.DMA,
            pltpu.SemaphoreType.DMA,
            pltpu.SemaphoreType.DMA,
        ],
    )
    def _sc(x_hbm, idx_hbm, w_hbm, down_hbm, up_hbm, out_hbm,
            idx_v, w_v, xbuf, gd0, gd1, gu0, gu1, obuf,
            semx, semd0, semu0, semd1, semu1, semo):
        wid = lax.axis_index("s") * _NC + lax.axis_index("c")
        base = wid * _TPW
        pltpu.sync_copy(idx_hbm.at[pl.ds(base * _PK, _TPW * _PK)], idx_v)
        pltpu.sync_copy(w_hbm.at[pl.ds(base * _PK, _TPW * _PK)], w_v)
        lane = lax.iota(jnp.int32, _LANES)

        def issue_half(t, half, gd, gu, semd, semu):
            isl = idx_v.at[pl.ds(t * _PK + half * _HALF, _HALF)]
            pltpu.async_copy(down_hbm.at[isl], gd, semd)
            pltpu.async_copy(up_hbm.at[isl], gu, semu)

        def wait_g(tab_hbm, g, sem):
            pltpu.make_async_copy(tab_hbm.at[pl.ds(0, _HALF)], g, sem).wait()

        def dot_half(xoff, gd):
            def dot_chunk(j, accs):
                o = pl.multiple_of(j * _LANES, _LANES)
                xc = xbuf[pl.ds(xoff + o, _LANES)]
                return tuple(accs[k] + xc * gd[k, pl.ds(o, _LANES)]
                             for k in range(_HALF))
            return lax.fori_loop(
                0, _CHUNKS, dot_chunk,
                tuple(jnp.zeros((_LANES,), jnp.float32) for _ in range(_HALF)))

        def coeffs(accs, wv, half):
            hv = jnp.zeros((_LANES,), jnp.float32)
            for k in range(_HALF):
                hv = jnp.where(lane == half * _HALF + k, jnp.sum(accs[k]), hv)
            u = 0.7978845608028654 * (hv + 0.044715 * hv * hv * hv)
            e2u = jnp.exp(2.0 * u)
            tanh_u = 1.0 - 2.0 / (e2u + 1.0)
            coeff = wv * (0.5 * hv * (1.0 + tanh_u))
            return [jnp.sum(jnp.where(lane == half * _HALF + k, coeff, 0.0))
                    for k in range(_HALF)]

        pltpu.async_copy(x_hbm.at[base], xbuf.at[pl.ds(0, _D)], semx)
        issue_half(0, 0, gd0, gu0, semd0, semu0)

        def token_body(t, carry):
            tok = base + t
            xoff = (t % 2) * _D
            issue_half(t, 1, gd1, gu1, semd1, semu1)
            pltpu.make_async_copy(x_hbm.at[tok], xbuf.at[pl.ds(xoff, _D)],
                                  semx).wait()

            @pl.when(t < _TPW - 1)
            def _():
                pltpu.async_copy(x_hbm.at[tok + 1],
                                 xbuf.at[pl.ds(_D - xoff, _D)], semx)

            wv = w_v[pl.ds(t * _PK, _PK)]
            wait_g(down_hbm, gd0, semd0)
            cs0 = coeffs(dot_half(xoff, gd0), wv, 0)

            @pl.when(t > 0)
            def _():
                pltpu.make_async_copy(obuf, out_hbm.at[tok], semo).wait()

            wait_g(up_hbm, gu0, semu0)

            def up0(j, c2):
                s = pl.ds(pl.multiple_of(j * _LANES, _LANES), _LANES)
                v = cs0[0] * gu0[0, s]
                for k in range(1, _HALF):
                    v = v + cs0[k] * gu0[k, s]
                obuf[s] = v
                return c2

            lax.fori_loop(0, _CHUNKS, up0, 0)

            @pl.when(t < _TPW - 1)
            def _():
                issue_half(t + 1, 0, gd0, gu0, semd0, semu0)

            wait_g(down_hbm, gd1, semd1)
            cs1 = coeffs(dot_half(xoff, gd1), wv, 1)
            wait_g(up_hbm, gu1, semu1)

            def up1(j, c2):
                s = pl.ds(pl.multiple_of(j * _LANES, _LANES), _LANES)
                v = obuf[s]
                for k in range(_HALF):
                    v = v + cs1[k] * gu1[k, s]
                obuf[s] = v
                return c2

            lax.fori_loop(0, _CHUNKS, up1, 0)
            pltpu.async_copy(obuf, out_hbm.at[tok], semo)
            return carry

        lax.fori_loop(0, _TPW, token_body, 0)
        pltpu.make_async_copy(obuf, out_hbm.at[base], semo).wait()

    return _sc


def kernel(x, W_q, bn_gamma, bn_beta, keys, down_embed, up_embed):
    xf = x.reshape(_N, _D)
    q, s1, s2 = pl.pallas_call(
        _proj_body,
        grid=(_NT,),
        in_specs=[pl.BlockSpec((_TM, _D), lambda i: (i, 0)),
                  pl.BlockSpec((_F, _D), lambda i: (0, 0))],
        out_specs=[pl.BlockSpec((_TM, _F), lambda i: (i, 0)),
                   pl.BlockSpec((1, _F), lambda i: (0, 0)),
                   pl.BlockSpec((1, _F), lambda i: (0, 0))],
        out_shape=[jax.ShapeDtypeStruct((_N, _F), jnp.float32),
                   jax.ShapeDtypeStruct((1, _F), jnp.float32),
                   jax.ShapeDtypeStruct((1, _F), jnp.float32)],
    )(xf, W_q)

    keys_r = jnp.transpose(keys, (2, 0, 1, 3)).reshape(2 * _H, _NK, _KD)
    g2 = bn_gamma.reshape(1, _F)
    b2 = bn_beta.reshape(1, _F)
    idxs, ws = pl.pallas_call(
        _route_body,
        grid=(_NT,),
        in_specs=[pl.BlockSpec((_TM, _F), lambda i: (i, 0)),
                  pl.BlockSpec((1, _F), lambda i: (0, 0)),
                  pl.BlockSpec((1, _F), lambda i: (0, 0)),
                  pl.BlockSpec((1, _F), lambda i: (0, 0)),
                  pl.BlockSpec((1, _F), lambda i: (0, 0)),
                  pl.BlockSpec((2 * _H, _NK, _KD), lambda i: (0, 0, 0))],
        out_specs=[pl.BlockSpec((_TM, _PK), lambda i: (i, 0)),
                   pl.BlockSpec((_TM, _PK), lambda i: (i, 0))],
        out_shape=[jax.ShapeDtypeStruct((_N, _PK), jnp.int32),
                   jax.ShapeDtypeStruct((_N, _PK), jnp.float32)],
    )(q, s1, s2, g2, b2, keys_r)

    out = _make_sc_combine()(xf, idxs.reshape(-1), ws.reshape(-1),
                             down_embed, up_embed)
    return out.reshape(_B, _S, _D)

# --- scband reference (transcript-rebuilt; emitter-appended) ---
"""Pipeline reference for scband-peer-20693152432472 (READ-ONLY COPY).

The authoritative reference and input builder live on the scoring server;
editing this copy changes nothing except your own understanding.
"""

import jax, jax.numpy as jnp
import numpy as np

B, S, D = 2, 2048, 2048
H = 8
KD = 128
NE = 16384
NK = 128  # int(NE ** 0.5)
TOPK = 2


def gelu_new(x):
    return 0.5 * x * (1.0 + jnp.tanh(jnp.sqrt(2.0 / jnp.pi) * (x + 0.044715 * jnp.power(x, 3.0))))


def setup_inputs(seed: int = 0) -> dict:
    key = jax.random.key(seed)
    ks = jax.random.split(key, 6)
    x = jax.random.normal(ks[0], (B, S, D), dtype=jnp.float32)
    W_q = jax.random.normal(ks[1], (KD * H * 2, D), dtype=jnp.float32) * 0.02
    bn_gamma = jnp.ones((KD * H * 2,), dtype=jnp.float32)
    bn_beta = jnp.zeros((KD * H * 2,), dtype=jnp.float32)
    keys = jax.random.normal(ks[2], (H, NK, 2, KD), dtype=jnp.float32) * 0.02
    down_embed = jax.random.normal(ks[3], (NE, D), dtype=jnp.float32) * 0.02
    up_embed = jax.random.normal(ks[4], (NE, D), dtype=jnp.float32) * 0.02
    return {"x": x, "W_q": W_q, "bn_gamma": bn_gamma, "bn_beta": bn_beta,
            "keys": keys, "down_embed": down_embed, "up_embed": up_embed}


def reference(x, W_q, bn_gamma, bn_beta, keys, down_embed, up_embed):
    b, s, d = x.shape
    # queries: Linear(no bias) -> BatchNorm1d (training-mode batch stats) -> Unflatten -> Permute
    q = jnp.einsum('bsd,fd->bsf', x, W_q)
    qf = q.reshape(b * s, -1)
    mean = jnp.mean(qf, axis=0)
    var = jnp.var(qf, axis=0)  # biased variance, as used for normalization in training mode
    qf = (qf - mean) / jnp.sqrt(var + 1e-5) * bn_gamma + bn_beta
    q = qf.reshape(b, s, 2, H, KD)
    q = jnp.transpose(q, (2, 0, 1, 3, 4))  # [2, b, s, H, KD]
    sim = jnp.einsum('pbnhd,hkpd->pbnhk', q, keys)  # [2, b, s, H, NK]
    scores_x, indices_x = jax.lax.top_k(sim[0], TOPK)
    scores_y, indices_y = jax.lax.top_k(sim[1], TOPK)
    all_scores = scores_x[..., :, None] + scores_y[..., None, :]      # [b,s,H,k,k]
    all_indices = indices_x[..., :, None] * NK + indices_y[..., None, :]
    all_scores = all_scores.reshape(*all_scores.shape[:-2], -1)
    all_indices = all_indices.reshape(*all_indices.shape[:-2], -1)
    scores, pk_indices = jax.lax.top_k(all_scores, TOPK)
    indices = jnp.take_along_axis(all_indices, pk_indices, axis=-1)   # [b,s,H,TOPK]
    weights_down = jnp.take(down_embed, indices, axis=0)              # [b,s,H,TOPK,D]
    weights_up = jnp.take(up_embed, indices, axis=0)
    h = jnp.einsum('bnd,bnhkd->bnhk', x, weights_down)
    h = gelu_new(h)
    h = jax.nn.softmax(scores, axis=-1) * h
    out = jnp.einsum('bnhk,bnhkd->bnd', h, weights_up)
    return out

if __name__ == "__main__":
    import jax
    _d = setup_inputs()
    print(jax.jit(kernel)(*tuple(_d.values())))

</pallas_src>

<mosaic_0001>
#map = affine_map<(d0, d1) -> (0, 0)>
#map1 = affine_map<(d0, d1) -> (0)>
module attributes {stable_mosaic.version = 14 : i64} {
  func.func @_sc(%arg0: i32, %arg1: i32, %arg2: memref<4096x2048xf32, #tpu.memory_space<hbm>>, %arg3: memref<65536xi32, #tpu.memory_space<hbm>>, %arg4: memref<65536xf32, #tpu.memory_space<hbm>>, %arg5: memref<16384x2048xf32, #tpu.memory_space<hbm>>, %arg6: memref<16384x2048xf32, #tpu.memory_space<hbm>>, %arg7: memref<4096x2048xf32, #tpu.memory_space<hbm>>, %arg8: memref<2048xi32, #tpu.memory_space<vmem>>, %arg9: memref<2048xf32, #tpu.memory_space<vmem>>, %arg10: memref<4096xf32, #tpu.memory_space<vmem>>, %arg11: memref<8x2048xf32, #tpu.memory_space<vmem>>, %arg12: memref<8x2048xf32, #tpu.memory_space<vmem>>, %arg13: memref<8x2048xf32, #tpu.memory_space<vmem>>, %arg14: memref<8x2048xf32, #tpu.memory_space<vmem>>, %arg15: memref<2048xf32, #tpu.memory_space<vmem>>, %arg16: memref<!tpu.dma_semaphore, #tpu.memory_space<semaphore_mem>>, %arg17: memref<!tpu.dma_semaphore, #tpu.memory_space<semaphore_mem>>, %arg18: memref<!tpu.dma_semaphore, #tpu.memory_space<semaphore_mem>>, %arg19: memref<!tpu.dma_semaphore, #tpu.memory_space<semaphore_mem>>, %arg20: memref<!tpu.dma_semaphore, #tpu.memory_space<semaphore_mem>>, %arg21: memref<!tpu.dma_semaphore, #tpu.memory_space<semaphore_mem>>) attributes {dimension_semantics = [#tpu.dimension_semantics<core_parallel>, #tpu.dimension_semantics<subcore_parallel>], iteration_bounds = array<i64: 2, 16>, scalar_prefetch = 0 : i64, scratch_operands = 14 : i64, tpu.core_type = #tpu.core_type<sc_vector_subcore>, window_params = [{transform_indices = #map}, {transform_indices = #map1}, {transform_indices = #map1}, {transform_indices = #map}, {transform_indices = #map}, {transform_indices = #map}]} {
    %mul3A = arith.constant 2 : i32
    %mul3A_0 = arith.muli %arg1, %mul3A : i32
    %add3A = arith.addi %mul3A_0, %arg0 : i32
    %mul3A_1 = arith.constant 128 : i32
    %mul3A_2 = arith.muli %add3A, %mul3A_1 : i32
    %mul3A_3 = arith.constant 16 : i32
    %mul3A_4 = arith.muli %mul3A_2, %mul3A_3 : i32
    "tpu.region"() ({
      %run_scoped3A = tpu.sem_alloc : memref<!tpu.dma_semaphore, #tpu.memory_space<semaphore_mem>>
      %dma_start3A_36 = tpu.memref_slice %arg3[%mul3A_4] : memref<65536xi32, #tpu.memory_space<hbm>> -> memref<2048xi32, #tpu.memory_space<hbm>>
      %dma_start3A_37 = tpu.memref_slice %arg3[%mul3A_4] : memref<65536xi32, #tpu.memory_space<hbm>> -> memref<2048xi32, #tpu.memory_space<hbm>>
      tpu.enqueue_dma source(%dma_start3A_37 : memref<2048xi32, #tpu.memory_space<hbm>>) target(%arg8 : memref<2048xi32, #tpu.memory_space<vmem>>) target_semaphore(%run_scoped3A : memref<!tpu.dma_semaphore, #tpu.memory_space<semaphore_mem>>)
      %dma_wait3A_38 = tpu.memref_slice %arg3[%mul3A_4] : memref<65536xi32, #tpu.memory_space<hbm>> -> memref<2048xi32, #tpu.memory_space<hbm>>
      %dma_wait3A_39 = tpu.memref_slice %arg3[%mul3A_4] : memref<65536xi32, #tpu.memory_space<hbm>> -> memref<2048xi32, #tpu.memory_space<hbm>>
      tpu.wait_dma2 semaphore(%run_scoped3A : memref<!tpu.dma_semaphore, #tpu.memory_space<semaphore_mem>>) src(%dma_wait3A_39 : memref<2048xi32, #tpu.memory_space<hbm>>) dst(%arg8 : memref<2048xi32, #tpu.memory_space<vmem>>)
      tpu.yield
    }) : () -> ()
    %mul3A_5 = arith.constant 16 : i32
    %mul3A_6 = arith.muli %mul3A_2, %mul3A_5 : i32
    "tpu.region"() ({
      %run_scoped3A = tpu.sem_alloc : memref<!tpu.dma_semaphore, #tpu.memory_space<semaphore_mem>>
      %dma_start3A_36 = tpu.memref_slice %arg4[%mul3A_6] : memref<65536xf32, #tpu.memory_space<hbm>> -> memref<2048xf32, #tpu.memory_space<hbm>>
      %dma_start3A_37 = tpu.memref_slice %arg4[%mul3A_6] : memref<65536xf32, #tpu.memory_space<hbm>> -> memref<2048xf32, #tpu.memory_space<hbm>>
      tpu.enqueue_dma source(%dma_start3A_37 : memref<2048xf32, #tpu.memory_space<hbm>>) target(%arg9 : memref<2048xf32, #tpu.memory_space<vmem>>) target_semaphore(%run_scoped3A : memref<!tpu.dma_semaphore, #tpu.memory_space<semaphore_mem>>)
      %dma_wait3A_38 = tpu.memref_slice %arg4[%mul3A_6] : memref<65536xf32, #tpu.memory_space<hbm>> -> memref<2048xf32, #tpu.memory_space<hbm>>
      %dma_wait3A_39 = tpu.memref_slice %arg4[%mul3A_6] : memref<65536xf32, #tpu.memory_space<hbm>> -> memref<2048xf32, #tpu.memory_space<hbm>>
      tpu.wait_dma2 semaphore(%run_scoped3A : memref<!tpu.dma_semaphore, #tpu.memory_space<semaphore_mem>>) src(%dma_wait3A_39 : memref<2048xf32, #tpu.memory_space<hbm>>) dst(%arg9 : memref<2048xf32, #tpu.memory_space<vmem>>)
      tpu.yield
    }) : () -> ()
    %iota3A = tpu.iota {dimensions = array<i32: 0>} : vector<16xi32>
    %dma_start3A = arith.constant 0 : i32
    %dma_start3A_7 = tpu.memref_slice %arg10[%dma_start3A] : memref<4096xf32, #tpu.memory_space<vmem>> -> memref<2048xf32, #tpu.memory_space<vmem>>
    %dma_start3A_8 = arith.constant 0 : i32
    %dma_start3A_9 = tpu.memref_slice %arg2[%mul3A_2, %dma_start3A_8] : memref<4096x2048xf32, #tpu.memory_space<hbm>> -> memref<1x2048xf32, #tpu.memory_space<hbm>>
    %dma_start3A_10 = tpu.memref_squeeze %dma_start3A_9 : memref<1x2048xf32, #tpu.memory_space<hbm>> -> memref<2048xf32, #tpu.memory_space<hbm>>
    %dma_start3A_11 = arith.constant 0 : i32
    %dma_start3A_12 = tpu.memref_slice %arg10[%dma_start3A_11] : memref<4096xf32, #tpu.memory_space<vmem>> -> memref<2048xf32, #tpu.memory_space<vmem>>
    %dma_start3A_13 = arith.constant 0 : i32
    %dma_start3A_14 = tpu.memref_slice %arg2[%mul3A_2, %dma_start3A_13] : memref<4096x2048xf32, #tpu.memory_space<hbm>> -> memref<1x2048xf32, #tpu.memory_space<hbm>>
    %dma_start3A_15 = tpu.memref_squeeze %dma_start3A_14 : memref<1x2048xf32, #tpu.memory_space<hbm>> -> memref<2048xf32, #tpu.memory_space<hbm>>
    tpu.enqueue_dma source(%dma_start3A_15 : memref<2048xf32, #tpu.memory_space<hbm>>) target(%dma_start3A_12 : memref<2048xf32, #tpu.memory_space<vmem>>) target_semaphore(%arg16 : memref<!tpu.dma_semaphore, #tpu.memory_space<semaphore_mem>>)
    %dma_start3A_16 = arith.constant 0 : i32
    %dma_start3A_17 = tpu.memref_slice %arg8[%dma_start3A_16] : memref<2048xi32, #tpu.memory_space<vmem>> -> memref<8xi32, #tpu.memory_space<vmem>>
    %dma_start3A_18 = arith.constant 0 : i32
    %dma_start3A_19 = arith.constant 0 : i32
    %dma_start3A_20 = tpu.memref_slice %arg5[%dma_start3A_18, %dma_start3A_19] : memref<16384x2048xf32, #tpu.memory_space<hbm>> -> memref<16384x2048xf32, #tpu.memory_space<hbm>>
    tpu.enqueue_indirect_dma source(%dma_start3A_20 : memref<16384x2048xf32, #tpu.memory_space<hbm>>) target(%arg11 : memref<8x2048xf32, #tpu.memory_space<vmem>>) offsets(%dma_start3A_17 : memref<8xi32, #tpu.memory_space<vmem>>) semaphore(%arg17 : memref<!tpu.dma_semaphore, #tpu.memory_space<semaphore_mem>>)
    %dma_start3A_21 = arith.constant 0 : i32
    %dma_start3A_22 = tpu.memref_slice %arg8[%dma_start3A_21] : memref<2048xi32, #tpu.memory_space<vmem>> -> memref<8xi32, #tpu.memory_space<vmem>>
    %dma_start3A_23 = arith.constant 0 : i32
    %dma_start3A_24 = arith.constant 0 : i32
    %dma_start3A_25 = tpu.memref_slice %arg6[%dma_start3A_23, %dma_start3A_24] : memref<16384x2048xf32, #tpu.memory_space<hbm>> -> memref<16384x2048xf32, #tpu.memory_space<hbm>>
    tpu.enqueue_indirect_dma source(%dma_start3A_25 : memref<16384x2048xf32, #tpu.memory_space<hbm>>) target(%arg13 : memref<8x2048xf32, #tpu.memory_space<vmem>>) offsets(%dma_start3A_22 : memref<8xi32, #tpu.memory_space<vmem>>) semaphore(%arg18 : memref<!tpu.dma_semaphore, #tpu.memory_space<semaphore_mem>>)
    %scan3A = arith.constant 0 : i32
    %scan3A_26 = arith.constant 0 : i32
    %scan3A_27 = arith.constant 128 : i32
    %scan3A_28 = arith.addi %scan3A_26, %scan3A_27 : i32
    %scan3A_29 = arith.constant 1 : i32
    scf.for %scan3A_36 = %scan3A_26 to %scan3A_28 step %scan3A_29  : i32 {
      %add3A_37 = arith.addi %mul3A_2, %scan3A_36 : i32
      %jit3A = arith.constant 2 : i32
      %eq3A = arith.constant 0 : i32
      %eq3A_38 = arith.cmpi eq, %jit3A, %eq3A : i32
      %jit3A_39 = arith.constant 1 : i32
      %select_n3A = arith.select %eq3A_38, %jit3A_39, %jit3A : i32
      %rem3A = arith.remsi %scan3A_36, %select_n3A : i32
      %ne3A = arith.constant 0 : i32
      %ne3A_40 = arith.cmpi ne, %rem3A, %ne3A : i32
      %lt3A = arith.constant 0 : i32
      %lt3A_41 = arith.cmpi slt, %rem3A, %lt3A : i32
      %lt3A_42 = arith.constant 0 : i32
      %lt3A_43 = arith.cmpi slt, %select_n3A, %lt3A_42 : i32
      %ne3A_44 = arith.xori %lt3A_41, %lt3A_43 : i1
      %and3A = arith.andi %ne3A_44, %ne3A_40 : i1
      %add3A_45 = arith.addi %rem3A, %select_n3A : i32
      %select_n3A_46 = arith.select %and3A, %add3A_45, %rem3A : i32
      %mul3A_47 = arith.constant 2048 : i32
      %mul3A_48 = arith.muli %select_n3A_46, %mul3A_47 : i32
      %mul3A_49 = arith.constant 16 : i32
      %mul3A_50 = arith.muli %scan3A_36, %mul3A_49 : i32
      %add3A_51 = arith.constant 8 : i32
      %add3A_52 = arith.addi %mul3A_50, %add3A_51 : i32
      %dma_start3A_53 = tpu.memref_slice %arg8[%add3A_52] : memref<2048xi32, #tpu.memory_space<vmem>> -> memref<8xi32, #tpu.memory_space<vmem>>
      %dma_start3A_54 = arith.constant 0 : i32
      %dma_start3A_55 = arith.constant 0 : i32
      %dma_start3A_56 = tpu.memref_slice %arg5[%dma_start3A_54, %dma_start3A_55] : memref<16384x2048xf32, #tpu.memory_space<hbm>> -> memref<16384x2048xf32, #tpu.memory_space<hbm>>
      tpu.enqueue_indirect_dma source(%dma_start3A_56 : memref<16384x2048xf32, #tpu.memory_space<hbm>>) target(%arg12 : memref<8x2048xf32, #tpu.memory_space<vmem>>) offsets(%dma_start3A_53 : memref<8xi32, #tpu.memory_space<vmem>>) semaphore(%arg19 : memref<!tpu.dma_semaphore, #tpu.memory_space<semaphore_mem>>)
      %dma_start3A_57 = tpu.memref_slice %arg8[%add3A_52] : memref<2048xi32, #tpu.memory_space<vmem>> -> memref<8xi32, #tpu.memory_space<vmem>>
      %dma_start3A_58 = arith.constant 0 : i32
      %dma_start3A_59 = arith.constant 0 : i32
      %dma_start3A_60 = tpu.memref_slice %arg6[%dma_start3A_58, %dma_start3A_59] : memref<16384x2048xf32, #tpu.memory_space<hbm>> -> memref<16384x2048xf32, #tpu.memory_space<hbm>>
      tpu.enqueue_indirect_dma source(%dma_start3A_60 : memref<16384x2048xf32, #tpu.memory_space<hbm>>) target(%arg14 : memref<8x2048xf32, #tpu.memory_space<vmem>>) offsets(%dma_start3A_57 : memref<8xi32, #tpu.memory_space<vmem>>) semaphore(%arg20 : memref<!tpu.dma_semaphore, #tpu.memory_space<semaphore_mem>>)
      %dma_wait3A_61 = tpu.memref_slice %arg10[%mul3A_48] : memref<4096xf32, #tpu.memory_space<vmem>> -> memref<2048xf32, #tpu.memory_space<vmem>>
      %dma_wait3A_62 = arith.constant 0 : i32
      %dma_wait3A_63 = tpu.memref_slice %arg2[%add3A_37, %dma_wait3A_62] : memref<4096x2048xf32, #tpu.memory_space<hbm>> -> memref<1x2048xf32, #tpu.memory_space<hbm>>
      %dma_wait3A_64 = tpu.memref_squeeze %dma_wait3A_63 : memref<1x2048xf32, #tpu.memory_space<hbm>> -> memref<2048xf32, #tpu.memory_space<hbm>>
      %dma_wait3A_65 = tpu.memref_slice %arg10[%mul3A_48] : memref<4096xf32, #tpu.memory_space<vmem>> -> memref<2048xf32, #tpu.memory_space<vmem>>
      %dma_wait3A_66 = arith.constant 0 : i32
      %dma_wait3A_67 = tpu.memref_slice %arg2[%add3A_37, %dma_wait3A_66] : memref<4096x2048xf32, #tpu.memory_space<hbm>> -> memref<1x2048xf32, #tpu.memory_space<hbm>>
      %dma_wait3A_68 = tpu.memref_squeeze %dma_wait3A_67 : memref<1x2048xf32, #tpu.memory_space<hbm>> -> memref<2048xf32, #tpu.memory_space<hbm>>
      tpu.wait_dma2 semaphore(%arg16 : memref<!tpu.dma_semaphore, #tpu.memory_space<semaphore_mem>>) src(%dma_wait3A_68 : memref<2048xf32, #tpu.memory_space<hbm>>) dst(%dma_wait3A_65 : memref<2048xf32, #tpu.memory_space<vmem>>)
      %lt3A_69 = arith.constant 127 : i32
      %lt3A_70 = arith.cmpi slt, %scan3A_36, %lt3A_69 : i32
      %convert_element_type3A = arith.extui %lt3A_70 : i1 to i32
      %cond3A = arith.constant 0 : i32
      %cond3A_71 = arith.cmpi ne, %convert_element_type3A, %cond3A : i32
      scf.if %cond3A_71 {
        %add3A_533 = arith.constant 1 : i32
        %add3A_534 = arith.addi %add3A_37, %add3A_533 : i32
        %sub3A_535 = arith.constant 2048 : i32
        %sub3A_536 = arith.subi %sub3A_535, %mul3A_48 : i32
        %dma_start3A_537 = tpu.memref_slice %arg10[%sub3A_536] : memref<4096xf32, #tpu.memory_space<vmem>> -> memref<2048xf32, #tpu.memory_space<vmem>>
        %dma_start3A_538 = arith.constant 0 : i32
        %dma_start3A_539 = tpu.memref_slice %arg2[%add3A_534, %dma_start3A_538] : memref<4096x2048xf32, #tpu.memory_space<hbm>> -> memref<1x2048xf32, #tpu.memory_space<hbm>>
        %dma_start3A_540 = tpu.memref_squeeze %dma_start3A_539 : memref<1x2048xf32, #tpu.memory_space<hbm>> -> memref<2048xf32, #tpu.memory_space<hbm>>
        %dma_start3A_541 = tpu.memref_slice %arg10[%sub3A_536] : memref<4096xf32, #tpu.memory_space<vmem>> -> memref<2048xf32, #tpu.memory_space<vmem>>
        %dma_start3A_542 = arith.constant 0 : i32
        %dma_start3A_543 = tpu.memref_slice %arg2[%add3A_534, %dma_start3A_542] : memref<4096x2048xf32, #tpu.memory_space<hbm>> -> memref<1x2048xf32, #tpu.memory_space<hbm>>
        %dma_start3A_544 = tpu.memref_squeeze %dma_start3A_543 : memref<1x2048xf32, #tpu.memory_space<hbm>> -> memref<2048xf32, #tpu.memory_space<hbm>>
        tpu.enqueue_dma source(%dma_start3A_544 : memref<2048xf32, #tpu.memory_space<hbm>>) target(%dma_start3A_541 : memref<2048xf32, #tpu.memory_space<vmem>>) target_semaphore(%arg16 : memref<!tpu.dma_semaphore, #tpu.memory_space<semaphore_mem>>)
      } else {
      }
      %mul3A_72 = arith.constant 16 : i32
      %mul3A_73 = arith.muli %scan3A_36, %mul3A_72 : i32
      %get3A = arith.index_cast %mul3A_73 : i32 to index
      %get3A_74 = tpu.vector_load %arg9[%get3A] {strides = array<i32>} : memref<2048xf32, #tpu.memory_space<vmem>>, vector<16xf32>,
      %dma_wait3A_75 = arith.constant 0 : i32
      %dma_wait3A_76 = arith.constant 0 : i32
      %dma_wait3A_77 = tpu.memref_slice %arg5[%dma_wait3A_75, %dma_wait3A_76] : memref<16384x2048xf32, #tpu.memory_space<hbm>> -> memref<8x2048xf32, #tpu.memory_space<hbm>>
      %dma_wait3A_78 = arith.constant 0 : i32
      %dma_wait3A_79 = arith.constant 0 : i32
      %dma_wait3A_80 = tpu.memref_slice %arg5[%dma_wait3A_78, %dma_wait3A_79] : memref<16384x2048xf32, #tpu.memory_space<hbm>> -> memref<8x2048xf32, #tpu.memory_space<hbm>>
      tpu.wait_dma2 semaphore(%arg17 : memref<!tpu.dma_semaphore, #tpu.memory_space<semaphore_mem>>) src(%dma_wait3A_80 : memref<8x2048xf32, #tpu.memory_space<hbm>>) dst(%arg11 : memref<8x2048xf32, #tpu.memory_space<vmem>>)
      %broadcast_in_dim3A = arith.constant 0.000000e+00 : f32
      %broadcast_in_dim3A_81 = vector.broadcast %broadcast_in_dim3A : f32 to vector<16xf32>
      %broadcast_in_dim3A_82 = arith.constant 0.000000e+00 : f32
      %broadcast_in_dim3A_83 = vector.broadcast %broadcast_in_dim3A_82 : f32 to vector<16xf32>
      %broadcast_in_dim3A_84 = arith.constant 0.000000e+00 : f32
      %broadcast_in_dim3A_85 = vector.broadcast %broadcast_in_dim3A_84 : f32 to vector<16xf32>
      %broadcast_in_dim3A_86 = arith.constant 0.000000e+00 : f32
      %broadcast_in_dim3A_87 = vector.broadcast %broadcast_in_dim3A_86 : f32 to vector<16xf32>
      %broadcast_in_dim3A_88 = arith.constant 0.000000e+00 : f32
      %broadcast_in_dim3A_89 = vector.broadcast %broadcast_in_dim3A_88 : f32 to vector<16xf32>
      %broadcast_in_dim3A_90 = arith.constant 0.000000e+00 : f32
      %broadcast_in_dim3A_91 = vector.broadcast %broadcast_in_dim3A_90 : f32 to vector<16xf32>
      %broadcast_in_dim3A_92 = arith.constant 0.000000e+00 : f32
      %broadcast_in_dim3A_93 = vector.broadcast %broadcast_in_dim3A_92 : f32 to vector<16xf32>
      %broadcast_in_dim3A_94 = arith.constant 0.000000e+00 : f32
      %broadcast_in_dim3A_95 = vector.broadcast %broadcast_in_dim3A_94 : f32 to vector<16xf32>
      %scan3A_96 = arith.constant 0 : i32
      %scan3A_97 = arith.constant 128 : i32
      %scan3A_98 = arith.addi %scan3A_96, %scan3A_97 : i32
      %scan3A_99 = arith.constant 1 : i32
      %scan3A_100:8 = scf.for %scan3A_533 = %scan3A_96 to %scan3A_98 step %scan3A_99 iter_args(%scan3A_534 = %broadcast_in_dim3A_81, %scan3A_535 = %broadcast_in_dim3A_83, %scan3A_536 = %broadcast_in_dim3A_85, %scan3A_537 = %broadcast_in_dim3A_87, %scan3A_538 = %broadcast_in_dim3A_89, %scan3A_539 = %broadcast_in_dim3A_91, %scan3A_540 = %broadcast_in_dim3A_93, %scan3A_541 = %broadcast_in_dim3A_95) -> (vector<16xf32>, vector<16xf32>, vector<16xf32>, vector<16xf32>, vector<16xf32>, vector<16xf32>, vector<16xf32>, vector<16xf32>)  : i32 {
        %mul3A_542 = arith.constant 16 : i32
        %mul3A_543 = arith.muli %scan3A_533, %mul3A_542 : i32
        %multiple_of3A = tpu.assume_multiple %mul3A_543, 16 : i32
        %add3A_544 = arith.addi %mul3A_48, %multiple_of3A : i32
        %get3A_545 = arith.index_cast %add3A_544 : i32 to index
        %get3A_546 = tpu.vector_load %arg10[%get3A_545] {strides = array<i32>} : memref<4096xf32, #tpu.memory_space<vmem>>, vector<16xf32>,
        %get3A_547 = arith.constant 0 : i32
        %get3A_548 = arith.index_cast %get3A_547 : i32 to index
        %get3A_549 = arith.index_cast %multiple_of3A : i32 to index
        %get3A_550 = tpu.vector_load %arg11[%get3A_548, %get3A_549] {strides = array<i32>} : memref<8x2048xf32, #tpu.memory_space<vmem>>, vector<16xf32>,
        %mul3A_551 = arith.mulf %get3A_546, %get3A_550 : vector<16xf32>
        %add3A_552 = arith.addf %scan3A_534, %mul3A_551 : vector<16xf32>
        %get3A_553 = arith.constant 1 : i32
        %get3A_554 = arith.index_cast %get3A_553 : i32 to index
        %get3A_555 = arith.index_cast %multiple_of3A : i32 to index
        %get3A_556 = tpu.vector_load %arg11[%get3A_554, %get3A_555] {strides = array<i32>} : memref<8x2048xf32, #tpu.memory_space<vmem>>, vector<16xf32>,
        %mul3A_557 = arith.mulf %get3A_546, %get3A_556 : vector<16xf32>
        %add3A_558 = arith.addf %scan3A_535, %mul3A_557 : vector<16xf32>
        %get3A_559 = arith.constant 2 : i32
        %get3A_560 = arith.index_cast %get3A_559 : i32 to index
        %get3A_561 = arith.index_cast %multiple_of3A : i32 to index
        %get3A_562 = tpu.vector_load %arg11[%get3A_560, %get3A_561] {strides = array<i32>} : memref<8x2048xf32, #tpu.memory_space<vmem>>, vector<16xf32>,
        %mul3A_563 = arith.mulf %get3A_546, %get3A_562 : vector<16xf32>
        %add3A_564 = arith.addf %scan3A_536, %mul3A_563 : vector<16xf32>
        %get3A_565 = arith.constant 3 : i32
        %get3A_566 = arith.index_cast %get3A_565 : i32 to index
        %get3A_567 = arith.index_cast %multiple_of3A : i32 to index
        %get3A_568 = tpu.vector_load %arg11[%get3A_566, %get3A_567] {strides = array<i32>} : memref<8x2048xf32, #tpu.memory_space<vmem>>, vector<16xf32>,
        %mul3A_569 = arith.mulf %get3A_546, %get3A_568 : vector<16xf32>
        %add3A_570 = arith.addf %scan3A_537, %mul3A_569 : vector<16xf32>
        %get3A_571 = arith.constant 4 : i32
        %get3A_572 = arith.index_cast %get3A_571 : i32 to index
        %get3A_573 = arith.index_cast %multiple_of3A : i32 to index
        %get3A_574 = tpu.vector_load %arg11[%get3A_572, %get3A_573] {strides = array<i32>} : memref<8x2048xf32, #tpu.memory_space<vmem>>, vector<16xf32>,
        %mul3A_575 = arith.mulf %get3A_546, %get3A_574 : vector<16xf32>
        %add3A_576 = arith.addf %scan3A_538, %mul3A_575 : vector<16xf32>
        %get3A_577 = arith.constant 5 : i32
        %get3A_578 = arith.index_cast %get3A_577 : i32 to index
        %get3A_579 = arith.index_cast %multiple_of3A : i32 to index
        %get3A_580 = tpu.vector_load %arg11[%get3A_578, %get3A_579] {strides = array<i32>} : memref<8x2048xf32, #tpu.memory_space<vmem>>, vector<16xf32>,
        %mul3A_581 = arith.mulf %get3A_546, %get3A_580 : vector<16xf32>
        %add3A_582 = arith.addf %scan3A_539, %mul3A_581 : vector<16xf32>
        %get3A_583 = arith.constant 6 : i32
        %get3A_584 = arith.index_cast %get3A_583 : i32 to index
        %get3A_585 = arith.index_cast %multiple_of3A : i32 to index
        %get3A_586 = tpu.vector_load %arg11[%get3A_584, %get3A_585] {strides = array<i32>} : memref<8x2048xf32, #tpu.memory_space<vmem>>, vector<16xf32>,
        %mul3A_587 = arith.mulf %get3A_546, %get3A_586 : vector<16xf32>
        %add3A_588 = arith.addf %scan3A_540, %mul3A_587 : vector<16xf32>
        %get3A_589 = arith.constant 7 : i32
        %get3A_590 = arith.index_cast %get3A_589 : i32 to index
        %get3A_591 = arith.index_cast %multiple_of3A : i32 to index
        %get3A_592 = tpu.vector_load %arg11[%get3A_590, %get3A_591] {strides = array<i32>} : memref<8x2048xf32, #tpu.memory_space<vmem>>, vector<16xf32>,
        %mul3A_593 = arith.mulf %get3A_546, %get3A_592 : vector<16xf32>
        %add3A_594 = arith.addf %scan3A_541, %mul3A_593 : vector<16xf32>
        scf.yield %add3A_552, %add3A_558, %add3A_564, %add3A_570, %add3A_576, %add3A_582, %add3A_588, %add3A_594 : vector<16xf32>, vector<16xf32>, vector<16xf32>, vector<16xf32>, vector<16xf32>, vector<16xf32>, vector<16xf32>, vector<16xf32>
      }
      %scan3A_101 = arith.constant 128 : i32
      %broadcast_in_dim3A_102 = arith.constant 0.000000e+00 : f32
      %broadcast_in_dim3A_103 = vector.broadcast %broadcast_in_dim3A_102 : f32 to vector<16xf32>
      %eq3A_104 = arith.constant 0 : i32
      %eq3A_105 = vector.broadcast %eq3A_104 : i32 to vector<16xi32>
      %eq3A_106 = arith.cmpi eq, %iota3A, %eq3A_105 : vector<16xi32>
      %reduce_sum3A = arith.constant true
      %reduce_sum3A_107 = vector.broadcast %reduce_sum3A : i1 to vector<16xi1>
      %reduce_sum3A_108 = tpu.scan <sum>, %scan3A_100#0 masked %reduce_sum3A_107 : vector<16xf32>, vector<16xi1> -> vector<16xf32>
      %reduce_sum3A_109 = vector.extract %reduce_sum3A_108[15] : f32 from vector<16xf32>
      %broadcast_in_dim3A_110 = vector.broadcast %reduce_sum3A_109 : f32 to vector<16xf32>
      %select_n3A_111 = arith.select %eq3A_106, %broadcast_in_dim3A_110, %broadcast_in_dim3A_103 : vector<16xi1>, vector<16xf32>
      %eq3A_112 = arith.constant 1 : i32
      %eq3A_113 = vector.broadcast %eq3A_112 : i32 to vector<16xi32>
      %eq3A_114 = arith.cmpi eq, %iota3A, %eq3A_113 : vector<16xi32>
      %reduce_sum3A_115 = arith.constant true
      %reduce_sum3A_116 = vector.broadcast %reduce_sum3A_115 : i1 to vector<16xi1>
      %reduce_sum3A_117 = tpu.scan <sum>, %scan3A_100#1 masked %reduce_sum3A_116 : vector<16xf32>, vector<16xi1> -> vector<16xf32>
      %reduce_sum3A_118 = vector.extract %reduce_sum3A_117[15] : f32 from vector<16xf32>
      %broadcast_in_dim3A_119 = vector.broadcast %reduce_sum3A_118 : f32 to vector<16xf32>
      %select_n3A_120 = arith.select %eq3A_114, %broadcast_in_dim3A_119, %select_n3A_111 : vector<16xi1>, vector<16xf32>
      %eq3A_121 = arith.constant 2 : i32
      %eq3A_122 = vector.broadcast %eq3A_121 : i32 to vector<16xi32>
      %eq3A_123 = arith.cmpi eq, %iota3A, %eq3A_122 : vector<16xi32>
      %reduce_sum3A_124 = arith.constant true
      %reduce_sum3A_125 = vector.broadcast %reduce_sum3A_124 : i1 to vector<16xi1>
      %reduce_sum3A_126 = tpu.scan <sum>, %scan3A_100#2 masked %reduce_sum3A_125 : vector<16xf32>, vector<16xi1> -> vector<16xf32>
      %reduce_sum3A_127 = vector.extract %reduce_sum3A_126[15] : f32 from vector<16xf32>
      %broadcast_in_dim3A_128 = vector.broadcast %reduce_sum3A_127 : f32 to vector<16xf32>
      %select_n3A_129 = arith.select %eq3A_123, %broadcast_in_dim3A_128, %select_n3A_120 : vector<16xi1>, vector<16xf32>
      %eq3A_130 = arith.constant 3 : i32
      %eq3A_131 = vector.broadcast %eq3A_130 : i32 to vector<16xi32>
      %eq3A_132 = arith.cmpi eq, %iota3A, %eq3A_131 : vector<16xi32>
      %reduce_sum3A_133 = arith.constant true
      %reduce_sum3A_134 = vector.broadcast %reduce_sum3A_133 : i1 to vector<16xi1>
      %reduce_sum3A_135 = tpu.scan <sum>, %scan3A_100#3 masked %reduce_sum3A_134 : vector<16xf32>, vector<16xi1> -> vector<16xf32>
      %reduce_sum3A_136 = vector.extract %reduce_sum3A_135[15] : f32 from vector<16xf32>
      %broadcast_in_dim3A_137 = vector.broadcast %reduce_sum3A_136 : f32 to vector<16xf32>
      %select_n3A_138 = arith.select %eq3A_132, %broadcast_in_dim3A_137, %select_n3A_129 : vector<16xi1>, vector<16xf32>
      %eq3A_139 = arith.constant 4 : i32
      %eq3A_140 = vector.broadcast %eq3A_139 : i32 to vector<16xi32>
      %eq3A_141 = arith.cmpi eq, %iota3A, %eq3A_140 : vector<16xi32>
      %reduce_sum3A_142 = arith.constant true
      %reduce_sum3A_143 = vector.broadcast %reduce_sum3A_142 : i1 to vector<16xi1>
      %reduce_sum3A_144 = tpu.scan <sum>, %scan3A_100#4 masked %reduce_sum3A_143 : vector<16xf32>, vector<16xi1> -> vector<16xf32>
      %reduce_sum3A_145 = vector.extract %reduce_sum3A_144[15] : f32 from vector<16xf32>
      %broadcast_in_dim3A_146 = vector.broadcast %reduce_sum3A_145 : f32 to vector<16xf32>
      %select_n3A_147 = arith.select %eq3A_141, %broadcast_in_dim3A_146, %select_n3A_138 : vector<16xi1>, vector<16xf32>
      %eq3A_148 = arith.constant 5 : i32
      %eq3A_149 = vector.broadcast %eq3A_148 : i32 to vector<16xi32>
      %eq3A_150 = arith.cmpi eq, %iota3A, %eq3A_149 : vector<16xi32>
      %reduce_sum3A_151 = arith.constant true
      %reduce_sum3A_152 = vector.broadcast %reduce_sum3A_151 : i1 to vector<16xi1>
      %reduce_sum3A_153 = tpu.scan <sum>, %scan3A_100#5 masked %reduce_sum3A_152 : vector<16xf32>, vector<16xi1> -> vector<16xf32>
      %reduce_sum3A_154 = vector.extract %reduce_sum3A_153[15] : f32 from vector<16xf32>
      %broadcast_in_dim3A_155 = vector.broadcast %reduce_sum3A_154 : f32 to vector<16xf32>
      %select_n3A_156 = arith.select %eq3A_150, %broadcast_in_dim3A_155, %select_n3A_147 : vector<16xi1>, vector<16xf32>
      %eq3A_157 = arith.constant 6 : i32
      %eq3A_158 = vector.broadcast %eq3A_157 : i32 to vector<16xi32>
      %eq3A_159 = arith.cmpi eq, %iota3A, %eq3A_158 : vector<16xi32>
      %reduce_sum3A_160 = arith.constant true
      %reduce_sum3A_161 = vector.broadcast %reduce_sum3A_160 : i1 to vector<16xi1>
      %reduce_sum3A_162 = tpu.scan <sum>, %scan3A_100#6 masked %reduce_sum3A_161 : vector<16xf32>, vector<16xi1> -> vector<16xf32>
      %reduce_sum3A_163 = vector.extract %reduce_sum3A_162[15] : f32 from vector<16xf32>
      %broadcast_in_dim3A_164 = vector.broadcast %reduce_sum3A_163 : f32 to vector<16xf32>
      %select_n3A_165 = arith.select %eq3A_159, %broadcast_in_dim3A_164, %select_n3A_156 : vector<16xi1>, vector<16xf32>
      %eq3A_166 = arith.constant 7 : i32
      %eq3A_167 = vector.broadcast %eq3A_166 : i32 to vector<16xi32>
      %eq3A_168 = arith.cmpi eq, %iota3A, %eq3A_167 : vector<16xi32>
      %reduce_sum3A_169 = arith.constant true
      %reduce_sum3A_170 = vector.broadcast %reduce_sum3A_169 : i1 to vector<16xi1>
      %reduce_sum3A_171 = tpu.scan <sum>, %scan3A_100#7 masked %reduce_sum3A_170 : vector<16xf32>, vector<16xi1> -> vector<16xf32>
      %reduce_sum3A_172 = vector.extract %reduce_sum3A_171[15] : f32 from vector<16xf32>
      %broadcast_in_dim3A_173 = vector.broadcast %reduce_sum3A_172 : f32 to vector<16xf32>
      %select_n3A_174 = arith.select %eq3A_168, %broadcast_in_dim3A_173, %select_n3A_165 : vector<16xi1>, vector<16xf32>
      %mul3A_175 = arith.constant 4.471500e-02 : f32
      %mul3A_176 = vector.broadcast %mul3A_175 : f32 to vector<16xf32>
      %mul3A_177 = arith.mulf %mul3A_176, %select_n3A_174 : vector<16xf32>
      %mul3A_178 = arith.mulf %mul3A_177, %select_n3A_174 : vector<16xf32>
      %mul3A_179 = arith.mulf %mul3A_178, %select_n3A_174 : vector<16xf32>
      %add3A_180 = arith.addf %select_n3A_174, %mul3A_179 : vector<16xf32>
      %mul3A_181 = arith.constant 0.797884583 : f32
      %mul3A_182 = vector.broadcast %mul3A_181 : f32 to vector<16xf32>
      %mul3A_183 = arith.mulf %mul3A_182, %add3A_180 : vector<16xf32>
      %mul3A_184 = arith.constant 2.000000e+00 : f32
      %mul3A_185 = vector.broadcast %mul3A_184 : f32 to vector<16xf32>
      %mul3A_186 = arith.mulf %mul3A_185, %mul3A_183 : vector<16xf32>
      %exp3A = math.exp %mul3A_186 : vector<16xf32>
      %add3A_187 = arith.constant 1.000000e+00 : f32
      %add3A_188 = vector.broadcast %add3A_187 : f32 to vector<16xf32>
      %add3A_189 = arith.addf %exp3A, %add3A_188 : vector<16xf32>
      %div3A = arith.constant 2.000000e+00 : f32
      %div3A_190 = vector.broadcast %div3A : f32 to vector<16xf32>
      %div3A_191 = arith.divf %div3A_190, %add3A_189 : vector<16xf32>
      %sub3A = arith.constant 1.000000e+00 : f32
      %sub3A_192 = vector.broadcast %sub3A : f32 to vector<16xf32>
      %sub3A_193 = arith.subf %sub3A_192, %div3A_191 : vector<16xf32>
      %mul3A_194 = arith.constant 5.000000e-01 : f32
      %mul3A_195 = vector.broadcast %mul3A_194 : f32 to vector<16xf32>
      %mul3A_196 = arith.mulf %mul3A_195, %select_n3A_174 : vector<16xf32>
      %add3A_197 = arith.constant 1.000000e+00 : f32
      %add3A_198 = vector.broadcast %add3A_197 : f32 to vector<16xf32>
      %add3A_199 = arith.addf %add3A_198, %sub3A_193 : vector<16xf32>
      %mul3A_200 = arith.mulf %mul3A_196, %add3A_199 : vector<16xf32>
      %mul3A_201 = arith.mulf %get3A_74, %mul3A_200 : vector<16xf32>
      %eq3A_202 = arith.constant 0 : i32
      %eq3A_203 = vector.broadcast %eq3A_202 : i32 to vector<16xi32>
      %eq3A_204 = arith.cmpi eq, %iota3A, %eq3A_203 : vector<16xi32>
      %jit3A_205 = arith.constant 0.000000e+00 : f32
      %broadcast_in_dim3A_206 = vector.broadcast %jit3A_205 : f32 to vector<16xf32>
      %select_n3A_207 = arith.select %eq3A_204, %mul3A_201, %broadcast_in_dim3A_206 : vector<16xi1>, vector<16xf32>
      %reduce_sum3A_208 = arith.constant true
      %reduce_sum3A_209 = vector.broadcast %reduce_sum3A_208 : i1 to vector<16xi1>
      %reduce_sum3A_210 = tpu.scan <sum>, %select_n3A_207 masked %reduce_sum3A_209 : vector<16xf32>, vector<16xi1> -> vector<16xf32>
      %reduce_sum3A_211 = vector.extract %reduce_sum3A_210[15] : f32 from vector<16xf32>
      %eq3A_212 = arith.constant 1 : i32
      %eq3A_213 = vector.broadcast %eq3A_212 : i32 to vector<16xi32>
      %eq3A_214 = arith.cmpi eq, %iota3A, %eq3A_213 : vector<16xi32>
      %jit3A_215 = arith.constant 0.000000e+00 : f32
      %broadcast_in_dim3A_216 = vector.broadcast %jit3A_215 : f32 to vector<16xf32>
      %select_n3A_217 = arith.select %eq3A_214, %mul3A_201, %broadcast_in_dim3A_216 : vector<16xi1>, vector<16xf32>
      %reduce_sum3A_218 = arith.constant true
      %reduce_sum3A_219 = vector.broadcast %reduce_sum3A_218 : i1 to vector<16xi1>
      %reduce_sum3A_220 = tpu.scan <sum>, %select_n3A_217 masked %reduce_sum3A_219 : vector<16xf32>, vector<16xi1> -> vector<16xf32>
      %reduce_sum3A_221 = vector.extract %reduce_sum3A_220[15] : f32 from vector<16xf32>
      %eq3A_222 = arith.constant 2 : i32
      %eq3A_223 = vector.broadcast %eq3A_222 : i32 to vector<16xi32>
      %eq3A_224 = arith.cmpi eq, %iota3A, %eq3A_223 : vector<16xi32>
      %jit3A_225 = arith.constant 0.000000e+00 : f32
      %broadcast_in_dim3A_226 = vector.broadcast %jit3A_225 : f32 to vector<16xf32>
      %select_n3A_227 = arith.select %eq3A_224, %mul3A_201, %broadcast_in_dim3A_226 : vector<16xi1>, vector<16xf32>
      %reduce_sum3A_228 = arith.constant true
      %reduce_sum3A_229 = vector.broadcast %reduce_sum3A_228 : i1 to vector<16xi1>
      %reduce_sum3A_230 = tpu.scan <sum>, %select_n3A_227 masked %reduce_sum3A_229 : vector<16xf32>, vector<16xi1> -> vector<16xf32>
      %reduce_sum3A_231 = vector.extract %reduce_sum3A_230[15] : f32 from vector<16xf32>
      %eq3A_232 = arith.constant 3 : i32
      %eq3A_233 = vector.broadcast %eq3A_232 : i32 to vector<16xi32>
      %eq3A_234 = arith.cmpi eq, %iota3A, %eq3A_233 : vector<16xi32>
      %jit3A_235 = arith.constant 0.000000e+00 : f32
      %broadcast_in_dim3A_236 = vector.broadcast %jit3A_235 : f32 to vector<16xf32>
      %select_n3A_237 = arith.select %eq3A_234, %mul3A_201, %broadcast_in_dim3A_236 : vector<16xi1>, vector<16xf32>
      %reduce_sum3A_238 = arith.constant true
      %reduce_sum3A_239 = vector.broadcast %reduce_sum3A_238 : i1 to vector<16xi1>
      %reduce_sum3A_240 = tpu.scan <sum>, %select_n3A_237 masked %reduce_sum3A_239 : vector<16xf32>, vector<16xi1> -> vector<16xf32>
      %reduce_sum3A_241 = vector.extract %reduce_sum3A_240[15] : f32 from vector<16xf32>
      %eq3A_242 = arith.constant 4 : i32
      %eq3A_243 = vector.broadcast %eq3A_242 : i32 to vector<16xi32>
      %eq3A_244 = arith.cmpi eq, %iota3A, %eq3A_243 : vector<16xi32>
      %jit3A_245 = arith.constant 0.000000e+00 : f32
      %broadcast_in_dim3A_246 = vector.broadcast %jit3A_245 : f32 to vector<16xf32>
      %select_n3A_247 = arith.select %eq3A_244, %mul3A_201, %broadcast_in_dim3A_246 : vector<16xi1>, vector<16xf32>
      %reduce_sum3A_248 = arith.constant true
      %reduce_sum3A_249 = vector.broadcast %reduce_sum3A_248 : i1 to vector<16xi1>
      %reduce_sum3A_250 = tpu.scan <sum>, %select_n3A_247 masked %reduce_sum3A_249 : vector<16xf32>, vector<16xi1> -> vector<16xf32>
      %reduce_sum3A_251 = vector.extract %reduce_sum3A_250[15] : f32 from vector<16xf32>
      %eq3A_252 = arith.constant 5 : i32
      %eq3A_253 = vector.broadcast %eq3A_252 : i32 to vector<16xi32>
      %eq3A_254 = arith.cmpi eq, %iota3A, %eq3A_253 : vector<16xi32>
      %jit3A_255 = arith.constant 0.000000e+00 : f32
      %broadcast_in_dim3A_256 = vector.broadcast %jit3A_255 : f32 to vector<16xf32>
      %select_n3A_257 = arith.select %eq3A_254, %mul3A_201, %broadcast_in_dim3A_256 : vector<16xi1>, vector<16xf32>
      %reduce_sum3A_258 = arith.constant true
      %reduce_sum3A_259 = vector.broadcast %reduce_sum3A_258 : i1 to vector<16xi1>
      %reduce_sum3A_260 = tpu.scan <sum>, %select_n3A_257 masked %reduce_sum3A_259 : vector<16xf32>, vector<16xi1> -> vector<16xf32>
      %reduce_sum3A_261 = vector.extract %reduce_sum3A_260[15] : f32 from vector<16xf32>
      %eq3A_262 = arith.constant 6 : i32
      %eq3A_263 = vector.broadcast %eq3A_262 : i32 to vector<16xi32>
      %eq3A_264 = arith.cmpi eq, %iota3A, %eq3A_263 : vector<16xi32>
      %jit3A_265 = arith.constant 0.000000e+00 : f32
      %broadcast_in_dim3A_266 = vector.broadcast %jit3A_265 : f32 to vector<16xf32>
      %select_n3A_267 = arith.select %eq3A_264, %mul3A_201, %broadcast_in_dim3A_266 : vector<16xi1>, vector<16xf32>
      %reduce_sum3A_268 = arith.constant true
      %reduce_sum3A_269 = vector.broadcast %reduce_sum3A_268 : i1 to vector<16xi1>
      %reduce_sum3A_270 = tpu.scan <sum>, %select_n3A_267 masked %reduce_sum3A_269 : vector<16xf32>, vector<16xi1> -> vector<16xf32>
      %reduce_sum3A_271 = vector.extract %reduce_sum3A_270[15] : f32 from vector<16xf32>
      %eq3A_272 = arith.constant 7 : i32
      %eq3A_273 = vector.broadcast %eq3A_272 : i32 to vector<16xi32>
      %eq3A_274 = arith.cmpi eq, %iota3A, %eq3A_273 : vector<16xi32>
      %jit3A_275 = arith.constant 0.000000e+00 : f32
      %broadcast_in_dim3A_276 = vector.broadcast %jit3A_275 : f32 to vector<16xf32>
      %select_n3A_277 = arith.select %eq3A_274, %mul3A_201, %broadcast_in_dim3A_276 : vector<16xi1>, vector<16xf32>
      %reduce_sum3A_278 = arith.constant true
      %reduce_sum3A_279 = vector.broadcast %reduce_sum3A_278 : i1 to vector<16xi1>
      %reduce_sum3A_280 = tpu.scan <sum>, %select_n3A_277 masked %reduce_sum3A_279 : vector<16xf32>, vector<16xi1> -> vector<16xf32>
      %reduce_sum3A_281 = vector.extract %reduce_sum3A_280[15] : f32 from vector<16xf32>
      %gt3A = arith.constant 0 : i32
      %gt3A_282 = arith.cmpi sgt, %scan3A_36, %gt3A : i32
      %convert_element_type3A_283 = arith.extui %gt3A_282 : i1 to i32
      %cond3A_284 = arith.constant 0 : i32
      %cond3A_285 = arith.cmpi ne, %convert_element_type3A_283, %cond3A_284 : i32
      scf.if %cond3A_285 {
        %dma_wait3A_533 = arith.constant 0 : i32
        %dma_wait3A_534 = tpu.memref_slice %arg7[%add3A_37, %dma_wait3A_533] : memref<4096x2048xf32, #tpu.memory_space<hbm>> -> memref<1x2048xf32, #tpu.memory_space<hbm>>
        %dma_wait3A_535 = tpu.memref_squeeze %dma_wait3A_534 : memref<1x2048xf32, #tpu.memory_space<hbm>> -> memref<2048xf32, #tpu.memory_space<hbm>>
        %dma_wait3A_536 = arith.constant 0 : i32
        %dma_wait3A_537 = tpu.memref_slice %arg7[%add3A_37, %dma_wait3A_536] : memref<4096x2048xf32, #tpu.memory_space<hbm>> -> memref<1x2048xf32, #tpu.memory_space<hbm>>
        %dma_wait3A_538 = tpu.memref_squeeze %dma_wait3A_537 : memref<1x2048xf32, #tpu.memory_space<hbm>> -> memref<2048xf32, #tpu.memory_space<hbm>>
        tpu.wait_dma2 semaphore(%arg21 : memref<!tpu.dma_semaphore, #tpu.memory_space<semaphore_mem>>) src(%arg15 : memref<2048xf32, #tpu.memory_space<vmem>>) dst(%dma_wait3A_538 : memref<2048xf32, #tpu.memory_space<hbm>>)
      } else {
      }
      %dma_wait3A_286 = arith.constant 0 : i32
      %dma_wait3A_287 = arith.constant 0 : i32
      %dma_wait3A_288 = tpu.memref_slice %arg6[%dma_wait3A_286, %dma_wait3A_287] : memref<16384x2048xf32, #tpu.memory_space<hbm>> -> memref<8x2048xf32, #tpu.memory_space<hbm>>
      %dma_wait3A_289 = arith.constant 0 : i32
      %dma_wait3A_290 = arith.constant 0 : i32
      %dma_wait3A_291 = tpu.memref_slice %arg6[%dma_wait3A_289, %dma_wait3A_290] : memref<16384x2048xf32, #tpu.memory_space<hbm>> -> memref<8x2048xf32, #tpu.memory_space<hbm>>
      tpu.wait_dma2 semaphore(%arg18 : memref<!tpu.dma_semaphore, #tpu.memory_space<semaphore_mem>>) src(%dma_wait3A_291 : memref<8x2048xf32, #tpu.memory_space<hbm>>) dst(%arg13 : memref<8x2048xf32, #tpu.memory_space<vmem>>)
      %scan3A_292 = arith.constant 0 : i32
      %scan3A_293 = arith.constant 0 : i32
      %scan3A_294 = arith.constant 128 : i32
      %scan3A_295 = arith.addi %scan3A_293, %scan3A_294 : i32
      %scan3A_296 = arith.constant 1 : i32
      scf.for %scan3A_533 = %scan3A_293 to %scan3A_295 step %scan3A_296  : i32 {
        %mul3A_534 = arith.constant 16 : i32
        %mul3A_535 = arith.muli %scan3A_533, %mul3A_534 : i32
        %multiple_of3A = tpu.assume_multiple %mul3A_535, 16 : i32
        %get3A_536 = arith.constant 0 : i32
        %get3A_537 = arith.index_cast %get3A_536 : i32 to index
        %get3A_538 = arith.index_cast %multiple_of3A : i32 to index
        %get3A_539 = tpu.vector_load %arg13[%get3A_537, %get3A_538] {strides = array<i32>} : memref<8x2048xf32, #tpu.memory_space<vmem>>, vector<16xf32>,
        %mul3A_540 = vector.broadcast %reduce_sum3A_211 : f32 to vector<16xf32>
        %mul3A_541 = arith.mulf %mul3A_540, %get3A_539 : vector<16xf32>
        %get3A_542 = arith.constant 1 : i32
        %get3A_543 = arith.index_cast %get3A_542 : i32 to index
        %get3A_544 = arith.index_cast %multiple_of3A : i32 to index
        %get3A_545 = tpu.vector_load %arg13[%get3A_543, %get3A_544] {strides = array<i32>} : memref<8x2048xf32, #tpu.memory_space<vmem>>, vector<16xf32>,
        %mul3A_546 = vector.broadcast %reduce_sum3A_221 : f32 to vector<16xf32>
        %mul3A_547 = arith.mulf %mul3A_546, %get3A_545 : vector<16xf32>
        %add3A_548 = arith.addf %mul3A_541, %mul3A_547 : vector<16xf32>
        %get3A_549 = arith.constant 2 : i32
        %get3A_550 = arith.index_cast %get3A_549 : i32 to index
        %get3A_551 = arith.index_cast %multiple_of3A : i32 to index
        %get3A_552 = tpu.vector_load %arg13[%get3A_550, %get3A_551] {strides = array<i32>} : memref<8x2048xf32, #tpu.memory_space<vmem>>, vector<16xf32>,
        %mul3A_553 = vector.broadcast %reduce_sum3A_231 : f32 to vector<16xf32>
        %mul3A_554 = arith.mulf %mul3A_553, %get3A_552 : vector<16xf32>
        %add3A_555 = arith.addf %add3A_548, %mul3A_554 : vector<16xf32>
        %get3A_556 = arith.constant 3 : i32
        %get3A_557 = arith.index_cast %get3A_556 : i32 to index
        %get3A_558 = arith.index_cast %multiple_of3A : i32 to index
        %get3A_559 = tpu.vector_load %arg13[%get3A_557, %get3A_558] {strides = array<i32>} : memref<8x2048xf32, #tpu.memory_space<vmem>>, vector<16xf32>,
        %mul3A_560 = vector.broadcast %reduce_sum3A_241 : f32 to vector<16xf32>
        %mul3A_561 = arith.mulf %mul3A_560, %get3A_559 : vector<16xf32>
        %add3A_562 = arith.addf %add3A_555, %mul3A_561 : vector<16xf32>
        %get3A_563 = arith.constant 4 : i32
        %get3A_564 = arith.index_cast %get3A_563 : i32 to index
        %get3A_565 = arith.index_cast %multiple_of3A : i32 to index
        %get3A_566 = tpu.vector_load %arg13[%get3A_564, %get3A_565] {strides = array<i32>} : memref<8x2048xf32, #tpu.memory_space<vmem>>, vector<16xf32>,
        %mul3A_567 = vector.broadcast %reduce_sum3A_251 : f32 to vector<16xf32>
        %mul3A_568 = arith.mulf %mul3A_567, %get3A_566 : vector<16xf32>
        %add3A_569 = arith.addf %add3A_562, %mul3A_568 : vector<16xf32>
        %get3A_570 = arith.constant 5 : i32
        %get3A_571 = arith.index_cast %get3A_570 : i32 to index
        %get3A_572 = arith.index_cast %multiple_of3A : i32 to index
        %get3A_573 = tpu.vector_load %arg13[%get3A_571, %get3A_572] {strides = array<i32>} : memref<8x2048xf32, #tpu.memory_space<vmem>>, vector<16xf32>,
        %mul3A_574 = vector.broadcast %reduce_sum3A_261 : f32 to vector<16xf32>
        %mul3A_575 = arith.mulf %mul3A_574, %get3A_573 : vector<16xf32>
        %add3A_576 = arith.addf %add3A_569, %mul3A_575 : vector<16xf32>
        %get3A_577 = arith.constant 6 : i32
        %get3A_578 = arith.index_cast %get3A_577 : i32 to index
        %get3A_579 = arith.index_cast %multiple_of3A : i32 to index
        %get3A_580 = tpu.vector_load %arg13[%get3A_578, %get3A_579] {strides = array<i32>} : memref<8x2048xf32, #tpu.memory_space<vmem>>, vector<16xf32>,
        %mul3A_581 = vector.broadcast %reduce_sum3A_271 : f32 to vector<16xf32>
        %mul3A_582 = arith.mulf %mul3A_581, %get3A_580 : vector<16xf32>
        %add3A_583 = arith.addf %add3A_576, %mul3A_582 : vector<16xf32>
        %get3A_584 = arith.constant 7 : i32
        %get3A_585 = arith.index_cast %get3A_584 : i32 to index
        %get3A_586 = arith.index_cast %multiple_of3A : i32 to index
        %get3A_587 = tpu.vector_load %arg13[%get3A_585, %get3A_586] {strides = array<i32>} : memref<8x2048xf32, #tpu.memory_space<vmem>>, vector<16xf32>,
        %mul3A_588 = vector.broadcast %reduce_sum3A_281 : f32 to vector<16xf32>
        %mul3A_589 = arith.mulf %mul3A_588, %get3A_587 : vector<16xf32>
        %add3A_590 = arith.addf %add3A_583, %mul3A_589 : vector<16xf32>
        %swap3A = arith.index_cast %multiple_of3A : i32 to index
        %swap3A_591 = tpu.vector_load %arg15[%swap3A] {strides = array<i32>} : memref<2048xf32, #tpu.memory_space<vmem>>, vector<16xf32>,
        tpu.vector_store %arg15[%swap3A], %add3A_590 {strides = array<i32>} : memref<2048xf32, #tpu.memory_space<vmem>>, vector<16xf32>,
      }
      %scan3A_297 = arith.constant 128 : i32
      %lt3A_298 = arith.constant 127 : i32
      %lt3A_299 = arith.cmpi slt, %scan3A_36, %lt3A_298 : i32
      %convert_element_type3A_300 = arith.extui %lt3A_299 : i1 to i32
      %cond3A_301 = arith.constant 0 : i32
      %cond3A_302 = arith.cmpi ne, %convert_element_type3A_300, %cond3A_301 : i32
      scf.if %cond3A_302 {
        %add3A_533 = arith.constant 1 : i32
        %add3A_534 = arith.addi %scan3A_36, %add3A_533 : i32
        %mul3A_535 = arith.constant 16 : i32
        %mul3A_536 = arith.muli %add3A_534, %mul3A_535 : i32
        %add3A_537 = arith.constant 0 : i32
        %add3A_538 = arith.addi %mul3A_536, %add3A_537 : i32
        %dma_start3A_539 = tpu.memref_slice %arg8[%add3A_538] : memref<2048xi32, #tpu.memory_space<vmem>> -> memref<8xi32, #tpu.memory_space<vmem>>
        %dma_start3A_540 = arith.constant 0 : i32
        %dma_start3A_541 = arith.constant 0 : i32
        %dma_start3A_542 = tpu.memref_slice %arg5[%dma_start3A_540, %dma_start3A_541] : memref<16384x2048xf32, #tpu.memory_space<hbm>> -> memref<16384x2048xf32, #tpu.memory_space<hbm>>
        tpu.enqueue_indirect_dma source(%dma_start3A_542 : memref<16384x2048xf32, #tpu.memory_space<hbm>>) target(%arg11 : memref<8x2048xf32, #tpu.memory_space<vmem>>) offsets(%dma_start3A_539 : memref<8xi32, #tpu.memory_space<vmem>>) semaphore(%arg17 : memref<!tpu.dma_semaphore, #tpu.memory_space<semaphore_mem>>)
        %dma_start3A_543 = tpu.memref_slice %arg8[%add3A_538] : memref<2048xi32, #tpu.memory_space<vmem>> -> memref<8xi32, #tpu.memory_space<vmem>>
        %dma_start3A_544 = arith.constant 0 : i32
        %dma_start3A_545 = arith.constant 0 : i32
        %dma_start3A_546 = tpu.memref_slice %arg6[%dma_start3A_544, %dma_start3A_545] : memref<16384x2048xf32, #tpu.memory_space<hbm>> -> memref<16384x2048xf32, #tpu.memory_space<hbm>>
        tpu.enqueue_indirect_dma source(%dma_start3A_546 : memref<16384x2048xf32, #tpu.memory_space<hbm>>) target(%arg13 : memref<8x2048xf32, #tpu.memory_space<vmem>>) offsets(%dma_start3A_543 : memref<8xi32, #tpu.memory_space<vmem>>) semaphore(%arg18 : memref<!tpu.dma_semaphore, #tpu.memory_space<semaphore_mem>>)
      } else {
      }
      %dma_wait3A_303 = arith.constant 0 : i32
      %dma_wait3A_304 = arith.constant 0 : i32
      %dma_wait3A_305 = tpu.memref_slice %arg5[%dma_wait3A_303, %dma_wait3A_304] : memref<16384x2048xf32, #tpu.memory_space<hbm>> -> memref<8x2048xf32, #tpu.memory_space<hbm>>
      %dma_wait3A_306 = arith.constant 0 : i32
      %dma_wait3A_307 = arith.constant 0 : i32
      %dma_wait3A_308 = tpu.memref_slice %arg5[%dma_wait3A_306, %dma_wait3A_307] : memref<16384x2048xf32, #tpu.memory_space<hbm>> -> memref<8x2048xf32, #tpu.memory_space<hbm>>
      tpu.wait_dma2 semaphore(%arg19 : memref<!tpu.dma_semaphore, #tpu.memory_space<semaphore_mem>>) src(%dma_wait3A_308 : memref<8x2048xf32, #tpu.memory_space<hbm>>) dst(%arg12 : memref<8x2048xf32, #tpu.memory_space<vmem>>)
      %broadcast_in_dim3A_309 = arith.constant 0.000000e+00 : f32
      %broadcast_in_dim3A_310 = vector.broadcast %broadcast_in_dim3A_309 : f32 to vector<16xf32>
      %broadcast_in_dim3A_311 = arith.constant 0.000000e+00 : f32
      %broadcast_in_dim3A_312 = vector.broadcast %broadcast_in_dim3A_311 : f32 to vector<16xf32>
      %broadcast_in_dim3A_313 = arith.constant 0.000000e+00 : f32
      %broadcast_in_dim3A_314 = vector.broadcast %broadcast_in_dim3A_313 : f32 to vector<16xf32>
      %broadcast_in_dim3A_315 = arith.constant 0.000000e+00 : f32
      %broadcast_in_dim3A_316 = vector.broadcast %broadcast_in_dim3A_315 : f32 to vector<16xf32>
      %broadcast_in_dim3A_317 = arith.constant 0.000000e+00 : f32
      %broadcast_in_dim3A_318 = vector.broadcast %broadcast_in_dim3A_317 : f32 to vector<16xf32>
      %broadcast_in_dim3A_319 = arith.constant 0.000000e+00 : f32
      %broadcast_in_dim3A_320 = vector.broadcast %broadcast_in_dim3A_319 : f32 to vector<16xf32>
      %broadcast_in_dim3A_321 = arith.constant 0.000000e+00 : f32
      %broadcast_in_dim3A_322 = vector.broadcast %broadcast_in_dim3A_321 : f32 to vector<16xf32>
      %broadcast_in_dim3A_323 = arith.constant 0.000000e+00 : f32
      %broadcast_in_dim3A_324 = vector.broadcast %broadcast_in_dim3A_323 : f32 to vector<16xf32>
      %scan3A_325 = arith.constant 0 : i32
      %scan3A_326 = arith.constant 128 : i32
      %scan3A_327 = arith.addi %scan3A_325, %scan3A_326 : i32
      %scan3A_328 = arith.constant 1 : i32
      %scan3A_329:8 = scf.for %scan3A_533 = %scan3A_325 to %scan3A_327 step %scan3A_328 iter_args(%scan3A_534 = %broadcast_in_dim3A_310, %scan3A_535 = %broadcast_in_dim3A_312, %scan3A_536 = %broadcast_in_dim3A_314, %scan3A_537 = %broadcast_in_dim3A_316, %scan3A_538 = %broadcast_in_dim3A_318, %scan3A_539 = %broadcast_in_dim3A_320, %scan3A_540 = %broadcast_in_dim3A_322, %scan3A_541 = %broadcast_in_dim3A_324) -> (vector<16xf32>, vector<16xf32>, vector<16xf32>, vector<16xf32>, vector<16xf32>, vector<16xf32>, vector<16xf32>, vector<16xf32>)  : i32 {
        %mul3A_542 = arith.constant 16 : i32
        %mul3A_543 = arith.muli %scan3A_533, %mul3A_542 : i32
        %multiple_of3A = tpu.assume_multiple %mul3A_543, 16 : i32
        %add3A_544 = arith.addi %mul3A_48, %multiple_of3A : i32
        %get3A_545 = arith.index_cast %add3A_544 : i32 to index
        %get3A_546 = tpu.vector_load %arg10[%get3A_545] {strides = array<i32>} : memref<4096xf32, #tpu.memory_space<vmem>>, vector<16xf32>,
        %get3A_547 = arith.constant 0 : i32
        %get3A_548 = arith.index_cast %get3A_547 : i32 to index
        %get3A_549 = arith.index_cast %multiple_of3A : i32 to index
        %get3A_550 = tpu.vector_load %arg12[%get3A_548, %get3A_549] {strides = array<i32>} : memref<8x2048xf32, #tpu.memory_space<vmem>>, vector<16xf32>,
        %mul3A_551 = arith.mulf %get3A_546, %get3A_550 : vector<16xf32>
        %add3A_552 = arith.addf %scan3A_534, %mul3A_551 : vector<16xf32>
        %get3A_553 = arith.constant 1 : i32
        %get3A_554 = arith.index_cast %get3A_553 : i32 to index
        %get3A_555 = arith.index_cast %multiple_of3A : i32 to index
        %get3A_556 = tpu.vector_load %arg12[%get3A_554, %get3A_555] {strides = array<i32>} : memref<8x2048xf32, #tpu.memory_space<vmem>>, vector<16xf32>,
        %mul3A_557 = arith.mulf %get3A_546, %get3A_556 : vector<16xf32>
        %add3A_558 = arith.addf %scan3A_535, %mul3A_557 : vector<16xf32>
        %get3A_559 = arith.constant 2 : i32
        %get3A_560 = arith.index_cast %get3A_559 : i32 to index
        %get3A_561 = arith.index_cast %multiple_of3A : i32 to index
        %get3A_562 = tpu.vector_load %arg12[%get3A_560, %get3A_561] {strides = array<i32>} : memref<8x2048xf32, #tpu.memory_space<vmem>>, vector<16xf32>,
        %mul3A_563 = arith.mulf %get3A_546, %get3A_562 : vector<16xf32>
        %add3A_564 = arith.addf %scan3A_536, %mul3A_563 : vector<16xf32>
        %get3A_565 = arith.constant 3 : i32
        %get3A_566 = arith.index_cast %get3A_565 : i32 to index
        %get3A_567 = arith.index_cast %multiple_of3A : i32 to index
        %get3A_568 = tpu.vector_load %arg12[%get3A_566, %get3A_567] {strides = array<i32>} : memref<8x2048xf32, #tpu.memory_space<vmem>>, vector<16xf32>,
        %mul3A_569 = arith.mulf %get3A_546, %get3A_568 : vector<16xf32>
        %add3A_570 = arith.addf %scan3A_537, %mul3A_569 : vector<16xf32>
        %get3A_571 = arith.constant 4 : i32
        %get3A_572 = arith.index_cast %get3A_571 : i32 to index
        %get3A_573 = arith.index_cast %multiple_of3A : i32 to index
        %get3A_574 = tpu.vector_load %arg12[%get3A_572, %get3A_573] {strides = array<i32>} : memref<8x2048xf32, #tpu.memory_space<vmem>>, vector<16xf32>,
        %mul3A_575 = arith.mulf %get3A_546, %get3A_574 : vector<16xf32>
        %add3A_576 = arith.addf %scan3A_538, %mul3A_575 : vector<16xf32>
        %get3A_577 = arith.constant 5 : i32
        %get3A_578 = arith.index_cast %get3A_577 : i32 to index
        %get3A_579 = arith.index_cast %multiple_of3A : i32 to index
        %get3A_580 = tpu.vector_load %arg12[%get3A_578, %get3A_579] {strides = array<i32>} : memref<8x2048xf32, #tpu.memory_space<vmem>>, vector<16xf32>,
        %mul3A_581 = arith.mulf %get3A_546, %get3A_580 : vector<16xf32>
        %add3A_582 = arith.addf %scan3A_539, %mul3A_581 : vector<16xf32>
        %get3A_583 = arith.constant 6 : i32
        %get3A_584 = arith.index_cast %get3A_583 : i32 to index
        %get3A_585 = arith.index_cast %multiple_of3A : i32 to index
        %get3A_586 = tpu.vector_load %arg12[%get3A_584, %get3A_585] {strides = array<i32>} : memref<8x2048xf32, #tpu.memory_space<vmem>>, vector<16xf32>,
        %mul3A_587 = arith.mulf %get3A_546, %get3A_586 : vector<16xf32>
        %add3A_588 = arith.addf %scan3A_540, %mul3A_587 : vector<16xf32>
        %get3A_589 = arith.constant 7 : i32
        %get3A_590 = arith.index_cast %get3A_589 : i32 to index
        %get3A_591 = arith.index_cast %multiple_of3A : i32 to index
        %get3A_592 = tpu.vector_load %arg12[%get3A_590, %get3A_591] {strides = array<i32>} : memref<8x2048xf32, #tpu.memory_space<vmem>>, vector<16xf32>,
        %mul3A_593 = arith.mulf %get3A_546, %get3A_592 : vector<16xf32>
        %add3A_594 = arith.addf %scan3A_541, %mul3A_593 : vector<16xf32>
        scf.yield %add3A_552, %add3A_558, %add3A_564, %add3A_570, %add3A_576, %add3A_582, %add3A_588, %add3A_594 : vector<16xf32>, vector<16xf32>, vector<16xf32>, vector<16xf32>, vector<16xf32>, vector<16xf32>, vector<16xf32>, vector<16xf32>
      }
      %scan3A_330 = arith.constant 128 : i32
      %broadcast_in_dim3A_331 = arith.constant 0.000000e+00 : f32
      %broadcast_in_dim3A_332 = vector.broadcast %broadcast_in_dim3A_331 : f32 to vector<16xf32>
      %eq3A_333 = arith.constant 8 : i32
      %eq3A_334 = vector.broadcast %eq3A_333 : i32 to vector<16xi32>
      %eq3A_335 = arith.cmpi eq, %iota3A, %eq3A_334 : vector<16xi32>
      %reduce_sum3A_336 = arith.constant true
      %reduce_sum3A_337 = vector.broadcast %reduce_sum3A_336 : i1 to vector<16xi1>
      %reduce_sum3A_338 = tpu.scan <sum>, %scan3A_329#0 masked %reduce_sum3A_337 : vector<16xf32>, vector<16xi1> -> vector<16xf32>
      %reduce_sum3A_339 = vector.extract %reduce_sum3A_338[15] : f32 from vector<16xf32>
      %broadcast_in_dim3A_340 = vector.broadcast %reduce_sum3A_339 : f32 to vector<16xf32>
      %select_n3A_341 = arith.select %eq3A_335, %broadcast_in_dim3A_340, %broadcast_in_dim3A_332 : vector<16xi1>, vector<16xf32>
      %eq3A_342 = arith.constant 9 : i32
      %eq3A_343 = vector.broadcast %eq3A_342 : i32 to vector<16xi32>
      %eq3A_344 = arith.cmpi eq, %iota3A, %eq3A_343 : vector<16xi32>
      %reduce_sum3A_345 = arith.constant true
      %reduce_sum3A_346 = vector.broadcast %reduce_sum3A_345 : i1 to vector<16xi1>
      %reduce_sum3A_347 = tpu.scan <sum>, %scan3A_329#1 masked %reduce_sum3A_346 : vector<16xf32>, vector<16xi1> -> vector<16xf32>
      %reduce_sum3A_348 = vector.extract %reduce_sum3A_347[15] : f32 from vector<16xf32>
      %broadcast_in_dim3A_349 = vector.broadcast %reduce_sum3A_348 : f32 to vector<16xf32>
      %select_n3A_350 = arith.select %eq3A_344, %broadcast_in_dim3A_349, %select_n3A_341 : vector<16xi1>, vector<16xf32>
      %eq3A_351 = arith.constant 10 : i32
      %eq3A_352 = vector.broadcast %eq3A_351 : i32 to vector<16xi32>
      %eq3A_353 = arith.cmpi eq, %iota3A, %eq3A_352 : vector<16xi32>
      %reduce_sum3A_354 = arith.constant true
      %reduce_sum3A_355 = vector.broadcast %reduce_sum3A_354 : i1 to vector<16xi1>
      %reduce_sum3A_356 = tpu.scan <sum>, %scan3A_329#2 masked %reduce_sum3A_355 : vector<16xf32>, vector<16xi1> -> vector<16xf32>
      %reduce_sum3A_357 = vector.extract %reduce_sum3A_356[15] : f32 from vector<16xf32>
      %broadcast_in_dim3A_358 = vector.broadcast %reduce_sum3A_357 : f32 to vector<16xf32>
      %select_n3A_359 = arith.select %eq3A_353, %broadcast_in_dim3A_358, %select_n3A_350 : vector<16xi1>, vector<16xf32>
      %eq3A_360 = arith.constant 11 : i32
      %eq3A_361 = vector.broadcast %eq3A_360 : i32 to vector<16xi32>
      %eq3A_362 = arith.cmpi eq, %iota3A, %eq3A_361 : vector<16xi32>
      %reduce_sum3A_363 = arith.constant true
      %reduce_sum3A_364 = vector.broadcast %reduce_sum3A_363 : i1 to vector<16xi1>
      %reduce_sum3A_365 = tpu.scan <sum>, %scan3A_329#3 masked %reduce_sum3A_364 : vector<16xf32>, vector<16xi1> -> vector<16xf32>
      %reduce_sum3A_366 = vector.extract %reduce_sum3A_365[15] : f32 from vector<16xf32>
      %broadcast_in_dim3A_367 = vector.broadcast %reduce_sum3A_366 : f32 to vector<16xf32>
      %select_n3A_368 = arith.select %eq3A_362, %broadcast_in_dim3A_367, %select_n3A_359 : vector<16xi1>, vector<16xf32>
      %eq3A_369 = arith.constant 12 : i32
      %eq3A_370 = vector.broadcast %eq3A_369 : i32 to vector<16xi32>
      %eq3A_371 = arith.cmpi eq, %iota3A, %eq3A_370 : vector<16xi32>
      %reduce_sum3A_372 = arith.constant true
      %reduce_sum3A_373 = vector.broadcast %reduce_sum3A_372 : i1 to vector<16xi1>
      %reduce_sum3A_374 = tpu.scan <sum>, %scan3A_329#4 masked %reduce_sum3A_373 : vector<16xf32>, vector<16xi1> -> vector<16xf32>
      %reduce_sum3A_375 = vector.extract %reduce_sum3A_374[15] : f32 from vector<16xf32>
      %broadcast_in_dim3A_376 = vector.broadcast %reduce_sum3A_375 : f32 to vector<16xf32>
      %select_n3A_377 = arith.select %eq3A_371, %broadcast_in_dim3A_376, %select_n3A_368 : vector<16xi1>, vector<16xf32>
      %eq3A_378 = arith.constant 13 : i32
      %eq3A_379 = vector.broadcast %eq3A_378 : i32 to vector<16xi32>
      %eq3A_380 = arith.cmpi eq, %iota3A, %eq3A_379 : vector<16xi32>
      %reduce_sum3A_381 = arith.constant true
      %reduce_sum3A_382 = vector.broadcast %reduce_sum3A_381 : i1 to vector<16xi1>
      %reduce_sum3A_383 = tpu.scan <sum>, %scan3A_329#5 masked %reduce_sum3A_382 : vector<16xf32>, vector<16xi1> -> vector<16xf32>
      %reduce_sum3A_384 = vector.extract %reduce_sum3A_383[15] : f32 from vector<16xf32>
      %broadcast_in_dim3A_385 = vector.broadcast %reduce_sum3A_384 : f32 to vector<16xf32>
      %select_n3A_386 = arith.select %eq3A_380, %broadcast_in_dim3A_385, %select_n3A_377 : vector<16xi1>, vector<16xf32>
      %eq3A_387 = arith.constant 14 : i32
      %eq3A_388 = vector.broadcast %eq3A_387 : i32 to vector<16xi32>
      %eq3A_389 = arith.cmpi eq, %iota3A, %eq3A_388 : vector<16xi32>
      %reduce_sum3A_390 = arith.constant true
      %reduce_sum3A_391 = vector.broadcast %reduce_sum3A_390 : i1 to vector<16xi1>
      %reduce_sum3A_392 = tpu.scan <sum>, %scan3A_329#6 masked %reduce_sum3A_391 : vector<16xf32>, vector<16xi1> -> vector<16xf32>
      %reduce_sum3A_393 = vector.extract %reduce_sum3A_392[15] : f32 from vector<16xf32>
      %broadcast_in_dim3A_394 = vector.broadcast %reduce_sum3A_393 : f32 to vector<16xf32>
      %select_n3A_395 = arith.select %eq3A_389, %broadcast_in_dim3A_394, %select_n3A_386 : vector<16xi1>, vector<16xf32>
      %eq3A_396 = arith.constant 15 : i32
      %eq3A_397 = vector.broadcast %eq3A_396 : i32 to vector<16xi32>
      %eq3A_398 = arith.cmpi eq, %iota3A, %eq3A_397 : vector<16xi32>
      %reduce_sum3A_399 = arith.constant true
      %reduce_sum3A_400 = vector.broadcast %reduce_sum3A_399 : i1 to vector<16xi1>
      %reduce_sum3A_401 = tpu.scan <sum>, %scan3A_329#7 masked %reduce_sum3A_400 : vector<16xf32>, vector<16xi1> -> vector<16xf32>
      %reduce_sum3A_402 = vector.extract %reduce_sum3A_401[15] : f32 from vector<16xf32>
      %broadcast_in_dim3A_403 = vector.broadcast %reduce_sum3A_402 : f32 to vector<16xf32>
      %select_n3A_404 = arith.select %eq3A_398, %broadcast_in_dim3A_403, %select_n3A_395 : vector<16xi1>, vector<16xf32>
      %mul3A_405 = arith.constant 4.471500e-02 : f32
      %mul3A_406 = vector.broadcast %mul3A_405 : f32 to vector<16xf32>
      %mul3A_407 = arith.mulf %mul3A_406, %select_n3A_404 : vector<16xf32>
      %mul3A_408 = arith.mulf %mul3A_407, %select_n3A_404 : vector<16xf32>
      %mul3A_409 = arith.mulf %mul3A_408, %select_n3A_404 : vector<16xf32>
      %add3A_410 = arith.addf %select_n3A_404, %mul3A_409 : vector<16xf32>
      %mul3A_411 = arith.constant 0.797884583 : f32
      %mul3A_412 = vector.broadcast %mul3A_411 : f32 to vector<16xf32>
      %mul3A_413 = arith.mulf %mul3A_412, %add3A_410 : vector<16xf32>
      %mul3A_414 = arith.constant 2.000000e+00 : f32
      %mul3A_415 = vector.broadcast %mul3A_414 : f32 to vector<16xf32>
      %mul3A_416 = arith.mulf %mul3A_415, %mul3A_413 : vector<16xf32>
      %exp3A_417 = math.exp %mul3A_416 : vector<16xf32>
      %add3A_418 = arith.constant 1.000000e+00 : f32
      %add3A_419 = vector.broadcast %add3A_418 : f32 to vector<16xf32>
      %add3A_420 = arith.addf %exp3A_417, %add3A_419 : vector<16xf32>
      %div3A_421 = arith.constant 2.000000e+00 : f32
      %div3A_422 = vector.broadcast %div3A_421 : f32 to vector<16xf32>
      %div3A_423 = arith.divf %div3A_422, %add3A_420 : vector<16xf32>
      %sub3A_424 = arith.constant 1.000000e+00 : f32
      %sub3A_425 = vector.broadcast %sub3A_424 : f32 to vector<16xf32>
      %sub3A_426 = arith.subf %sub3A_425, %div3A_423 : vector<16xf32>
      %mul3A_427 = arith.constant 5.000000e-01 : f32
      %mul3A_428 = vector.broadcast %mul3A_427 : f32 to vector<16xf32>
      %mul3A_429 = arith.mulf %mul3A_428, %select_n3A_404 : vector<16xf32>
      %add3A_430 = arith.constant 1.000000e+00 : f32
      %add3A_431 = vector.broadcast %add3A_430 : f32 to vector<16xf32>
      %add3A_432 = arith.addf %add3A_431, %sub3A_426 : vector<16xf32>
      %mul3A_433 = arith.mulf %mul3A_429, %add3A_432 : vector<16xf32>
      %mul3A_434 = arith.mulf %get3A_74, %mul3A_433 : vector<16xf32>
      %eq3A_435 = arith.constant 8 : i32
      %eq3A_436 = vector.broadcast %eq3A_435 : i32 to vector<16xi32>
      %eq3A_437 = arith.cmpi eq, %iota3A, %eq3A_436 : vector<16xi32>
      %jit3A_438 = arith.constant 0.000000e+00 : f32
      %broadcast_in_dim3A_439 = vector.broadcast %jit3A_438 : f32 to vector<16xf32>
      %select_n3A_440 = arith.select %eq3A_437, %mul3A_434, %broadcast_in_dim3A_439 : vector<16xi1>, vector<16xf32>
      %reduce_sum3A_441 = arith.constant true
      %reduce_sum3A_442 = vector.broadcast %reduce_sum3A_441 : i1 to vector<16xi1>
      %reduce_sum3A_443 = tpu.scan <sum>, %select_n3A_440 masked %reduce_sum3A_442 : vector<16xf32>, vector<16xi1> -> vector<16xf32>
      %reduce_sum3A_444 = vector.extract %reduce_sum3A_443[15] : f32 from vector<16xf32>
      %eq3A_445 = arith.constant 9 : i32
      %eq3A_446 = vector.broadcast %eq3A_445 : i32 to vector<16xi32>
      %eq3A_447 = arith.cmpi eq, %iota3A, %eq3A_446 : vector<16xi32>
      %jit3A_448 = arith.constant 0.000000e+00 : f32
      %broadcast_in_dim3A_449 = vector.broadcast %jit3A_448 : f32 to vector<16xf32>
      %select_n3A_450 = arith.select %eq3A_447, %mul3A_434, %broadcast_in_dim3A_449 : vector<16xi1>, vector<16xf32>
      %reduce_sum3A_451 = arith.constant true
      %reduce_sum3A_452 = vector.broadcast %reduce_sum3A_451 : i1 to vector<16xi1>
      %reduce_sum3A_453 = tpu.scan <sum>, %select_n3A_450 masked %reduce_sum3A_452 : vector<16xf32>, vector<16xi1> -> vector<16xf32>
      %reduce_sum3A_454 = vector.extract %reduce_sum3A_453[15] : f32 from vector<16xf32>
      %eq3A_455 = arith.constant 10 : i32
      %eq3A_456 = vector.broadcast %eq3A_455 : i32 to vector<16xi32>
      %eq3A_457 = arith.cmpi eq, %iota3A, %eq3A_456 : vector<16xi32>
      %jit3A_458 = arith.constant 0.000000e+00 : f32
      %broadcast_in_dim3A_459 = vector.broadcast %jit3A_458 : f32 to vector<16xf32>
      %select_n3A_460 = arith.select %eq3A_457, %mul3A_434, %broadcast_in_dim3A_459 : vector<16xi1>, vector<16xf32>
      %reduce_sum3A_461 = arith.constant true
      %reduce_sum3A_462 = vector.broadcast %reduce_sum3A_461 : i1 to vector<16xi1>
      %reduce_sum3A_463 = tpu.scan <sum>, %select_n3A_460 masked %reduce_sum3A_462 : vector<16xf32>, vector<16xi1> -> vector<16xf32>
      %reduce_sum3A_464 = vector.extract %reduce_sum3A_463[15] : f32 from vector<16xf32>
      %eq3A_465 = arith.constant 11 : i32
      %eq3A_466 = vector.broadcast %eq3A_465 : i32 to vector<16xi32>
      %eq3A_467 = arith.cmpi eq, %iota3A, %eq3A_466 : vector<16xi32>
      %jit3A_468 = arith.constant 0.000000e+00 : f32
      %broadcast_in_dim3A_469 = vector.broadcast %jit3A_468 : f32 to vector<16xf32>
      %select_n3A_470 = arith.select %eq3A_467, %mul3A_434, %broadcast_in_dim3A_469 : vector<16xi1>, vector<16xf32>
      %reduce_sum3A_471 = arith.constant true
      %reduce_sum3A_472 = vector.broadcast %reduce_sum3A_471 : i1 to vector<16xi1>
      %reduce_sum3A_473 = tpu.scan <sum>, %select_n3A_470 masked %reduce_sum3A_472 : vector<16xf32>, vector<16xi1> -> vector<16xf32>
      %reduce_sum3A_474 = vector.extract %reduce_sum3A_473[15] : f32 from vector<16xf32>
      %eq3A_475 = arith.constant 12 : i32
      %eq3A_476 = vector.broadcast %eq3A_475 : i32 to vector<16xi32>
      %eq3A_477 = arith.cmpi eq, %iota3A, %eq3A_476 : vector<16xi32>
      %jit3A_478 = arith.constant 0.000000e+00 : f32
      %broadcast_in_dim3A_479 = vector.broadcast %jit3A_478 : f32 to vector<16xf32>
      %select_n3A_480 = arith.select %eq3A_477, %mul3A_434, %broadcast_in_dim3A_479 : vector<16xi1>, vector<16xf32>
      %reduce_sum3A_481 = arith.constant true
      %reduce_sum3A_482 = vector.broadcast %reduce_sum3A_481 : i1 to vector<16xi1>
      %reduce_sum3A_483 = tpu.scan <sum>, %select_n3A_480 masked %reduce_sum3A_482 : vector<16xf32>, vector<16xi1> -> vector<16xf32>
      %reduce_sum3A_484 = vector.extract %reduce_sum3A_483[15] : f32 from vector<16xf32>
      %eq3A_485 = arith.constant 13 : i32
      %eq3A_486 = vector.broadcast %eq3A_485 : i32 to vector<16xi32>
      %eq3A_487 = arith.cmpi eq, %iota3A, %eq3A_486 : vector<16xi32>
      %jit3A_488 = arith.constant 0.000000e+00 : f32
      %broadcast_in_dim3A_489 = vector.broadcast %jit3A_488 : f32 to vector<16xf32>
      %select_n3A_490 = arith.select %eq3A_487, %mul3A_434, %broadcast_in_dim3A_489 : vector<16xi1>, vector<16xf32>
      %reduce_sum3A_491 = arith.constant true
      %reduce_sum3A_492 = vector.broadcast %reduce_sum3A_491 : i1 to vector<16xi1>
      %reduce_sum3A_493 = tpu.scan <sum>, %select_n3A_490 masked %reduce_sum3A_492 : vector<16xf32>, vector<16xi1> -> vector<16xf32>
      %reduce_sum3A_494 = vector.extract %reduce_sum3A_493[15] : f32 from vector<16xf32>
      %eq3A_495 = arith.constant 14 : i32
      %eq3A_496 = vector.broadcast %eq3A_495 : i32 to vector<16xi32>
      %eq3A_497 = arith.cmpi eq, %iota3A, %eq3A_496 : vector<16xi32>
      %jit3A_498 = arith.constant 0.000000e+00 : f32
      %broadcast_in_dim3A_499 = vector.broadcast %jit3A_498 : f32 to vector<16xf32>
      %select_n3A_500 = arith.select %eq3A_497, %mul3A_434, %broadcast_in_dim3A_499 : vector<16xi1>, vector<16xf32>
      %reduce_sum3A_501 = arith.constant true
      %reduce_sum3A_502 = vector.broadcast %reduce_sum3A_501 : i1 to vector<16xi1>
      %reduce_sum3A_503 = tpu.scan <sum>, %select_n3A_500 masked %reduce_sum3A_502 : vector<16xf32>, vector<16xi1> -> vector<16xf32>
      %reduce_sum3A_504 = vector.extract %reduce_sum3A_503[15] : f32 from vector<16xf32>
      %eq3A_505 = arith.constant 15 : i32
      %eq3A_506 = vector.broadcast %eq3A_505 : i32 to vector<16xi32>
      %eq3A_507 = arith.cmpi eq, %iota3A, %eq3A_506 : vector<16xi32>
      %jit3A_508 = arith.constant 0.000000e+00 : f32
      %broadcast_in_dim3A_509 = vector.broadcast %jit3A_508 : f32 to vector<16xf32>
      %select_n3A_510 = arith.select %eq3A_507, %mul3A_434, %broadcast_in_dim3A_509 : vector<16xi1>, vector<16xf32>
      %reduce_sum3A_511 = arith.constant true
      %reduce_sum3A_512 = vector.broadcast %reduce_sum3A_511 : i1 to vector<16xi1>
      %reduce_sum3A_513 = tpu.scan <sum>, %select_n3A_510 masked %reduce_sum3A_512 : vector<16xf32>, vector<16xi1> -> vector<16xf32>
      %reduce_sum3A_514 = vector.extract %reduce_sum3A_513[15] : f32 from vector<16xf32>
      %dma_wait3A_515 = arith.constant 0 : i32
      %dma_wait3A_516 = arith.constant 0 : i32
      %dma_wait3A_517 = tpu.memref_slice %arg6[%dma_wait3A_515, %dma_wait3A_516] : memref<16384x2048xf32, #tpu.memory_space<hbm>> -> memref<8x2048xf32, #tpu.memory_space<hbm>>
      %dma_wait3A_518 = arith.constant 0 : i32
      %dma_wait3A_519 = arith.constant 0 : i32
      %dma_wait3A_520 = tpu.memref_slice %arg6[%dma_wait3A_518, %dma_wait3A_519] : memref<16384x2048xf32, #tpu.memory_space<hbm>> -> memref<8x2048xf32, #tpu.memory_space<hbm>>
      tpu.wait_dma2 semaphore(%arg20 : memref<!tpu.dma_semaphore, #tpu.memory_space<semaphore_mem>>) src(%dma_wait3A_520 : memref<8x2048xf32, #tpu.memory_space<hbm>>) dst(%arg14 : memref<8x2048xf32, #tpu.memory_space<vmem>>)
      %scan3A_521 = arith.constant 0 : i32
      %scan3A_522 = arith.constant 0 : i32
      %scan3A_523 = arith.constant 128 : i32
      %scan3A_524 = arith.addi %scan3A_522, %scan3A_523 : i32
      %scan3A_525 = arith.constant 1 : i32
      scf.for %scan3A_533 = %scan3A_522 to %scan3A_524 step %scan3A_525  : i32 {
        %mul3A_534 = arith.constant 16 : i32
        %mul3A_535 = arith.muli %scan3A_533, %mul3A_534 : i32
        %multiple_of3A = tpu.assume_multiple %mul3A_535, 16 : i32
        %get3A_536 = arith.index_cast %multiple_of3A : i32 to index
        %get3A_537 = tpu.vector_load %arg15[%get3A_536] {strides = array<i32>} : memref<2048xf32, #tpu.memory_space<vmem>>, vector<16xf32>,
        %get3A_538 = arith.constant 0 : i32
        %get3A_539 = arith.index_cast %get3A_538 : i32 to index
        %get3A_540 = arith.index_cast %multiple_of3A : i32 to index
        %get3A_541 = tpu.vector_load %arg14[%get3A_539, %get3A_540] {strides = array<i32>} : memref<8x2048xf32, #tpu.memory_space<vmem>>, vector<16xf32>,
        %mul3A_542 = vector.broadcast %reduce_sum3A_444 : f32 to vector<16xf32>
        %mul3A_543 = arith.mulf %mul3A_542, %get3A_541 : vector<16xf32>
        %add3A_544 = arith.addf %get3A_537, %mul3A_543 : vector<16xf32>
        %get3A_545 = arith.constant 1 : i32
        %get3A_546 = arith.index_cast %get3A_545 : i32 to index
        %get3A_547 = arith.index_cast %multiple_of3A : i32 to index
        %get3A_548 = tpu.vector_load %arg14[%get3A_546, %get3A_547] {strides = array<i32>} : memref<8x2048xf32, #tpu.memory_space<vmem>>, vector<16xf32>,
        %mul3A_549 = vector.broadcast %reduce_sum3A_454 : f32 to vector<16xf32>
        %mul3A_550 = arith.mulf %mul3A_549, %get3A_548 : vector<16xf32>
        %add3A_551 = arith.addf %add3A_544, %mul3A_550 : vector<16xf32>
        %get3A_552 = arith.constant 2 : i32
        %get3A_553 = arith.index_cast %get3A_552 : i32 to index
        %get3A_554 = arith.index_cast %multiple_of3A : i32 to index
        %get3A_555 = tpu.vector_load %arg14[%get3A_553, %get3A_554] {strides = array<i32>} : memref<8x2048xf32, #tpu.memory_space<vmem>>, vector<16xf32>,
        %mul3A_556 = vector.broadcast %reduce_sum3A_464 : f32 to vector<16xf32>
        %mul3A_557 = arith.mulf %mul3A_556, %get3A_555 : vector<16xf32>
        %add3A_558 = arith.addf %add3A_551, %mul3A_557 : vector<16xf32>
        %get3A_559 = arith.constant 3 : i32
        %get3A_560 = arith.index_cast %get3A_559 : i32 to index
        %get3A_561 = arith.index_cast %multiple_of3A : i32 to index
        %get3A_562 = tpu.vector_load %arg14[%get3A_560, %get3A_561] {strides = array<i32>} : memref<8x2048xf32, #tpu.memory_space<vmem>>, vector<16xf32>,
        %mul3A_563 = vector.broadcast %reduce_sum3A_474 : f32 to vector<16xf32>
        %mul3A_564 = arith.mulf %mul3A_563, %get3A_562 : vector<16xf32>
        %add3A_565 = arith.addf %add3A_558, %mul3A_564 : vector<16xf32>
        %get3A_566 = arith.constant 4 : i32
        %get3A_567 = arith.index_cast %get3A_566 : i32 to index
        %get3A_568 = arith.index_cast %multiple_of3A : i32 to index
        %get3A_569 = tpu.vector_load %arg14[%get3A_567, %get3A_568] {strides = array<i32>} : memref<8x2048xf32, #tpu.memory_space<vmem>>, vector<16xf32>,
        %mul3A_570 = vector.broadcast %reduce_sum3A_484 : f32 to vector<16xf32>
        %mul3A_571 = arith.mulf %mul3A_570, %get3A_569 : vector<16xf32>
        %add3A_572 = arith.addf %add3A_565, %mul3A_571 : vector<16xf32>
        %get3A_573 = arith.constant 5 : i32
        %get3A_574 = arith.index_cast %get3A_573 : i32 to index
        %get3A_575 = arith.index_cast %multiple_of3A : i32 to index
        %get3A_576 = tpu.vector_load %arg14[%get3A_574, %get3A_575] {strides = array<i32>} : memref<8x2048xf32, #tpu.memory_space<vmem>>, vector<16xf32>,
        %mul3A_577 = vector.broadcast %reduce_sum3A_494 : f32 to vector<16xf32>
        %mul3A_578 = arith.mulf %mul3A_577, %get3A_576 : vector<16xf32>
        %add3A_579 = arith.addf %add3A_572, %mul3A_578 : vector<16xf32>
        %get3A_580 = arith.constant 6 : i32
        %get3A_581 = arith.index_cast %get3A_580 : i32 to index
        %get3A_582 = arith.index_cast %multiple_of3A : i32 to index
        %get3A_583 = tpu.vector_load %arg14[%get3A_581, %get3A_582] {strides = array<i32>} : memref<8x2048xf32, #tpu.memory_space<vmem>>, vector<16xf32>,
        %mul3A_584 = vector.broadcast %reduce_sum3A_504 : f32 to vector<16xf32>
        %mul3A_585 = arith.mulf %mul3A_584, %get3A_583 : vector<16xf32>
        %add3A_586 = arith.addf %add3A_579, %mul3A_585 : vector<16xf32>
        %get3A_587 = arith.constant 7 : i32
        %get3A_588 = arith.index_cast %get3A_587 : i32 to index
        %get3A_589 = arith.index_cast %multiple_of3A : i32 to index
        %get3A_590 = tpu.vector_load %arg14[%get3A_588, %get3A_589] {strides = array<i32>} : memref<8x2048xf32, #tpu.memory_space<vmem>>, vector<16xf32>,
        %mul3A_591 = vector.broadcast %reduce_sum3A_514 : f32 to vector<16xf32>
        %mul3A_592 = arith.mulf %mul3A_591, %get3A_590 : vector<16xf32>
        %add3A_593 = arith.addf %add3A_586, %mul3A_592 : vector<16xf32>
        %swap3A = arith.index_cast %multiple_of3A : i32 to index
        %swap3A_594 = tpu.vector_load %arg15[%swap3A] {strides = array<i32>} : memref<2048xf32, #tpu.memory_space<vmem>>, vector<16xf32>,
        tpu.vector_store %arg15[%swap3A], %add3A_593 {strides = array<i32>} : memref<2048xf32, #tpu.memory_space<vmem>>, vector<16xf32>,
      }
      %scan3A_526 = arith.constant 128 : i32
      %dma_start3A_527 = arith.constant 0 : i32
      %dma_start3A_528 = tpu.memref_slice %arg7[%add3A_37, %dma_start3A_527] : memref<4096x2048xf32, #tpu.memory_space<hbm>> -> memref<1x2048xf32, #tpu.memory_space<hbm>>
      %dma_start3A_529 = tpu.memref_squeeze %dma_start3A_528 : memref<1x2048xf32, #tpu.memory_space<hbm>> -> memref<2048xf32, #tpu.memory_space<hbm>>
      %dma_start3A_530 = arith.constant 0 : i32
      %dma_start3A_531 = tpu.memref_slice %arg7[%add3A_37, %dma_start3A_530] : memref<4096x2048xf32, #tpu.memory_space<hbm>> -> memref<1x2048xf32, #tpu.memory_space<hbm>>
      %dma_start3A_532 = tpu.memref_squeeze %dma_start3A_531 : memref<1x2048xf32, #tpu.memory_space<hbm>> -> memref<2048xf32, #tpu.memory_space<hbm>>
      tpu.enqueue_dma source(%arg15 : memref<2048xf32, #tpu.memory_space<vmem>>) target(%dma_start3A_532 : memref<2048xf32, #tpu.memory_space<hbm>>) target_semaphore(%arg21 : memref<!tpu.dma_semaphore, #tpu.memory_space<semaphore_mem>>)
    }
    %scan3A_30 = arith.constant 128 : i32
    %dma_wait3A = arith.constant 0 : i32
    %dma_wait3A_31 = tpu.memref_slice %arg7[%mul3A_2, %dma_wait3A] : memref<4096x2048xf32, #tpu.memory_space<hbm>> -> memref<1x2048xf32, #tpu.memory_space<hbm>>
    %dma_wait3A_32 = tpu.memref_squeeze %dma_wait3A_31 : memref<1x2048xf32, #tpu.memory_space<hbm>> -> memref<2048xf32, #tpu.memory_space<hbm>>
    %dma_wait3A_33 = arith.constant 0 : i32
    %dma_wait3A_34 = tpu.memref_slice %arg7[%mul3A_2, %dma_wait3A_33] : memref<4096x2048xf32, #tpu.memory_space<hbm>> -> memref<1x2048xf32, #tpu.memory_space<hbm>>
    %dma_wait3A_35 = tpu.memref_squeeze %dma_wait3A_34 : memref<1x2048xf32, #tpu.memory_space<hbm>> -> memref<2048xf32, #tpu.memory_space<hbm>>
    tpu.wait_dma2 semaphore(%arg21 : memref<!tpu.dma_semaphore, #tpu.memory_space<semaphore_mem>>) src(%arg15 : memref<2048xf32, #tpu.memory_space<vmem>>) dst(%dma_wait3A_35 : memref<2048xf32, #tpu.memory_space<hbm>>)
    return
  }
}

module attributes {stable_mosaic.version = 14 : i64} {
  func.func @_proj_body(%arg0: i32, %arg1: memref<256x2048xf32, #tpu.memory_space<vmem>>, %arg2: memref<2048x2048xf32, #tpu.memory_space<vmem>>, %arg3: memref<256x2048xf32, #tpu.memory_space<vmem>>, %arg4: memref<1x2048xf32, #tpu.memory_space<vmem>>, %arg5: memref<1x2048xf32, #tpu.memory_space<vmem>>) attributes {dimension_semantics = [#tpu.dimension_semantics<arbitrary>], iteration_bounds = array<i64: 16>, scalar_prefetch = 0 : i64, scratch_operands = 0 : i64, tpu.core_type = #tpu.core_type<tc>, window_params = [{transform_indices = @transform_0, window_bounds = array<i64: 256, 2048>}, {pipeline_mode = #tpu.pipeline_mode<synchronous>, transform_indices = @transform_1, window_bounds = array<i64: 2048, 2048>}, {transform_indices = @transform_2, window_bounds = array<i64: 256, 2048>}, {pipeline_mode = #tpu.pipeline_mode<synchronous>, transform_indices = @transform_3, window_bounds = array<i64: 1, 2048>}, {pipeline_mode = #tpu.pipeline_mode<synchronous>, transform_indices = @transform_4, window_bounds = array<i64: 1, 2048>}]} {
    %get3A = arith.constant 0 : index
    %get3A_0 = arith.constant 0 : index
    %get3A_1 = vector.load %arg1[%get3A, %get3A_0] : memref<256x2048xf32, #tpu.memory_space<vmem>>, vector<256x2048xf32>
    %get3A_2 = arith.constant 0 : index
    %get3A_3 = arith.constant 0 : index
    %get3A_4 = vector.load %arg2[%get3A_2, %get3A_3] : memref<2048x2048xf32, #tpu.memory_space<vmem>>, vector<2048x2048xf32>
    %dot_general3A = arith.constant dense<0.000000e+00> : vector<256x2048xf32>
    %dot_general3A_5 = tpu.matmul %get3A_1, %get3A_4, %dot_general3A {dimension_numbers = #tpu.dot_dimension_numbers<[1], [1], [0], [0], [0, 0, 1, 0], [], []>, transpose_lhs_hint = false} : vector<256x2048xf32>, vector<2048x2048xf32>, vector<256x2048xf32> -> vector<256x2048xf32>
    %swap3A = arith.constant 0 : index
    %swap3A_6 = arith.constant 0 : index
    %swap3A_7 = vector.load %arg3[%swap3A, %swap3A_6] : memref<256x2048xf32, #tpu.memory_space<vmem>>, vector<256x2048xf32>
    tpu.vector_store %arg3[%swap3A, %swap3A_6], %dot_general3A_5 {strides = array<i32>} : memref<256x2048xf32, #tpu.memory_space<vmem>>, vector<256x2048xf32>,
    %eq3A = arith.constant 0 : i32
    %eq3A_8 = arith.cmpi eq, %arg0, %eq3A : i32
    %convert_element_type3A = arith.extui %eq3A_8 : i1 to i32
    %cond3A = arith.constant 0 : i32
    %cond3A_9 = arith.cmpi ne, %convert_element_type3A, %cond3A : i32
    scf.if %cond3A_9 {
      %broadcast_in_dim3A_27 = arith.constant 0.000000e+00 : f32
      %broadcast_in_dim3A_28 = vector.broadcast %broadcast_in_dim3A_27 : f32 to vector<1x2048xf32>
      %swap3A_29 = arith.constant 0 : index
      %swap3A_30 = arith.constant 0 : index
      %swap3A_31 = vector.load %arg4[%swap3A_29, %swap3A_30] : memref<1x2048xf32, #tpu.memory_space<vmem>>, vector<1x2048xf32>
      tpu.vector_store %arg4[%swap3A_29, %swap3A_30], %broadcast_in_dim3A_28 {strides = array<i32>} : memref<1x2048xf32, #tpu.memory_space<vmem>>, vector<1x2048xf32>,
      %broadcast_in_dim3A_32 = arith.constant 0.000000e+00 : f32
      %broadcast_in_dim3A_33 = vector.broadcast %broadcast_in_dim3A_32 : f32 to vector<1x2048xf32>
      %swap3A_34 = arith.constant 0 : index
      %swap3A_35 = arith.constant 0 : index
      %swap3A_36 = vector.load %arg5[%swap3A_34, %swap3A_35] : memref<1x2048xf32, #tpu.memory_space<vmem>>, vector<1x2048xf32>
      tpu.vector_store %arg5[%swap3A_34, %swap3A_35], %broadcast_in_dim3A_33 {strides = array<i32>} : memref<1x2048xf32, #tpu.memory_space<vmem>>, vector<1x2048xf32>,
    } else {
    }
    %get3A_10 = arith.constant 0 : index
    %get3A_11 = arith.constant 0 : index
    %get3A_12 = vector.load %arg4[%get3A_10, %get3A_11] : memref<1x2048xf32, #tpu.memory_space<vmem>>, vector<1x2048xf32>
    %reduce_sum3A = arith.constant dense<0.000000e+00> : vector<2048xf32>
    %reduce_sum3A_13 = vector.multi_reduction <add>, %dot_general3A_5, %reduce_sum3A [0] : vector<256x2048xf32> to vector<2048xf32>
    %broadcast_in_dim3A = vector.shape_cast %reduce_sum3A_13 : vector<2048xf32> to vector<1x2048xf32>
    %add3A = arith.addf %get3A_12, %broadcast_in_dim3A : vector<1x2048xf32>
    %swap3A_14 = arith.constant 0 : index
    %swap3A_15 = arith.constant 0 : index
    %swap3A_16 = vector.load %arg4[%swap3A_14, %swap3A_15] : memref<1x2048xf32, #tpu.memory_space<vmem>>, vector<1x2048xf32>
    tpu.vector_store %arg4[%swap3A_14, %swap3A_15], %add3A {strides = array<i32>} : memref<1x2048xf32, #tpu.memory_space<vmem>>, vector<1x2048xf32>,
    %get3A_17 = arith.constant 0 : index
    %get3A_18 = arith.constant 0 : index
    %get3A_19 = vector.load %arg5[%get3A_17, %get3A_18] : memref<1x2048xf32, #tpu.memory_space<vmem>>, vector<1x2048xf32>
    %mul3A = arith.mulf %dot_general3A_5, %dot_general3A_5 : vector<256x2048xf32>
    %reduce_sum3A_20 = arith.constant dense<0.000000e+00> : vector<2048xf32>
    %reduce_sum3A_21 = vector.multi_reduction <add>, %mul3A, %reduce_sum3A_20 [0] : vector<256x2048xf32> to vector<2048xf32>
    %broadcast_in_dim3A_22 = vector.shape_cast %reduce_sum3A_21 : vector<2048xf32> to vector<1x2048xf32>
    %add3A_23 = arith.addf %get3A_19, %broadcast_in_dim3A_22 : vector<1x2048xf32>
    %swap3A_24 = arith.constant 0 : index
    %swap3A_25 = arith.constant 0 : index
    %swap3A_26 = vector.load %arg5[%swap3A_24, %swap3A_25] : memref<1x2048xf32, #tpu.memory_space<vmem>>, vector<1x2048xf32>
    tpu.vector_store %arg5[%swap3A_24, %swap3A_25], %add3A_23 {strides = array<i32>} : memref<1x2048xf32, #tpu.memory_space<vmem>>, vector<1x2048xf32>,
    return
  }
  func.func @transform_0(%arg0: i32) -> (i32, i32) {
    %c0_i32 = arith.constant 0 : i32
    %c0_i32_0 = arith.constant 0 : i32
    return %arg0, %c0_i32 : i32, i32
  }
  func.func @transform_1(%arg0: i32) -> (i32, i32) {
    %c0_i32 = arith.constant 0 : i32
    %c0_i32_0 = arith.constant 0 : i32
    %c0_i32_1 = arith.constant 0 : i32
    return %c0_i32, %c0_i32_0 : i32, i32
  }
  func.func @transform_2(%arg0: i32) -> (i32, i32) {
    %c0_i32 = arith.constant 0 : i32
    %c0_i32_0 = arith.constant 0 : i32
    return %arg0, %c0_i32 : i32, i32
  }
  func.func @transform_3(%arg0: i32) -> (i32, i32) {
    %c0_i32 = arith.constant 0 : i32
    %c0_i32_0 = arith.constant 0 : i32
    %c0_i32_1 = arith.constant 0 : i32
    return %c0_i32, %c0_i32_0 : i32, i32
  }
  func.func @transform_4(%arg0: i32) -> (i32, i32) {
    %c0_i32 = arith.constant 0 : i32
    %c0_i32_0 = arith.constant 0 : i32
    %c0_i32_1 = arith.constant 0 : i32
    return %c0_i32, %c0_i32_0 : i32, i32
  }
}

module attributes {stable_mosaic.version = 14 : i64} {
  func.func @_route_body(%arg0: i32, %arg1: memref<256x2048xf32, #tpu.memory_space<vmem>>, %arg2: memref<1x2048xf32, #tpu.memory_space<vmem>>, %arg3: memref<1x2048xf32, #tpu.memory_space<vmem>>, %arg4: memref<1x2048xf32, #tpu.memory_space<vmem>>, %arg5: memref<1x2048xf32, #tpu.memory_space<vmem>>, %arg6: memref<16x128x128xf32, #tpu.memory_space<vmem>>, %arg7: memref<256x16xi32, #tpu.memory_space<vmem>>, %arg8: memref<256x16xf32, #tpu.memory_space<vmem>>) attributes {dimension_semantics = [#tpu.dimension_semantics<arbitrary>], iteration_bounds = array<i64: 16>, scalar_prefetch = 0 : i64, scratch_operands = 0 : i64, tpu.core_type = #tpu.core_type<tc>, window_params = [{transform_indices = @transform_0, window_bounds = array<i64: 256, 2048>}, {pipeline_mode = #tpu.pipeline_mode<synchronous>, transform_indices = @transform_1, window_bounds = array<i64: 1, 2048>}, {pipeline_mode = #tpu.pipeline_mode<synchronous>, transform_indices = @transform_2, window_bounds = array<i64: 1, 2048>}, {pipeline_mode = #tpu.pipeline_mode<synchronous>, transform_indices = @transform_3, window_bounds = array<i64: 1, 2048>}, {pipeline_mode = #tpu.pipeline_mode<synchronous>, transform_indices = @transform_4, window_bounds = array<i64: 1, 2048>}, {pipeline_mode = #tpu.pipeline_mode<synchronous>, transform_indices = @transform_5, window_bounds = array<i64: 16, 128, 128>}, {transform_indices = @transform_6, window_bounds = array<i64: 256, 16>}, {transform_indices = @transform_7, window_bounds = array<i64: 256, 16>}]} {
    %get3A = arith.constant 0 : index
    %get3A_0 = arith.constant 0 : index
    %get3A_1 = vector.load %arg2[%get3A, %get3A_0] : memref<1x2048xf32, #tpu.memory_space<vmem>>, vector<1x2048xf32>
    %div3A = arith.constant 4.096000e+03 : f32
    %div3A_2 = vector.broadcast %div3A : f32 to vector<1x2048xf32>
    %div3A_3 = arith.divf %get3A_1, %div3A_2 : vector<1x2048xf32>
    %get3A_4 = arith.constant 0 : index
    %get3A_5 = arith.constant 0 : index
    %get3A_6 = vector.load %arg3[%get3A_4, %get3A_5] : memref<1x2048xf32, #tpu.memory_space<vmem>>, vector<1x2048xf32>
    %div3A_7 = arith.constant 4.096000e+03 : f32
    %div3A_8 = vector.broadcast %div3A_7 : f32 to vector<1x2048xf32>
    %div3A_9 = arith.divf %get3A_6, %div3A_8 : vector<1x2048xf32>
    %mul3A = arith.mulf %div3A_3, %div3A_3 : vector<1x2048xf32>
    %sub3A = arith.subf %div3A_9, %mul3A : vector<1x2048xf32>
    %get3A_10 = arith.constant 0 : index
    %get3A_11 = arith.constant 0 : index
    %get3A_12 = vector.load %arg1[%get3A_10, %get3A_11] : memref<256x2048xf32, #tpu.memory_space<vmem>>, vector<256x2048xf32>
    %sub3A_13 = vector.broadcast %div3A_3 : vector<1x2048xf32> to vector<256x2048xf32>
    %sub3A_14 = arith.subf %get3A_12, %sub3A_13 : vector<256x2048xf32>
    %add3A = arith.constant 9.99999974E-6 : f32
    %add3A_15 = vector.broadcast %add3A : f32 to vector<1x2048xf32>
    %add3A_16 = arith.addf %sub3A, %add3A_15 : vector<1x2048xf32>
    %sqrt3A = math.sqrt %add3A_16 : vector<1x2048xf32>
    %div3A_17 = vector.broadcast %sqrt3A : vector<1x2048xf32> to vector<256x2048xf32>
    %div3A_18 = arith.divf %sub3A_14, %div3A_17 : vector<256x2048xf32>
    %get3A_19 = arith.constant 0 : index
    %get3A_20 = arith.constant 0 : index
    %get3A_21 = vector.load %arg4[%get3A_19, %get3A_20] : memref<1x2048xf32, #tpu.memory_space<vmem>>, vector<1x2048xf32>
    %mul3A_22 = vector.broadcast %get3A_21 : vector<1x2048xf32> to vector<256x2048xf32>
    %mul3A_23 = arith.mulf %div3A_18, %mul3A_22 : vector<256x2048xf32>
    %get3A_24 = arith.constant 0 : index
    %get3A_25 = arith.constant 0 : index
    %get3A_26 = vector.load %arg5[%get3A_24, %get3A_25] : memref<1x2048xf32, #tpu.memory_space<vmem>>, vector<1x2048xf32>
    %add3A_27 = vector.broadcast %get3A_26 : vector<1x2048xf32> to vector<256x2048xf32>
    %add3A_28 = arith.addf %mul3A_23, %add3A_27 : vector<256x2048xf32>
    %slice3A = vector.extract_strided_slice %add3A_28 {offsets = [0, 0], sizes = [256, 128], strides = [1, 1]} : vector<256x2048xf32> to vector<256x128xf32>
    %get3A_29 = arith.constant 0 : index
    %get3A_30 = arith.constant 0 : index
    %get3A_31 = arith.constant 0 : index
    %get3A_32 = vector.load %arg6[%get3A_29, %get3A_30, %get3A_31] : memref<16x128x128xf32, #tpu.memory_space<vmem>>, vector<1x128x128xf32>
    %get3A_33 = vector.shape_cast %get3A_32 : vector<1x128x128xf32> to vector<128x128xf32>
    %dot_general3A = arith.constant dense<0.000000e+00> : vector<256x128xf32>
    %dot_general3A_34 = tpu.matmul %slice3A, %get3A_33, %dot_general3A {dimension_numbers = #tpu.dot_dimension_numbers<[1], [1], [0], [0], [0, 0, 1, 0], [], []>, transpose_lhs_hint = false} : vector<256x128xf32>, vector<128x128xf32>, vector<256x128xf32> -> vector<256x128xf32>
    %iota3A = tpu.iota {dimensions = array<i32: 1>} : vector<256x128xi32>
    %reduce_max3A = arith.constant dense<0xFF800000> : vector<256xf32>
    %reduce_max3A_35 = vector.multi_reduction <maximumf>, %dot_general3A_34, %reduce_max3A [1] : vector<256x128xf32> to vector<256xf32>
    %broadcast_in_dim3A = vector.shape_cast %reduce_max3A_35 : vector<256xf32> to vector<256x1xf32>
    %eq3A = vector.broadcast %broadcast_in_dim3A : vector<256x1xf32> to vector<256x128xf32>
    %eq3A_36 = arith.cmpf oeq, %dot_general3A_34, %eq3A : vector<256x128xf32>
    %jit3A = arith.constant 128 : i32
    %broadcast_in_dim3A_37 = vector.broadcast %jit3A : i32 to vector<256x128xi32>
    %select_n3A = arith.select %eq3A_36, %iota3A, %broadcast_in_dim3A_37 : vector<256x128xi1>, vector<256x128xi32>
    %reduce_min3A = arith.constant dense<2147483647> : vector<256xi32>
    %reduce_min3A_38 = vector.multi_reduction <minsi>, %select_n3A, %reduce_min3A [1] : vector<256x128xi32> to vector<256xi32>
    %broadcast_in_dim3A_39 = vector.shape_cast %reduce_min3A_38 : vector<256xi32> to vector<256x1xi32>
    %eq3A_40 = vector.broadcast %broadcast_in_dim3A_39 : vector<256x1xi32> to vector<256x128xi32>
    %eq3A_41 = arith.cmpi eq, %iota3A, %eq3A_40 : vector<256x128xi32>
    %jit3A_42 = arith.constant 0xFF800000 : f32
    %broadcast_in_dim3A_43 = vector.broadcast %jit3A_42 : f32 to vector<256x128xf32>
    %select_n3A_44 = arith.select %eq3A_41, %broadcast_in_dim3A_43, %dot_general3A_34 : vector<256x128xi1>, vector<256x128xf32>
    %reduce_max3A_45 = arith.constant dense<0xFF800000> : vector<256xf32>
    %reduce_max3A_46 = vector.multi_reduction <maximumf>, %select_n3A_44, %reduce_max3A_45 [1] : vector<256x128xf32> to vector<256xf32>
    %broadcast_in_dim3A_47 = vector.shape_cast %reduce_max3A_46 : vector<256xf32> to vector<256x1xf32>
    %eq3A_48 = vector.broadcast %broadcast_in_dim3A_47 : vector<256x1xf32> to vector<256x128xf32>
    %eq3A_49 = arith.cmpf oeq, %select_n3A_44, %eq3A_48 : vector<256x128xf32>
    %jit3A_50 = arith.constant 128 : i32
    %broadcast_in_dim3A_51 = vector.broadcast %jit3A_50 : i32 to vector<256x128xi32>
    %select_n3A_52 = arith.select %eq3A_49, %iota3A, %broadcast_in_dim3A_51 : vector<256x128xi1>, vector<256x128xi32>
    %reduce_min3A_53 = arith.constant dense<2147483647> : vector<256xi32>
    %reduce_min3A_54 = vector.multi_reduction <minsi>, %select_n3A_52, %reduce_min3A_53 [1] : vector<256x128xi32> to vector<256xi32>
    %broadcast_in_dim3A_55 = vector.shape_cast %reduce_min3A_54 : vector<256xi32> to vector<256x1xi32>
    %slice3A_56 = vector.extract_strided_slice %add3A_28 {offsets = [0, 1024], sizes = [256, 128], strides = [1, 1]} : vector<256x2048xf32> to vector<256x128xf32>
    %get3A_57 = arith.constant 8 : index
    %get3A_58 = arith.constant 0 : index
    %get3A_59 = arith.constant 0 : index
    %get3A_60 = vector.load %arg6[%get3A_57, %get3A_58, %get3A_59] : memref<16x128x128xf32, #tpu.memory_space<vmem>>, vector<1x128x128xf32>
    %get3A_61 = vector.shape_cast %get3A_60 : vector<1x128x128xf32> to vector<128x128xf32>
    %dot_general3A_62 = arith.constant dense<0.000000e+00> : vector<256x128xf32>
    %dot_general3A_63 = tpu.matmul %slice3A_56, %get3A_61, %dot_general3A_62 {dimension_numbers = #tpu.dot_dimension_numbers<[1], [1], [0], [0], [0, 0, 1, 0], [], []>, transpose_lhs_hint = false} : vector<256x128xf32>, vector<128x128xf32>, vector<256x128xf32> -> vector<256x128xf32>
    %iota3A_64 = tpu.iota {dimensions = array<i32: 1>} : vector<256x128xi32>
    %reduce_max3A_65 = arith.constant dense<0xFF800000> : vector<256xf32>
    %reduce_max3A_66 = vector.multi_reduction <maximumf>, %dot_general3A_63, %reduce_max3A_65 [1] : vector<256x128xf32> to vector<256xf32>
    %broadcast_in_dim3A_67 = vector.shape_cast %reduce_max3A_66 : vector<256xf32> to vector<256x1xf32>
    %eq3A_68 = vector.broadcast %broadcast_in_dim3A_67 : vector<256x1xf32> to vector<256x128xf32>
    %eq3A_69 = arith.cmpf oeq, %dot_general3A_63, %eq3A_68 : vector<256x128xf32>
    %jit3A_70 = arith.constant 128 : i32
    %broadcast_in_dim3A_71 = vector.broadcast %jit3A_70 : i32 to vector<256x128xi32>
    %select_n3A_72 = arith.select %eq3A_69, %iota3A_64, %broadcast_in_dim3A_71 : vector<256x128xi1>, vector<256x128xi32>
    %reduce_min3A_73 = arith.constant dense<2147483647> : vector<256xi32>
    %reduce_min3A_74 = vector.multi_reduction <minsi>, %select_n3A_72, %reduce_min3A_73 [1] : vector<256x128xi32> to vector<256xi32>
    %broadcast_in_dim3A_75 = vector.shape_cast %reduce_min3A_74 : vector<256xi32> to vector<256x1xi32>
    %eq3A_76 = vector.broadcast %broadcast_in_dim3A_75 : vector<256x1xi32> to vector<256x128xi32>
    %eq3A_77 = arith.cmpi eq, %iota3A_64, %eq3A_76 : vector<256x128xi32>
    %jit3A_78 = arith.constant 0xFF800000 : f32
    %broadcast_in_dim3A_79 = vector.broadcast %jit3A_78 : f32 to vector<256x128xf32>
    %select_n3A_80 = arith.select %eq3A_77, %broadcast_in_dim3A_79, %dot_general3A_63 : vector<256x128xi1>, vector<256x128xf32>
    %reduce_max3A_81 = arith.constant dense<0xFF800000> : vector<256xf32>
    %reduce_max3A_82 = vector.multi_reduction <maximumf>, %select_n3A_80, %reduce_max3A_81 [1] : vector<256x128xf32> to vector<256xf32>
    %broadcast_in_dim3A_83 = vector.shape_cast %reduce_max3A_82 : vector<256xf32> to vector<256x1xf32>
    %eq3A_84 = vector.broadcast %broadcast_in_dim3A_83 : vector<256x1xf32> to vector<256x128xf32>
    %eq3A_85 = arith.cmpf oeq, %select_n3A_80, %eq3A_84 : vector<256x128xf32>
    %jit3A_86 = arith.constant 128 : i32
    %broadcast_in_dim3A_87 = vector.broadcast %jit3A_86 : i32 to vector<256x128xi32>
    %select_n3A_88 = arith.select %eq3A_85, %iota3A_64, %broadcast_in_dim3A_87 : vector<256x128xi1>, vector<256x128xi32>
    %reduce_min3A_89 = arith.constant dense<2147483647> : vector<256xi32>
    %reduce_min3A_90 = vector.multi_reduction <minsi>, %select_n3A_88, %reduce_min3A_89 [1] : vector<256x128xi32> to vector<256xi32>
    %broadcast_in_dim3A_91 = vector.shape_cast %reduce_min3A_90 : vector<256xi32> to vector<256x1xi32>
    %add3A_92 = arith.addf %broadcast_in_dim3A, %broadcast_in_dim3A_67 : vector<256x1xf32>
    %mul3A_93 = arith.constant 128 : i32
    %mul3A_94 = vector.broadcast %mul3A_93 : i32 to vector<256x1xi32>
    %mul3A_95 = arith.muli %broadcast_in_dim3A_39, %mul3A_94 : vector<256x1xi32>
    %add3A_96 = arith.addi %mul3A_95, %broadcast_in_dim3A_75 : vector<256x1xi32>
    %add3A_97 = arith.addf %broadcast_in_dim3A, %broadcast_in_dim3A_83 : vector<256x1xf32>
    %add3A_98 = arith.addf %broadcast_in_dim3A_47, %broadcast_in_dim3A_67 : vector<256x1xf32>
    %ge3A = arith.cmpf oge, %add3A_97, %add3A_98 : vector<256x1xf32>
    %select_n3A_99 = arith.select %ge3A, %add3A_97, %add3A_98 : vector<256x1xi1>, vector<256x1xf32>
    %mul3A_100 = arith.constant 128 : i32
    %mul3A_101 = vector.broadcast %mul3A_100 : i32 to vector<256x1xi32>
    %mul3A_102 = arith.muli %broadcast_in_dim3A_39, %mul3A_101 : vector<256x1xi32>
    %add3A_103 = arith.addi %mul3A_102, %broadcast_in_dim3A_91 : vector<256x1xi32>
    %mul3A_104 = arith.constant 128 : i32
    %mul3A_105 = vector.broadcast %mul3A_104 : i32 to vector<256x1xi32>
    %mul3A_106 = arith.muli %broadcast_in_dim3A_55, %mul3A_105 : vector<256x1xi32>
    %add3A_107 = arith.addi %mul3A_106, %broadcast_in_dim3A_75 : vector<256x1xi32>
    %select_n3A_108 = arith.select %ge3A, %add3A_103, %add3A_107 : vector<256x1xi1>, vector<256x1xi32>
    %sub3A_109 = arith.subf %select_n3A_99, %add3A_92 : vector<256x1xf32>
    %exp3A = math.exp %sub3A_109 : vector<256x1xf32>
    %add3A_110 = arith.constant 1.000000e+00 : f32
    %add3A_111 = vector.broadcast %add3A_110 : f32 to vector<256x1xf32>
    %add3A_112 = arith.addf %add3A_111, %exp3A : vector<256x1xf32>
    %div3A_113 = arith.constant 1.000000e+00 : f32
    %div3A_114 = vector.broadcast %div3A_113 : f32 to vector<256x1xf32>
    %div3A_115 = arith.divf %div3A_114, %add3A_112 : vector<256x1xf32>
    %div3A_116 = arith.divf %exp3A, %add3A_112 : vector<256x1xf32>
    %slice3A_117 = vector.extract_strided_slice %add3A_28 {offsets = [0, 128], sizes = [256, 128], strides = [1, 1]} : vector<256x2048xf32> to vector<256x128xf32>
    %get3A_118 = arith.constant 1 : index
    %get3A_119 = arith.constant 0 : index
    %get3A_120 = arith.constant 0 : index
    %get3A_121 = vector.load %arg6[%get3A_118, %get3A_119, %get3A_120] : memref<16x128x128xf32, #tpu.memory_space<vmem>>, vector<1x128x128xf32>
    %get3A_122 = vector.shape_cast %get3A_121 : vector<1x128x128xf32> to vector<128x128xf32>
    %dot_general3A_123 = arith.constant dense<0.000000e+00> : vector<256x128xf32>
    %dot_general3A_124 = tpu.matmul %slice3A_117, %get3A_122, %dot_general3A_123 {dimension_numbers = #tpu.dot_dimension_numbers<[1], [1], [0], [0], [0, 0, 1, 0], [], []>, transpose_lhs_hint = false} : vector<256x128xf32>, vector<128x128xf32>, vector<256x128xf32> -> vector<256x128xf32>
    %iota3A_125 = tpu.iota {dimensions = array<i32: 1>} : vector<256x128xi32>
    %reduce_max3A_126 = arith.constant dense<0xFF800000> : vector<256xf32>
    %reduce_max3A_127 = vector.multi_reduction <maximumf>, %dot_general3A_124, %reduce_max3A_126 [1] : vector<256x128xf32> to vector<256xf32>
    %broadcast_in_dim3A_128 = vector.shape_cast %reduce_max3A_127 : vector<256xf32> to vector<256x1xf32>
    %eq3A_129 = vector.broadcast %broadcast_in_dim3A_128 : vector<256x1xf32> to vector<256x128xf32>
    %eq3A_130 = arith.cmpf oeq, %dot_general3A_124, %eq3A_129 : vector<256x128xf32>
    %jit3A_131 = arith.constant 128 : i32
    %broadcast_in_dim3A_132 = vector.broadcast %jit3A_131 : i32 to vector<256x128xi32>
    %select_n3A_133 = arith.select %eq3A_130, %iota3A_125, %broadcast_in_dim3A_132 : vector<256x128xi1>, vector<256x128xi32>
    %reduce_min3A_134 = arith.constant dense<2147483647> : vector<256xi32>
    %reduce_min3A_135 = vector.multi_reduction <minsi>, %select_n3A_133, %reduce_min3A_134 [1] : vector<256x128xi32> to vector<256xi32>
    %broadcast_in_dim3A_136 = vector.shape_cast %reduce_min3A_135 : vector<256xi32> to vector<256x1xi32>
    %eq3A_137 = vector.broadcast %broadcast_in_dim3A_136 : vector<256x1xi32> to vector<256x128xi32>
    %eq3A_138 = arith.cmpi eq, %iota3A_125, %eq3A_137 : vector<256x128xi32>
    %jit3A_139 = arith.constant 0xFF800000 : f32
    %broadcast_in_dim3A_140 = vector.broadcast %jit3A_139 : f32 to vector<256x128xf32>
    %select_n3A_141 = arith.select %eq3A_138, %broadcast_in_dim3A_140, %dot_general3A_124 : vector<256x128xi1>, vector<256x128xf32>
    %reduce_max3A_142 = arith.constant dense<0xFF800000> : vector<256xf32>
    %reduce_max3A_143 = vector.multi_reduction <maximumf>, %select_n3A_141, %reduce_max3A_142 [1] : vector<256x128xf32> to vector<256xf32>
    %broadcast_in_dim3A_144 = vector.shape_cast %reduce_max3A_143 : vector<256xf32> to vector<256x1xf32>
    %eq3A_145 = vector.broadcast %broadcast_in_dim3A_144 : vector<256x1xf32> to vector<256x128xf32>
    %eq3A_146 = arith.cmpf oeq, %select_n3A_141, %eq3A_145 : vector<256x128xf32>
    %jit3A_147 = arith.constant 128 : i32
    %broadcast_in_dim3A_148 = vector.broadcast %jit3A_147 : i32 to vector<256x128xi32>
    %select_n3A_149 = arith.select %eq3A_146, %iota3A_125, %broadcast_in_dim3A_148 : vector<256x128xi1>, vector<256x128xi32>
    %reduce_min3A_150 = arith.constant dense<2147483647> : vector<256xi32>
    %reduce_min3A_151 = vector.multi_reduction <minsi>, %select_n3A_149, %reduce_min3A_150 [1] : vector<256x128xi32> to vector<256xi32>
    %broadcast_in_dim3A_152 = vector.shape_cast %reduce_min3A_151 : vector<256xi32> to vector<256x1xi32>
    %slice3A_153 = vector.extract_strided_slice %add3A_28 {offsets = [0, 1152], sizes = [256, 128], strides = [1, 1]} : vector<256x2048xf32> to vector<256x128xf32>
    %get3A_154 = arith.constant 9 : index
    %get3A_155 = arith.constant 0 : index
    %get3A_156 = arith.constant 0 : index
    %get3A_157 = vector.load %arg6[%get3A_154, %get3A_155, %get3A_156] : memref<16x128x128xf32, #tpu.memory_space<vmem>>, vector<1x128x128xf32>
    %get3A_158 = vector.shape_cast %get3A_157 : vector<1x128x128xf32> to vector<128x128xf32>
    %dot_general3A_159 = arith.constant dense<0.000000e+00> : vector<256x128xf32>
    %dot_general3A_160 = tpu.matmul %slice3A_153, %get3A_158, %dot_general3A_159 {dimension_numbers = #tpu.dot_dimension_numbers<[1], [1], [0], [0], [0, 0, 1, 0], [], []>, transpose_lhs_hint = false} : vector<256x128xf32>, vector<128x128xf32>, vector<256x128xf32> -> vector<256x128xf32>
    %iota3A_161 = tpu.iota {dimensions = array<i32: 1>} : vector<256x128xi32>
    %reduce_max3A_162 = arith.constant dense<0xFF800000> : vector<256xf32>
    %reduce_max3A_163 = vector.multi_reduction <maximumf>, %dot_general3A_160, %reduce_max3A_162 [1] : vector<256x128xf32> to vector<256xf32>
    %broadcast_in_dim3A_164 = vector.shape_cast %reduce_max3A_163 : vector<256xf32> to vector<256x1xf32>
    %eq3A_165 = vector.broadcast %broadcast_in_dim3A_164 : vector<256x1xf32> to vector<256x128xf32>
    %eq3A_166 = arith.cmpf oeq, %dot_general3A_160, %eq3A_165 : vector<256x128xf32>
    %jit3A_167 = arith.constant 128 : i32
    %broadcast_in_dim3A_168 = vector.broadcast %jit3A_167 : i32 to vector<256x128xi32>
    %select_n3A_169 = arith.select %eq3A_166, %iota3A_161, %broadcast_in_dim3A_168 : vector<256x128xi1>, vector<256x128xi32>
    %reduce_min3A_170 = arith.constant dense<2147483647> : vector<256xi32>
    %reduce_min3A_171 = vector.multi_reduction <minsi>, %select_n3A_169, %reduce_min3A_170 [1] : vector<256x128xi32> to vector<256xi32>
    %broadcast_in_dim3A_172 = vector.shape_cast %reduce_min3A_171 : vector<256xi32> to vector<256x1xi32>
    %eq3A_173 = vector.broadcast %broadcast_in_dim3A_172 : vector<256x1xi32> to vector<256x128xi32>
    %eq3A_174 = arith.cmpi eq, %iota3A_161, %eq3A_173 : vector<256x128xi32>
    %jit3A_175 = arith.constant 0xFF800000 : f32
    %broadcast_in_dim3A_176 = vector.broadcast %jit3A_175 : f32 to vector<256x128xf32>
    %select_n3A_177 = arith.select %eq3A_174, %broadcast_in_dim3A_176, %dot_general3A_160 : vector<256x128xi1>, vector<256x128xf32>
    %reduce_max3A_178 = arith.constant dense<0xFF800000> : vector<256xf32>
    %reduce_max3A_179 = vector.multi_reduction <maximumf>, %select_n3A_177, %reduce_max3A_178 [1] : vector<256x128xf32> to vector<256xf32>
    %broadcast_in_dim3A_180 = vector.shape_cast %reduce_max3A_179 : vector<256xf32> to vector<256x1xf32>
    %eq3A_181 = vector.broadcast %broadcast_in_dim3A_180 : vector<256x1xf32> to vector<256x128xf32>
    %eq3A_182 = arith.cmpf oeq, %select_n3A_177, %eq3A_181 : vector<256x128xf32>
    %jit3A_183 = arith.constant 128 : i32
    %broadcast_in_dim3A_184 = vector.broadcast %jit3A_183 : i32 to vector<256x128xi32>
    %select_n3A_185 = arith.select %eq3A_182, %iota3A_161, %broadcast_in_dim3A_184 : vector<256x128xi1>, vector<256x128xi32>
    %reduce_min3A_186 = arith.constant dense<2147483647> : vector<256xi32>
    %reduce_min3A_187 = vector.multi_reduction <minsi>, %select_n3A_185, %reduce_min3A_186 [1] : vector<256x128xi32> to vector<256xi32>
    %broadcast_in_dim3A_188 = vector.shape_cast %reduce_min3A_187 : vector<256xi32> to vector<256x1xi32>
    %add3A_189 = arith.addf %broadcast_in_dim3A_128, %broadcast_in_dim3A_164 : vector<256x1xf32>
    %mul3A_190 = arith.constant 128 : i32
    %mul3A_191 = vector.broadcast %mul3A_190 : i32 to vector<256x1xi32>
    %mul3A_192 = arith.muli %broadcast_in_dim3A_136, %mul3A_191 : vector<256x1xi32>
    %add3A_193 = arith.addi %mul3A_192, %broadcast_in_dim3A_172 : vector<256x1xi32>
    %add3A_194 = arith.addf %broadcast_in_dim3A_128, %broadcast_in_dim3A_180 : vector<256x1xf32>
    %add3A_195 = arith.addf %broadcast_in_dim3A_144, %broadcast_in_dim3A_164 : vector<256x1xf32>
    %ge3A_196 = arith.cmpf oge, %add3A_194, %add3A_195 : vector<256x1xf32>
    %select_n3A_197 = arith.select %ge3A_196, %add3A_194, %add3A_195 : vector<256x1xi1>, vector<256x1xf32>
    %mul3A_198 = arith.constant 128 : i32
    %mul3A_199 = vector.broadcast %mul3A_198 : i32 to vector<256x1xi32>
    %mul3A_200 = arith.muli %broadcast_in_dim3A_136, %mul3A_199 : vector<256x1xi32>
    %add3A_201 = arith.addi %mul3A_200, %broadcast_in_dim3A_188 : vector<256x1xi32>
    %mul3A_202 = arith.constant 128 : i32
    %mul3A_203 = vector.broadcast %mul3A_202 : i32 to vector<256x1xi32>
    %mul3A_204 = arith.muli %broadcast_in_dim3A_152, %mul3A_203 : vector<256x1xi32>
    %add3A_205 = arith.addi %mul3A_204, %broadcast_in_dim3A_172 : vector<256x1xi32>
    %select_n3A_206 = arith.select %ge3A_196, %add3A_201, %add3A_205 : vector<256x1xi1>, vector<256x1xi32>
    %sub3A_207 = arith.subf %select_n3A_197, %add3A_189 : vector<256x1xf32>
    %exp3A_208 = math.exp %sub3A_207 : vector<256x1xf32>
    %add3A_209 = arith.constant 1.000000e+00 : f32
    %add3A_210 = vector.broadcast %add3A_209 : f32 to vector<256x1xf32>
    %add3A_211 = arith.addf %add3A_210, %exp3A_208 : vector<256x1xf32>
    %div3A_212 = arith.constant 1.000000e+00 : f32
    %div3A_213 = vector.broadcast %div3A_212 : f32 to vector<256x1xf32>
    %div3A_214 = arith.divf %div3A_213, %add3A_211 : vector<256x1xf32>
    %div3A_215 = arith.divf %exp3A_208, %add3A_211 : vector<256x1xf32>
    %slice3A_216 = vector.extract_strided_slice %add3A_28 {offsets = [0, 256], sizes = [256, 128], strides = [1, 1]} : vector<256x2048xf32> to vector<256x128xf32>
    %get3A_217 = arith.constant 2 : index
    %get3A_218 = arith.constant 0 : index
    %get3A_219 = arith.constant 0 : index
    %get3A_220 = vector.load %arg6[%get3A_217, %get3A_218, %get3A_219] : memref<16x128x128xf32, #tpu.memory_space<vmem>>, vector<1x128x128xf32>
    %get3A_221 = vector.shape_cast %get3A_220 : vector<1x128x128xf32> to vector<128x128xf32>
    %dot_general3A_222 = arith.constant dense<0.000000e+00> : vector<256x128xf32>
    %dot_general3A_223 = tpu.matmul %slice3A_216, %get3A_221, %dot_general3A_222 {dimension_numbers = #tpu.dot_dimension_numbers<[1], [1], [0], [0], [0, 0, 1, 0], [], []>, transpose_lhs_hint = false} : vector<256x128xf32>, vector<128x128xf32>, vector<256x128xf32> -> vector<256x128xf32>
    %iota3A_224 = tpu.iota {dimensions = array<i32: 1>} : vector<256x128xi32>
    %reduce_max3A_225 = arith.constant dense<0xFF800000> : vector<256xf32>
    %reduce_max3A_226 = vector.multi_reduction <maximumf>, %dot_general3A_223, %reduce_max3A_225 [1] : vector<256x128xf32> to vector<256xf32>
    %broadcast_in_dim3A_227 = vector.shape_cast %reduce_max3A_226 : vector<256xf32> to vector<256x1xf32>
    %eq3A_228 = vector.broadcast %broadcast_in_dim3A_227 : vector<256x1xf32> to vector<256x128xf32>
    %eq3A_229 = arith.cmpf oeq, %dot_general3A_223, %eq3A_228 : vector<256x128xf32>
    %jit3A_230 = arith.constant 128 : i32
    %broadcast_in_dim3A_231 = vector.broadcast %jit3A_230 : i32 to vector<256x128xi32>
    %select_n3A_232 = arith.select %eq3A_229, %iota3A_224, %broadcast_in_dim3A_231 : vector<256x128xi1>, vector<256x128xi32>
    %reduce_min3A_233 = arith.constant dense<2147483647> : vector<256xi32>
    %reduce_min3A_234 = vector.multi_reduction <minsi>, %select_n3A_232, %reduce_min3A_233 [1] : vector<256x128xi32> to vector<256xi32>
    %broadcast_in_dim3A_235 = vector.shape_cast %reduce_min3A_234 : vector<256xi32> to vector<256x1xi32>
    %eq3A_236 = vector.broadcast %broadcast_in_dim3A_235 : vector<256x1xi32> to vector<256x128xi32>
    %eq3A_237 = arith.cmpi eq, %iota3A_224, %eq3A_236 : vector<256x128xi32>
    %jit3A_238 = arith.constant 0xFF800000 : f32
    %broadcast_in_dim3A_239 = vector.broadcast %jit3A_238 : f32 to vector<256x128xf32>
    %select_n3A_240 = arith.select %eq3A_237, %broadcast_in_dim3A_239, %dot_general3A_223 : vector<256x128xi1>, vector<256x128xf32>
    %reduce_max3A_241 = arith.constant dense<0xFF800000> : vector<256xf32>
    %reduce_max3A_242 = vector.multi_reduction <maximumf>, %select_n3A_240, %reduce_max3A_241 [1] : vector<256x128xf32> to vector<256xf32>
    %broadcast_in_dim3A_243 = vector.shape_cast %reduce_max3A_242 : vector<256xf32> to vector<256x1xf32>
    %eq3A_244 = vector.broadcast %broadcast_in_dim3A_243 : vector<256x1xf32> to vector<256x128xf32>
    %eq3A_245 = arith.cmpf oeq, %select_n3A_240, %eq3A_244 : vector<256x128xf32>
    %jit3A_246 = arith.constant 128 : i32
    %broadcast_in_dim3A_247 = vector.broadcast %jit3A_246 : i32 to vector<256x128xi32>
    %select_n3A_248 = arith.select %eq3A_245, %iota3A_224, %broadcast_in_dim3A_247 : vector<256x128xi1>, vector<256x128xi32>
    %reduce_min3A_249 = arith.constant dense<2147483647> : vector<256xi32>
    %reduce_min3A_250 = vector.multi_reduction <minsi>, %select_n3A_248, %reduce_min3A_249 [1] : vector<256x128xi32> to vector<256xi32>
    %broadcast_in_dim3A_251 = vector.shape_cast %reduce_min3A_250 : vector<256xi32> to vector<256x1xi32>
    %slice3A_252 = vector.extract_strided_slice %add3A_28 {offsets = [0, 1280], sizes = [256, 128], strides = [1, 1]} : vector<256x2048xf32> to vector<256x128xf32>
    %get3A_253 = arith.constant 10 : index
    %get3A_254 = arith.constant 0 : index
    %get3A_255 = arith.constant 0 : index
    %get3A_256 = vector.load %arg6[%get3A_253, %get3A_254, %get3A_255] : memref<16x128x128xf32, #tpu.memory_space<vmem>>, vector<1x128x128xf32>
    %get3A_257 = vector.shape_cast %get3A_256 : vector<1x128x128xf32> to vector<128x128xf32>
    %dot_general3A_258 = arith.constant dense<0.000000e+00> : vector<256x128xf32>
    %dot_general3A_259 = tpu.matmul %slice3A_252, %get3A_257, %dot_general3A_258 {dimension_numbers = #tpu.dot_dimension_numbers<[1], [1], [0], [0], [0, 0, 1, 0], [], []>, transpose_lhs_hint = false} : vector<256x128xf32>, vector<128x128xf32>, vector<256x128xf32> -> vector<256x128xf32>
    %iota3A_260 = tpu.iota {dimensions = array<i32: 1>} : vector<256x128xi32>
    %reduce_max3A_261 = arith.constant dense<0xFF800000> : vector<256xf32>
    %reduce_max3A_262 = vector.multi_reduction <maximumf>, %dot_general3A_259, %reduce_max3A_261 [1] : vector<256x128xf32> to vector<256xf32>
    %broadcast_in_dim3A_263 = vector.shape_cast %reduce_max3A_262 : vector<256xf32> to vector<256x1xf32>
    %eq3A_264 = vector.broadcast %broadcast_in_dim3A_263 : vector<256x1xf32> to vector<256x128xf32>
    %eq3A_265 = arith.cmpf oeq, %dot_general3A_259, %eq3A_264 : vector<256x128xf32>
    %jit3A_266 = arith.constant 128 : i32
    %broadcast_in_dim3A_267 = vector.broadcast %jit3A_266 : i32 to vector<256x128xi32>
    %select_n3A_268 = arith.select %eq3A_265, %iota3A_260, %broadcast_in_dim3A_267 : vector<256x128xi1>, vector<256x128xi32>
    %reduce_min3A_269 = arith.constant dense<2147483647> : vector<256xi32>
    %reduce_min3A_270 = vector.multi_reduction <minsi>, %select_n3A_268, %reduce_min3A_269 [1] : vector<256x128xi32> to vector<256xi32>
    %broadcast_in_dim3A_271 = vector.shape_cast %reduce_min3A_270 : vector<256xi32> to vector<256x1xi32>
    %eq3A_272 = vector.broadcast %broadcast_in_dim3A_271 : vector<256x1xi32> to vector<256x128xi32>
    %eq3A_273 = arith.cmpi eq, %iota3A_260, %eq3A_272 : vector<256x128xi32>
    %jit3A_274 = arith.constant 0xFF800000 : f32
    %broadcast_in_dim3A_275 = vector.broadcast %jit3A_274 : f32 to vector<256x128xf32>
    %select_n3A_276 = arith.select %eq3A_273, %broadcast_in_dim3A_275, %dot_general3A_259 : vector<256x128xi1>, vector<256x128xf32>
    %reduce_max3A_277 = arith.constant dense<0xFF800000> : vector<256xf32>
    %reduce_max3A_278 = vector.multi_reduction <maximumf>, %select_n3A_276, %reduce_max3A_277 [1] : vector<256x128xf32> to vector<256xf32>
    %broadcast_in_dim3A_279 = vector.shape_cast %reduce_max3A_278 : vector<256xf32> to vector<256x1xf32>
    %eq3A_280 = vector.broadcast %broadcast_in_dim3A_279 : vector<256x1xf32> to vector<256x128xf32>
    %eq3A_281 = arith.cmpf oeq, %select_n3A_276, %eq3A_280 : vector<256x128xf32>
    %jit3A_282 = arith.constant 128 : i32
    %broadcast_in_dim3A_283 = vector.broadcast %jit3A_282 : i32 to vector<256x128xi32>
    %select_n3A_284 = arith.select %eq3A_281, %iota3A_260, %broadcast_in_dim3A_283 : vector<256x128xi1>, vector<256x128xi32>
    %reduce_min3A_285 = arith.constant dense<2147483647> : vector<256xi32>
    %reduce_min3A_286 = vector.multi_reduction <minsi>, %select_n3A_284, %reduce_min3A_285 [1] : vector<256x128xi32> to vector<256xi32>
    %broadcast_in_dim3A_287 = vector.shape_cast %reduce_min3A_286 : vector<256xi32> to vector<256x1xi32>
    %add3A_288 = arith.addf %broadcast_in_dim3A_227, %broadcast_in_dim3A_263 : vector<256x1xf32>
    %mul3A_289 = arith.constant 128 : i32
    %mul3A_290 = vector.broadcast %mul3A_289 : i32 to vector<256x1xi32>
    %mul3A_291 = arith.muli %broadcast_in_dim3A_235, %mul3A_290 : vector<256x1xi32>
    %add3A_292 = arith.addi %mul3A_291, %broadcast_in_dim3A_271 : vector<256x1xi32>
    %add3A_293 = arith.addf %broadcast_in_dim3A_227, %broadcast_in_dim3A_279 : vector<256x1xf32>
    %add3A_294 = arith.addf %broadcast_in_dim3A_243, %broadcast_in_dim3A_263 : vector<256x1xf32>
    %ge3A_295 = arith.cmpf oge, %add3A_293, %add3A_294 : vector<256x1xf32>
    %select_n3A_296 = arith.select %ge3A_295, %add3A_293, %add3A_294 : vector<256x1xi1>, vector<256x1xf32>
    %mul3A_297 = arith.constant 128 : i32
    %mul3A_298 = vector.broadcast %mul3A_297 : i32 to vector<256x1xi32>
    %mul3A_299 = arith.muli %broadcast_in_dim3A_235, %mul3A_298 : vector<256x1xi32>
    %add3A_300 = arith.addi %mul3A_299, %broadcast_in_dim3A_287 : vector<256x1xi32>
    %mul3A_301 = arith.constant 128 : i32
    %mul3A_302 = vector.broadcast %mul3A_301 : i32 to vector<256x1xi32>
    %mul3A_303 = arith.muli %broadcast_in_dim3A_251, %mul3A_302 : vector<256x1xi32>
    %add3A_304 = arith.addi %mul3A_303, %broadcast_in_dim3A_271 : vector<256x1xi32>
    %select_n3A_305 = arith.select %ge3A_295, %add3A_300, %add3A_304 : vector<256x1xi1>, vector<256x1xi32>
    %sub3A_306 = arith.subf %select_n3A_296, %add3A_288 : vector<256x1xf32>
    %exp3A_307 = math.exp %sub3A_306 : vector<256x1xf32>
    %add3A_308 = arith.constant 1.000000e+00 : f32
    %add3A_309 = vector.broadcast %add3A_308 : f32 to vector<256x1xf32>
    %add3A_310 = arith.addf %add3A_309, %exp3A_307 : vector<256x1xf32>
    %div3A_311 = arith.constant 1.000000e+00 : f32
    %div3A_312 = vector.broadcast %div3A_311 : f32 to vector<256x1xf32>
    %div3A_313 = arith.divf %div3A_312, %add3A_310 : vector<256x1xf32>
    %div3A_314 = arith.divf %exp3A_307, %add3A_310 : vector<256x1xf32>
    %slice3A_315 = vector.extract_strided_slice %add3A_28 {offsets = [0, 384], sizes = [256, 128], strides = [1, 1]} : vector<256x2048xf32> to vector<256x128xf32>
    %get3A_316 = arith.constant 3 : index
    %get3A_317 = arith.constant 0 : index
    %get3A_318 = arith.constant 0 : index
    %get3A_319 = vector.load %arg6[%get3A_316, %get3A_317, %get3A_318] : memref<16x128x128xf32, #tpu.memory_space<vmem>>, vector<1x128x128xf32>
    %get3A_320 = vector.shape_cast %get3A_319 : vector<1x128x128xf32> to vector<128x128xf32>
    %dot_general3A_321 = arith.constant dense<0.000000e+00> : vector<256x128xf32>
    %dot_general3A_322 = tpu.matmul %slice3A_315, %get3A_320, %dot_general3A_321 {dimension_numbers = #tpu.dot_dimension_numbers<[1], [1], [0], [0], [0, 0, 1, 0], [], []>, transpose_lhs_hint = false} : vector<256x128xf32>, vector<128x128xf32>, vector<256x128xf32> -> vector<256x128xf32>
    %iota3A_323 = tpu.iota {dimensions = array<i32: 1>} : vector<256x128xi32>
    %reduce_max3A_324 = arith.constant dense<0xFF800000> : vector<256xf32>
    %reduce_max3A_325 = vector.multi_reduction <maximumf>, %dot_general3A_322, %reduce_max3A_324 [1] : vector<256x128xf32> to vector<256xf32>
    %broadcast_in_dim3A_326 = vector.shape_cast %reduce_max3A_325 : vector<256xf32> to vector<256x1xf32>
    %eq3A_327 = vector.broadcast %broadcast_in_dim3A_326 : vector<256x1xf32> to vector<256x128xf32>
    %eq3A_328 = arith.cmpf oeq, %dot_general3A_322, %eq3A_327 : vector<256x128xf32>
    %jit3A_329 = arith.constant 128 : i32
    %broadcast_in_dim3A_330 = vector.broadcast %jit3A_329 : i32 to vector<256x128xi32>
    %select_n3A_331 = arith.select %eq3A_328, %iota3A_323, %broadcast_in_dim3A_330 : vector<256x128xi1>, vector<256x128xi32>
    %reduce_min3A_332 = arith.constant dense<2147483647> : vector<256xi32>
    %reduce_min3A_333 = vector.multi_reduction <minsi>, %select_n3A_331, %reduce_min3A_332 [1] : vector<256x128xi32> to vector<256xi32>
    %broadcast_in_dim3A_334 = vector.shape_cast %reduce_min3A_333 : vector<256xi32> to vector<256x1xi32>
    %eq3A_335 = vector.broadcast %broadcast_in_dim3A_334 : vector<256x1xi32> to vector<256x128xi32>
    %eq3A_336 = arith.cmpi eq, %iota3A_323, %eq3A_335 : vector<256x128xi32>
    %jit3A_337 = arith.constant 0xFF800000 : f32
    %broadcast_in_dim3A_338 = vector.broadcast %jit3A_337 : f32 to vector<256x128xf32>
    %select_n3A_339 = arith.select %eq3A_336, %broadcast_in_dim3A_338, %dot_general3A_322 : vector<256x128xi1>, vector<256x128xf32>
    %reduce_max3A_340 = arith.constant dense<0xFF800000> : vector<256xf32>
    %reduce_max3A_341 = vector.multi_reduction <maximumf>, %select_n3A_339, %reduce_max3A_340 [1] : vector<256x128xf32> to vector<256xf32>
    %broadcast_in_dim3A_342 = vector.shape_cast %reduce_max3A_341 : vector<256xf32> to vector<256x1xf32>
    %eq3A_343 = vector.broadcast %broadcast_in_dim3A_342 : vector<256x1xf32> to vector<256x128xf32>
    %eq3A_344 = arith.cmpf oeq, %select_n3A_339, %eq3A_343 : vector<256x128xf32>
    %jit3A_345 = arith.constant 128 : i32
    %broadcast_in_dim3A_346 = vector.broadcast %jit3A_345 : i32 to vector<256x128xi32>
    %select_n3A_347 = arith.select %eq3A_344, %iota3A_323, %broadcast_in_dim3A_346 : vector<256x128xi1>, vector<256x128xi32>
    %reduce_min3A_348 = arith.constant dense<2147483647> : vector<256xi32>
    %reduce_min3A_349 = vector.multi_reduction <minsi>, %select_n3A_347, %reduce_min3A_348 [1] : vector<256x128xi32> to vector<256xi32>
    %broadcast_in_dim3A_350 = vector.shape_cast %reduce_min3A_349 : vector<256xi32> to vector<256x1xi32>
    %slice3A_351 = vector.extract_strided_slice %add3A_28 {offsets = [0, 1408], sizes = [256, 128], strides = [1, 1]} : vector<256x2048xf32> to vector<256x128xf32>
    %get3A_352 = arith.constant 11 : index
    %get3A_353 = arith.constant 0 : index
    %get3A_354 = arith.constant 0 : index
    %get3A_355 = vector.load %arg6[%get3A_352, %get3A_353, %get3A_354] : memref<16x128x128xf32, #tpu.memory_space<vmem>>, vector<1x128x128xf32>
    %get3A_356 = vector.shape_cast %get3A_355 : vector<1x128x128xf32> to vector<128x128xf32>
    %dot_general3A_357 = arith.constant dense<0.000000e+00> : vector<256x128xf32>
    %dot_general3A_358 = tpu.matmul %slice3A_351, %get3A_356, %dot_general3A_357 {dimension_numbers = #tpu.dot_dimension_numbers<[1], [1], [0], [0], [0, 0, 1, 0], [], []>, transpose_lhs_hint = false} : vector<256x128xf32>, vector<128x128xf32>, vector<256x128xf32> -> vector<256x128xf32>
    %iota3A_359 = tpu.iota {dimensions = array<i32: 1>} : vector<256x128xi32>
    %reduce_max3A_360 = arith.constant dense<0xFF800000> : vector<256xf32>
    %reduce_max3A_361 = vector.multi_reduction <maximumf>, %dot_general3A_358, %reduce_max3A_360 [1] : vector<256x128xf32> to vector<256xf32>
    %broadcast_in_dim3A_362 = vector.shape_cast %reduce_max3A_361 : vector<256xf32> to vector<256x1xf32>
    %eq3A_363 = vector.broadcast %broadcast_in_dim3A_362 : vector<256x1xf32> to vector<256x128xf32>
    %eq3A_364 = arith.cmpf oeq, %dot_general3A_358, %eq3A_363 : vector<256x128xf32>
    %jit3A_365 = arith.constant 128 : i32
    %broadcast_in_dim3A_366 = vector.broadcast %jit3A_365 : i32 to vector<256x128xi32>
    %select_n3A_367 = arith.select %eq3A_364, %iota3A_359, %broadcast_in_dim3A_366 : vector<256x128xi1>, vector<256x128xi32>
    %reduce_min3A_368 = arith.constant dense<2147483647> : vector<256xi32>
    %reduce_min3A_369 = vector.multi_reduction <minsi>, %select_n3A_367, %reduce_min3A_368 [1] : vector<256x128xi32> to vector<256xi32>
    %broadcast_in_dim3A_370 = vector.shape_cast %reduce_min3A_369 : vector<256xi32> to vector<256x1xi32>
    %eq3A_371 = vector.broadcast %broadcast_in_dim3A_370 : vector<256x1xi32> to vector<256x128xi32>
    %eq3A_372 = arith.cmpi eq, %iota3A_359, %eq3A_371 : vector<256x128xi32>
    %jit3A_373 = arith.constant 0xFF800000 : f32
    %broadcast_in_dim3A_374 = vector.broadcast %jit3A_373 : f32 to vector<256x128xf32>
    %select_n3A_375 = arith.select %eq3A_372, %broadcast_in_dim3A_374, %dot_general3A_358 : vector<256x128xi1>, vector<256x128xf32>
    %reduce_max3A_376 = arith.constant dense<0xFF800000> : vector<256xf32>
    %reduce_max3A_377 = vector.multi_reduction <maximumf>, %select_n3A_375, %reduce_max3A_376 [1] : vector<256x128xf32> to vector<256xf32>
    %broadcast_in_dim3A_378 = vector.shape_cast %reduce_max3A_377 : vector<256xf32> to vector<256x1xf32>
    %eq3A_379 = vector.broadcast %broadcast_in_dim3A_378 : vector<256x1xf32> to vector<256x128xf32>
    %eq3A_380 = arith.cmpf oeq, %select_n3A_375, %eq3A_379 : vector<256x128xf32>
    %jit3A_381 = arith.constant 128 : i32
    %broadcast_in_dim3A_382 = vector.broadcast %jit3A_381 : i32 to vector<256x128xi32>
    %select_n3A_383 = arith.select %eq3A_380, %iota3A_359, %broadcast_in_dim3A_382 : vector<256x128xi1>, vector<256x128xi32>
    %reduce_min3A_384 = arith.constant dense<2147483647> : vector<256xi32>
    %reduce_min3A_385 = vector.multi_reduction <minsi>, %select_n3A_383, %reduce_min3A_384 [1] : vector<256x128xi32> to vector<256xi32>
    %broadcast_in_dim3A_386 = vector.shape_cast %reduce_min3A_385 : vector<256xi32> to vector<256x1xi32>
    %add3A_387 = arith.addf %broadcast_in_dim3A_326, %broadcast_in_dim3A_362 : vector<256x1xf32>
    %mul3A_388 = arith.constant 128 : i32
    %mul3A_389 = vector.broadcast %mul3A_388 : i32 to vector<256x1xi32>
    %mul3A_390 = arith.muli %broadcast_in_dim3A_334, %mul3A_389 : vector<256x1xi32>
    %add3A_391 = arith.addi %mul3A_390, %broadcast_in_dim3A_370 : vector<256x1xi32>
    %add3A_392 = arith.addf %broadcast_in_dim3A_326, %broadcast_in_dim3A_378 : vector<256x1xf32>
    %add3A_393 = arith.addf %broadcast_in_dim3A_342, %broadcast_in_dim3A_362 : vector<256x1xf32>
    %ge3A_394 = arith.cmpf oge, %add3A_392, %add3A_393 : vector<256x1xf32>
    %select_n3A_395 = arith.select %ge3A_394, %add3A_392, %add3A_393 : vector<256x1xi1>, vector<256x1xf32>
    %mul3A_396 = arith.constant 128 : i32
    %mul3A_397 = vector.broadcast %mul3A_396 : i32 to vector<256x1xi32>
    %mul3A_398 = arith.muli %broadcast_in_dim3A_334, %mul3A_397 : vector<256x1xi32>
    %add3A_399 = arith.addi %mul3A_398, %broadcast_in_dim3A_386 : vector<256x1xi32>
    %mul3A_400 = arith.constant 128 : i32
    %mul3A_401 = vector.broadcast %mul3A_400 : i32 to vector<256x1xi32>
    %mul3A_402 = arith.muli %broadcast_in_dim3A_350, %mul3A_401 : vector<256x1xi32>
    %add3A_403 = arith.addi %mul3A_402, %broadcast_in_dim3A_370 : vector<256x1xi32>
    %select_n3A_404 = arith.select %ge3A_394, %add3A_399, %add3A_403 : vector<256x1xi1>, vector<256x1xi32>
    %sub3A_405 = arith.subf %select_n3A_395, %add3A_387 : vector<256x1xf32>
    %exp3A_406 = math.exp %sub3A_405 : vector<256x1xf32>
    %add3A_407 = arith.constant 1.000000e+00 : f32
    %add3A_408 = vector.broadcast %add3A_407 : f32 to vector<256x1xf32>
    %add3A_409 = arith.addf %add3A_408, %exp3A_406 : vector<256x1xf32>
    %div3A_410 = arith.constant 1.000000e+00 : f32
    %div3A_411 = vector.broadcast %div3A_410 : f32 to vector<256x1xf32>
    %div3A_412 = arith.divf %div3A_411, %add3A_409 : vector<256x1xf32>
    %div3A_413 = arith.divf %exp3A_406, %add3A_409 : vector<256x1xf32>
    %slice3A_414 = vector.extract_strided_slice %add3A_28 {offsets = [0, 512], sizes = [256, 128], strides = [1, 1]} : vector<256x2048xf32> to vector<256x128xf32>
    %get3A_415 = arith.constant 4 : index
    %get3A_416 = arith.constant 0 : index
    %get3A_417 = arith.constant 0 : index
    %get3A_418 = vector.load %arg6[%get3A_415, %get3A_416, %get3A_417] : memref<16x128x128xf32, #tpu.memory_space<vmem>>, vector<1x128x128xf32>
    %get3A_419 = vector.shape_cast %get3A_418 : vector<1x128x128xf32> to vector<128x128xf32>
    %dot_general3A_420 = arith.constant dense<0.000000e+00> : vector<256x128xf32>
    %dot_general3A_421 = tpu.matmul %slice3A_414, %get3A_419, %dot_general3A_420 {dimension_numbers = #tpu.dot_dimension_numbers<[1], [1], [0], [0], [0, 0, 1, 0], [], []>, transpose_lhs_hint = false} : vector<256x128xf32>, vector<128x128xf32>, vector<256x128xf32> -> vector<256x128xf32>
    %iota3A_422 = tpu.iota {dimensions = array<i32: 1>} : vector<256x128xi32>
    %reduce_max3A_423 = arith.constant dense<0xFF800000> : vector<256xf32>
    %reduce_max3A_424 = vector.multi_reduction <maximumf>, %dot_general3A_421, %reduce_max3A_423 [1] : vector<256x128xf32> to vector<256xf32>
    %broadcast_in_dim3A_425 = vector.shape_cast %reduce_max3A_424 : vector<256xf32> to vector<256x1xf32>
    %eq3A_426 = vector.broadcast %broadcast_in_dim3A_425 : vector<256x1xf32> to vector<256x128xf32>
    %eq3A_427 = arith.cmpf oeq, %dot_general3A_421, %eq3A_426 : vector<256x128xf32>
    %jit3A_428 = arith.constant 128 : i32
    %broadcast_in_dim3A_429 = vector.broadcast %jit3A_428 : i32 to vector<256x128xi32>
    %select_n3A_430 = arith.select %eq3A_427, %iota3A_422, %broadcast_in_dim3A_429 : vector<256x128xi1>, vector<256x128xi32>
    %reduce_min3A_431 = arith.constant dense<2147483647> : vector<256xi32>
    %reduce_min3A_432 = vector.multi_reduction <minsi>, %select_n3A_430, %reduce_min3A_431 [1] : vector<256x128xi32> to vector<256xi32>
    %broadcast_in_dim3A_433 = vector.shape_cast %reduce_min3A_432 : vector<256xi32> to vector<256x1xi32>
    %eq3A_434 = vector.broadcast %broadcast_in_dim3A_433 : vector<256x1xi32> to vector<256x128xi32>
    %eq3A_435 = arith.cmpi eq, %iota3A_422, %eq3A_434 : vector<256x128xi32>
    %jit3A_436 = arith.constant 0xFF800000 : f32
    %broadcast_in_dim3A_437 = vector.broadcast %jit3A_436 : f32 to vector<256x128xf32>
    %select_n3A_438 = arith.select %eq3A_435, %broadcast_in_dim3A_437, %dot_general3A_421 : vector<256x128xi1>, vector<256x128xf32>
    %reduce_max3A_439 = arith.constant dense<0xFF800000> : vector<256xf32>
    %reduce_max3A_440 = vector.multi_reduction <maximumf>, %select_n3A_438, %reduce_max3A_439 [1] : vector<256x128xf32> to vector<256xf32>
    %broadcast_in_dim3A_441 = vector.shape_cast %reduce_max3A_440 : vector<256xf32> to vector<256x1xf32>
    %eq3A_442 = vector.broadcast %broadcast_in_dim3A_441 : vector<256x1xf32> to vector<256x128xf32>
    %eq3A_443 = arith.cmpf oeq, %select_n3A_438, %eq3A_442 : vector<256x128xf32>
    %jit3A_444 = arith.constant 128 : i32
    %broadcast_in_dim3A_445 = vector.broadcast %jit3A_444 : i32 to vector<256x128xi32>
    %select_n3A_446 = arith.select %eq3A_443, %iota3A_422, %broadcast_in_dim3A_445 : vector<256x128xi1>, vector<256x128xi32>
    %reduce_min3A_447 = arith.constant dense<2147483647> : vector<256xi32>
    %reduce_min3A_448 = vector.multi_reduction <minsi>, %select_n3A_446, %reduce_min3A_447 [1] : vector<256x128xi32> to vector<256xi32>
    %broadcast_in_dim3A_449 = vector.shape_cast %reduce_min3A_448 : vector<256xi32> to vector<256x1xi32>
    %slice3A_450 = vector.extract_strided_slice %add3A_28 {offsets = [0, 1536], sizes = [256, 128], strides = [1, 1]} : vector<256x2048xf32> to vector<256x128xf32>
    %get3A_451 = arith.constant 12 : index
    %get3A_452 = arith.constant 0 : index
    %get3A_453 = arith.constant 0 : index
    %get3A_454 = vector.load %arg6[%get3A_451, %get3A_452, %get3A_453] : memref<16x128x128xf32, #tpu.memory_space<vmem>>, vector<1x128x128xf32>
    %get3A_455 = vector.shape_cast %get3A_454 : vector<1x128x128xf32> to vector<128x128xf32>
    %dot_general3A_456 = arith.constant dense<0.000000e+00> : vector<256x128xf32>
    %dot_general3A_457 = tpu.matmul %slice3A_450, %get3A_455, %dot_general3A_456 {dimension_numbers = #tpu.dot_dimension_numbers<[1], [1], [0], [0], [0, 0, 1, 0], [], []>, transpose_lhs_hint = false} : vector<256x128xf32>, vector<128x128xf32>, vector<256x128xf32> -> vector<256x128xf32>
    %iota3A_458 = tpu.iota {dimensions = array<i32: 1>} : vector<256x128xi32>
    %reduce_max3A_459 = arith.constant dense<0xFF800000> : vector<256xf32>
    %reduce_max3A_460 = vector.multi_reduction <maximumf>, %dot_general3A_457, %reduce_max3A_459 [1] : vector<256x128xf32> to vector<256xf32>
    %broadcast_in_dim3A_461 = vector.shape_cast %reduce_max3A_460 : vector<256xf32> to vector<256x1xf32>
    %eq3A_462 = vector.broadcast %broadcast_in_dim3A_461 : vector<256x1xf32> to vector<256x128xf32>
    %eq3A_463 = arith.cmpf oeq, %dot_general3A_457, %eq3A_462 : vector<256x128xf32>
    %jit3A_464 = arith.constant 128 : i32
    %broadcast_in_dim3A_465 = vector.broadcast %jit3A_464 : i32 to vector<256x128xi32>
    %select_n3A_466 = arith.select %eq3A_463, %iota3A_458, %broadcast_in_dim3A_465 : vector<256x128xi1>, vector<256x128xi32>
    %reduce_min3A_467 = arith.constant dense<2147483647> : vector<256xi32>
    %reduce_min3A_468 = vector.multi_reduction <minsi>, %select_n3A_466, %reduce_min3A_467 [1] : vector<256x128xi32> to vector<256xi32>
    %broadcast_in_dim3A_469 = vector.shape_cast %reduce_min3A_468 : vector<256xi32> to vector<256x1xi32>
    %eq3A_470 = vector.broadcast %broadcast_in_dim3A_469 : vector<256x1xi32> to vector<256x128xi32>
    %eq3A_471 = arith.cmpi eq, %iota3A_458, %eq3A_470 : vector<256x128xi32>
    %jit3A_472 = arith.constant 0xFF800000 : f32
    %broadcast_in_dim3A_473 = vector.broadcast %jit3A_472 : f32 to vector<256x128xf32>
    %select_n3A_474 = arith.select %eq3A_471, %broadcast_in_dim3A_473, %dot_general3A_457 : vector<256x128xi1>, vector<256x128xf32>
    %reduce_max3A_475 = arith.constant dense<0xFF800000> : vector<256xf32>
    %reduce_max3A_476 = vector.multi_reduction <maximumf>, %select_n3A_474, %reduce_max3A_475 [1] : vector<256x128xf32> to vector<256xf32>
    %broadcast_in_dim3A_477 = vector.shape_cast %reduce_max3A_476 : vector<256xf32> to vector<256x1xf32>
    %eq3A_478 = vector.broadcast %broadcast_in_dim3A_477 : vector<256x1xf32> to vector<256x128xf32>
    %eq3A_479 = arith.cmpf oeq, %select_n3A_474, %eq3A_478 : vector<256x128xf32>
    %jit3A_480 = arith.constant 128 : i32
    %broadcast_in_dim3A_481 = vector.broadcast %jit3A_480 : i32 to vector<256x128xi32>
    %select_n3A_482 = arith.select %eq3A_479, %iota3A_458, %broadcast_in_dim3A_481 : vector<256x128xi1>, vector<256x128xi32>
    %reduce_min3A_483 = arith.constant dense<2147483647> : vector<256xi32>
    %reduce_min3A_484 = vector.multi_reduction <minsi>, %select_n3A_482, %reduce_min3A_483 [1] : vector<256x128xi32> to vector<256xi32>
    %broadcast_in_dim3A_485 = vector.shape_cast %reduce_min3A_484 : vector<256xi32> to vector<256x1xi32>
    %add3A_486 = arith.addf %broadcast_in_dim3A_425, %broadcast_in_dim3A_461 : vector<256x1xf32>
    %mul3A_487 = arith.constant 128 : i32
    %mul3A_488 = vector.broadcast %mul3A_487 : i32 to vector<256x1xi32>
    %mul3A_489 = arith.muli %broadcast_in_dim3A_433, %mul3A_488 : vector<256x1xi32>
    %add3A_490 = arith.addi %mul3A_489, %broadcast_in_dim3A_469 : vector<256x1xi32>
    %add3A_491 = arith.addf %broadcast_in_dim3A_425, %broadcast_in_dim3A_477 : vector<256x1xf32>
    %add3A_492 = arith.addf %broadcast_in_dim3A_441, %broadcast_in_dim3A_461 : vector<256x1xf32>
    %ge3A_493 = arith.cmpf oge, %add3A_491, %add3A_492 : vector<256x1xf32>
    %select_n3A_494 = arith.select %ge3A_493, %add3A_491, %add3A_492 : vector<256x1xi1>, vector<256x1xf32>
    %mul3A_495 = arith.constant 128 : i32
    %mul3A_496 = vector.broadcast %mul3A_495 : i32 to vector<256x1xi32>
    %mul3A_497 = arith.muli %broadcast_in_dim3A_433, %mul3A_496 : vector<256x1xi32>
    %add3A_498 = arith.addi %mul3A_497, %broadcast_in_dim3A_485 : vector<256x1xi32>
    %mul3A_499 = arith.constant 128 : i32
    %mul3A_500 = vector.broadcast %mul3A_499 : i32 to vector<256x1xi32>
    %mul3A_501 = arith.muli %broadcast_in_dim3A_449, %mul3A_500 : vector<256x1xi32>
    %add3A_502 = arith.addi %mul3A_501, %broadcast_in_dim3A_469 : vector<256x1xi32>
    %select_n3A_503 = arith.select %ge3A_493, %add3A_498, %add3A_502 : vector<256x1xi1>, vector<256x1xi32>
    %sub3A_504 = arith.subf %select_n3A_494, %add3A_486 : vector<256x1xf32>
    %exp3A_505 = math.exp %sub3A_504 : vector<256x1xf32>
    %add3A_506 = arith.constant 1.000000e+00 : f32
    %add3A_507 = vector.broadcast %add3A_506 : f32 to vector<256x1xf32>
    %add3A_508 = arith.addf %add3A_507, %exp3A_505 : vector<256x1xf32>
    %div3A_509 = arith.constant 1.000000e+00 : f32
    %div3A_510 = vector.broadcast %div3A_509 : f32 to vector<256x1xf32>
    %div3A_511 = arith.divf %div3A_510, %add3A_508 : vector<256x1xf32>
    %div3A_512 = arith.divf %exp3A_505, %add3A_508 : vector<256x1xf32>
    %slice3A_513 = vector.extract_strided_slice %add3A_28 {offsets = [0, 640], sizes = [256, 128], strides = [1, 1]} : vector<256x2048xf32> to vector<256x128xf32>
    %get3A_514 = arith.constant 5 : index
    %get3A_515 = arith.constant 0 : index
    %get3A_516 = arith.constant 0 : index
    %get3A_517 = vector.load %arg6[%get3A_514, %get3A_515, %get3A_516] : memref<16x128x128xf32, #tpu.memory_space<vmem>>, vector<1x128x128xf32>
    %get3A_518 = vector.shape_cast %get3A_517 : vector<1x128x128xf32> to vector<128x128xf32>
    %dot_general3A_519 = arith.constant dense<0.000000e+00> : vector<256x128xf32>
    %dot_general3A_520 = tpu.matmul %slice3A_513, %get3A_518, %dot_general3A_519 {dimension_numbers = #tpu.dot_dimension_numbers<[1], [1], [0], [0], [0, 0, 1, 0], [], []>, transpose_lhs_hint = false} : vector<256x128xf32>, vector<128x128xf32>, vector<256x128xf32> -> vector<256x128xf32>
    %iota3A_521 = tpu.iota {dimensions = array<i32: 1>} : vector<256x128xi32>
    %reduce_max3A_522 = arith.constant dense<0xFF800000> : vector<256xf32>
    %reduce_max3A_523 = vector.multi_reduction <maximumf>, %dot_general3A_520, %reduce_max3A_522 [1] : vector<256x128xf32> to vector<256xf32>
    %broadcast_in_dim3A_524 = vector.shape_cast %reduce_max3A_523 : vector<256xf32> to vector<256x1xf32>
    %eq3A_525 = vector.broadcast %broadcast_in_dim3A_524 : vector<256x1xf32> to vector<256x128xf32>
    %eq3A_526 = arith.cmpf oeq, %dot_general3A_520, %eq3A_525 : vector<256x128xf32>
    %jit3A_527 = arith.constant 128 : i32
    %broadcast_in_dim3A_528 = vector.broadcast %jit3A_527 : i32 to vector<256x128xi32>
    %select_n3A_529 = arith.select %eq3A_526, %iota3A_521, %broadcast_in_dim3A_528 : vector<256x128xi1>, vector<256x128xi32>
    %reduce_min3A_530 = arith.constant dense<2147483647> : vector<256xi32>
    %reduce_min3A_531 = vector.multi_reduction <minsi>, %select_n3A_529, %reduce_min3A_530 [1] : vector<256x128xi32> to vector<256xi32>
    %broadcast_in_dim3A_532 = vector.shape_cast %reduce_min3A_531 : vector<256xi32> to vector<256x1xi32>
    %eq3A_533 = vector.broadcast %broadcast_in_dim3A_532 : vector<256x1xi32> to vector<256x128xi32>
    %eq3A_534 = arith.cmpi eq, %iota3A_521, %eq3A_533 : vector<256x128xi32>
    %jit3A_535 = arith.constant 0xFF800000 : f32
    %broadcast_in_dim3A_536 = vector.broadcast %jit3A_535 : f32 to vector<256x128xf32>
    %select_n3A_537 = arith.select %eq3A_534, %broadcast_in_dim3A_536, %dot_general3A_520 : vector<256x128xi1>, vector<256x128xf32>
    %reduce_max3A_538 = arith.constant dense<0xFF800000> : vector<256xf32>
    %reduce_max3A_539 = vector.multi_reduction <maximumf>, %select_n3A_537, %reduce_max3A_538 [1] : vector<256x128xf32> to vector<256xf32>
    %broadcast_in_dim3A_540 = vector.shape_cast %reduce_max3A_539 : vector<256xf32> to vector<256x1xf32>
    %eq3A_541 = vector.broadcast %broadcast_in_dim3A_540 : vector<256x1xf32> to vector<256x128xf32>
    %eq3A_542 = arith.cmpf oeq, %select_n3A_537, %eq3A_541 : vector<256x128xf32>
    %jit3A_543 = arith.constant 128 : i32
    %broadcast_in_dim3A_544 = vector.broadcast %jit3A_543 : i32 to vector<256x128xi32>
    %select_n3A_545 = arith.select %eq3A_542, %iota3A_521, %broadcast_in_dim3A_544 : vector<256x128xi1>, vector<256x128xi32>
    %reduce_min3A_546 = arith.constant dense<2147483647> : vector<256xi32>
    %reduce_min3A_547 = vector.multi_reduction <minsi>, %select_n3A_545, %reduce_min3A_546 [1] : vector<256x128xi32> to vector<256xi32>
    %broadcast_in_dim3A_548 = vector.shape_cast %reduce_min3A_547 : vector<256xi32> to vector<256x1xi32>
    %slice3A_549 = vector.extract_strided_slice %add3A_28 {offsets = [0, 1664], sizes = [256, 128], strides = [1, 1]} : vector<256x2048xf32> to vector<256x128xf32>
    %get3A_550 = arith.constant 13 : index
    %get3A_551 = arith.constant 0 : index
    %get3A_552 = arith.constant 0 : index
    %get3A_553 = vector.load %arg6[%get3A_550, %get3A_551, %get3A_552] : memref<16x128x128xf32, #tpu.memory_space<vmem>>, vector<1x128x128xf32>
    %get3A_554 = vector.shape_cast %get3A_553 : vector<1x128x128xf32> to vector<128x128xf32>
    %dot_general3A_555 = arith.constant dense<0.000000e+00> : vector<256x128xf32>
    %dot_general3A_556 = tpu.matmul %slice3A_549, %get3A_554, %dot_general3A_555 {dimension_numbers = #tpu.dot_dimension_numbers<[1], [1], [0], [0], [0, 0, 1, 0], [], []>, transpose_lhs_hint = false} : vector<256x128xf32>, vector<128x128xf32>, vector<256x128xf32> -> vector<256x128xf32>
    %iota3A_557 = tpu.iota {dimensions = array<i32: 1>} : vector<256x128xi32>
    %reduce_max3A_558 = arith.constant dense<0xFF800000> : vector<256xf32>
    %reduce_max3A_559 = vector.multi_reduction <maximumf>, %dot_general3A_556, %reduce_max3A_558 [1] : vector<256x128xf32> to vector<256xf32>
    %broadcast_in_dim3A_560 = vector.shape_cast %reduce_max3A_559 : vector<256xf32> to vector<256x1xf32>
    %eq3A_561 = vector.broadcast %broadcast_in_dim3A_560 : vector<256x1xf32> to vector<256x128xf32>
    %eq3A_562 = arith.cmpf oeq, %dot_general3A_556, %eq3A_561 : vector<256x128xf32>
    %jit3A_563 = arith.constant 128 : i32
    %broadcast_in_dim3A_564 = vector.broadcast %jit3A_563 : i32 to vector<256x128xi32>
    %select_n3A_565 = arith.select %eq3A_562, %iota3A_557, %broadcast_in_dim3A_564 : vector<256x128xi1>, vector<256x128xi32>
    %reduce_min3A_566 = arith.constant dense<2147483647> : vector<256xi32>
    %reduce_min3A_567 = vector.multi_reduction <minsi>, %select_n3A_565, %reduce_min3A_566 [1] : vector<256x128xi32> to vector<256xi32>
    %broadcast_in_dim3A_568 = vector.shape_cast %reduce_min3A_567 : vector<256xi32> to vector<256x1xi32>
    %eq3A_569 = vector.broadcast %broadcast_in_dim3A_568 : vector<256x1xi32> to vector<256x128xi32>
    %eq3A_570 = arith.cmpi eq, %iota3A_557, %eq3A_569 : vector<256x128xi32>
    %jit3A_571 = arith.constant 0xFF800000 : f32
    %broadcast_in_dim3A_572 = vector.broadcast %jit3A_571 : f32 to vector<256x128xf32>
    %select_n3A_573 = arith.select %eq3A_570, %broadcast_in_dim3A_572, %dot_general3A_556 : vector<256x128xi1>, vector<256x128xf32>
    %reduce_max3A_574 = arith.constant dense<0xFF800000> : vector<256xf32>
    %reduce_max3A_575 = vector.multi_reduction <maximumf>, %select_n3A_573, %reduce_max3A_574 [1] : vector<256x128xf32> to vector<256xf32>
    %broadcast_in_dim3A_576 = vector.shape_cast %reduce_max3A_575 : vector<256xf32> to vector<256x1xf32>
    %eq3A_577 = vector.broadcast %broadcast_in_dim3A_576 : vector<256x1xf32> to vector<256x128xf32>
    %eq3A_578 = arith.cmpf oeq, %select_n3A_573, %eq3A_577 : vector<256x128xf32>
    %jit3A_579 = arith.constant 128 : i32
    %broadcast_in_dim3A_580 = vector.broadcast %jit3A_579 : i32 to vector<256x128xi32>
    %select_n3A_581 = arith.select %eq3A_578, %iota3A_557, %broadcast_in_dim3A_580 : vector<256x128xi1>, vector<256x128xi32>
    %reduce_min3A_582 = arith.constant dense<2147483647> : vector<256xi32>
    %reduce_min3A_583 = vector.multi_reduction <minsi>, %select_n3A_581, %reduce_min3A_582 [1] : vector<256x128xi32> to vector<256xi32>
    %broadcast_in_dim3A_584 = vector.shape_cast %reduce_min3A_583 : vector<256xi32> to vector<256x1xi32>
    %add3A_585 = arith.addf %broadcast_in_dim3A_524, %broadcast_in_dim3A_560 : vector<256x1xf32>
    %mul3A_586 = arith.constant 128 : i32
    %mul3A_587 = vector.broadcast %mul3A_586 : i32 to vector<256x1xi32>
    %mul3A_588 = arith.muli %broadcast_in_dim3A_532, %mul3A_587 : vector<256x1xi32>
    %add3A_589 = arith.addi %mul3A_588, %broadcast_in_dim3A_568 : vector<256x1xi32>
    %add3A_590 = arith.addf %broadcast_in_dim3A_524, %broadcast_in_dim3A_576 : vector<256x1xf32>
    %add3A_591 = arith.addf %broadcast_in_dim3A_540, %broadcast_in_dim3A_560 : vector<256x1xf32>
    %ge3A_592 = arith.cmpf oge, %add3A_590, %add3A_591 : vector<256x1xf32>
    %select_n3A_593 = arith.select %ge3A_592, %add3A_590, %add3A_591 : vector<256x1xi1>, vector<256x1xf32>
    %mul3A_594 = arith.constant 128 : i32
    %mul3A_595 = vector.broadcast %mul3A_594 : i32 to vector<256x1xi32>
    %mul3A_596 = arith.muli %broadcast_in_dim3A_532, %mul3A_595 : vector<256x1xi32>
    %add3A_597 = arith.addi %mul3A_596, %broadcast_in_dim3A_584 : vector<256x1xi32>
    %mul3A_598 = arith.constant 128 : i32
    %mul3A_599 = vector.broadcast %mul3A_598 : i32 to vector<256x1xi32>
    %mul3A_600 = arith.muli %broadcast_in_dim3A_548, %mul3A_599 : vector<256x1xi32>
    %add3A_601 = arith.addi %mul3A_600, %broadcast_in_dim3A_568 : vector<256x1xi32>
    %select_n3A_602 = arith.select %ge3A_592, %add3A_597, %add3A_601 : vector<256x1xi1>, vector<256x1xi32>
    %sub3A_603 = arith.subf %select_n3A_593, %add3A_585 : vector<256x1xf32>
    %exp3A_604 = math.exp %sub3A_603 : vector<256x1xf32>
    %add3A_605 = arith.constant 1.000000e+00 : f32
    %add3A_606 = vector.broadcast %add3A_605 : f32 to vector<256x1xf32>
    %add3A_607 = arith.addf %add3A_606, %exp3A_604 : vector<256x1xf32>
    %div3A_608 = arith.constant 1.000000e+00 : f32
    %div3A_609 = vector.broadcast %div3A_608 : f32 to vector<256x1xf32>
    %div3A_610 = arith.divf %div3A_609, %add3A_607 : vector<256x1xf32>
    %div3A_611 = arith.divf %exp3A_604, %add3A_607 : vector<256x1xf32>
    %slice3A_612 = vector.extract_strided_slice %add3A_28 {offsets = [0, 768], sizes = [256, 128], strides = [1, 1]} : vector<256x2048xf32> to vector<256x128xf32>
    %get3A_613 = arith.constant 6 : index
    %get3A_614 = arith.constant 0 : index
    %get3A_615 = arith.constant 0 : index
    %get3A_616 = vector.load %arg6[%get3A_613, %get3A_614, %get3A_615] : memref<16x128x128xf32, #tpu.memory_space<vmem>>, vector<1x128x128xf32>
    %get3A_617 = vector.shape_cast %get3A_616 : vector<1x128x128xf32> to vector<128x128xf32>
    %dot_general3A_618 = arith.constant dense<0.000000e+00> : vector<256x128xf32>
    %dot_general3A_619 = tpu.matmul %slice3A_612, %get3A_617, %dot_general3A_618 {dimension_numbers = #tpu.dot_dimension_numbers<[1], [1], [0], [0], [0, 0, 1, 0], [], []>, transpose_lhs_hint = false} : vector<256x128xf32>, vector<128x128xf32>, vector<256x128xf32> -> vector<256x128xf32>
    %iota3A_620 = tpu.iota {dimensions = array<i32: 1>} : vector<256x128xi32>
    %reduce_max3A_621 = arith.constant dense<0xFF800000> : vector<256xf32>
    %reduce_max3A_622 = vector.multi_reduction <maximumf>, %dot_general3A_619, %reduce_max3A_621 [1] : vector<256x128xf32> to vector<256xf32>
    %broadcast_in_dim3A_623 = vector.shape_cast %reduce_max3A_622 : vector<256xf32> to vector<256x1xf32>
    %eq3A_624 = vector.broadcast %broadcast_in_dim3A_623 : vector<256x1xf32> to vector<256x128xf32>
    %eq3A_625 = arith.cmpf oeq, %dot_general3A_619, %eq3A_624 : vector<256x128xf32>
    %jit3A_626 = arith.constant 128 : i32
    %broadcast_in_dim3A_627 = vector.broadcast %jit3A_626 : i32 to vector<256x128xi32>
    %select_n3A_628 = arith.select %eq3A_625, %iota3A_620, %broadcast_in_dim3A_627 : vector<256x128xi1>, vector<256x128xi32>
    %reduce_min3A_629 = arith.constant dense<2147483647> : vector<256xi32>
    %reduce_min3A_630 = vector.multi_reduction <minsi>, %select_n3A_628, %reduce_min3A_629 [1] : vector<256x128xi32> to vector<256xi32>
    %broadcast_in_dim3A_631 = vector.shape_cast %reduce_min3A_630 : vector<256xi32> to vector<256x1xi32>
    %eq3A_632 = vector.broadcast %broadcast_in_dim3A_631 : vector<256x1xi32> to vector<256x128xi32>
    %eq3A_633 = arith.cmpi eq, %iota3A_620, %eq3A_632 : vector<256x128xi32>
    %jit3A_634 = arith.constant 0xFF800000 : f32
    %broadcast_in_dim3A_635 = vector.broadcast %jit3A_634 : f32 to vector<256x128xf32>
    %select_n3A_636 = arith.select %eq3A_633, %broadcast_in_dim3A_635, %dot_general3A_619 : vector<256x128xi1>, vector<256x128xf32>
    %reduce_max3A_637 = arith.constant dense<0xFF800000> : vector<256xf32>
    %reduce_max3A_638 = vector.multi_reduction <maximumf>, %select_n3A_636, %reduce_max3A_637 [1] : vector<256x128xf32> to vector<256xf32>
    %broadcast_in_dim3A_639 = vector.shape_cast %reduce_max3A_638 : vector<256xf32> to vector<256x1xf32>
    %eq3A_640 = vector.broadcast %broadcast_in_dim3A_639 : vector<256x1xf32> to vector<256x128xf32>
    %eq3A_641 = arith.cmpf oeq, %select_n3A_636, %eq3A_640 : vector<256x128xf32>
    %jit3A_642 = arith.constant 128 : i32
    %broadcast_in_dim3A_643 = vector.broadcast %jit3A_642 : i32 to vector<256x128xi32>
    %select_n3A_644 = arith.select %eq3A_641, %iota3A_620, %broadcast_in_dim3A_643 : vector<256x128xi1>, vector<256x128xi32>
    %reduce_min3A_645 = arith.constant dense<2147483647> : vector<256xi32>
    %reduce_min3A_646 = vector.multi_reduction <minsi>, %select_n3A_644, %reduce_min3A_645 [1] : vector<256x128xi32> to vector<256xi32>
    %broadcast_in_dim3A_647 = vector.shape_cast %reduce_min3A_646 : vector<256xi32> to vector<256x1xi32>
    %slice3A_648 = vector.extract_strided_slice %add3A_28 {offsets = [0, 1792], sizes = [256, 128], strides = [1, 1]} : vector<256x2048xf32> to vector<256x128xf32>
    %get3A_649 = arith.constant 14 : index
    %get3A_650 = arith.constant 0 : index
    %get3A_651 = arith.constant 0 : index
    %get3A_652 = vector.load %arg6[%get3A_649, %get3A_650, %get3A_651] : memref<16x128x128xf32, #tpu.memory_space<vmem>>, vector<1x128x128xf32>
    %get3A_653 = vector.shape_cast %get3A_652 : vector<1x128x128xf32> to vector<128x128xf32>
    %dot_general3A_654 = arith.constant dense<0.000000e+00> : vector<256x128xf32>
    %dot_general3A_655 = tpu.matmul %slice3A_648, %get3A_653, %dot_general3A_654 {dimension_numbers = #tpu.dot_dimension_numbers<[1], [1], [0], [0], [0, 0, 1, 0], [], []>, transpose_lhs_hint = false} : vector<256x128xf32>, vector<128x128xf32>, vector<256x128xf32> -> vector<256x128xf32>
    %iota3A_656 = tpu.iota {dimensions = array<i32: 1>} : vector<256x128xi32>
    %reduce_max3A_657 = arith.constant dense<0xFF800000> : vector<256xf32>
    %reduce_max3A_658 = vector.multi_reduction <maximumf>, %dot_general3A_655, %reduce_max3A_657 [1] : vector<256x128xf32> to vector<256xf32>
    %broadcast_in_dim3A_659 = vector.shape_cast %reduce_max3A_658 : vector<256xf32> to vector<256x1xf32>
    %eq3A_660 = vector.broadcast %broadcast_in_dim3A_659 : vector<256x1xf32> to vector<256x128xf32>
    %eq3A_661 = arith.cmpf oeq, %dot_general3A_655, %eq3A_660 : vector<256x128xf32>
    %jit3A_662 = arith.constant 128 : i32
    %broadcast_in_dim3A_663 = vector.broadcast %jit3A_662 : i32 to vector<256x128xi32>
    %select_n3A_664 = arith.select %eq3A_661, %iota3A_656, %broadcast_in_dim3A_663 : vector<256x128xi1>, vector<256x128xi32>
    %reduce_min3A_665 = arith.constant dense<2147483647> : vector<256xi32>
    %reduce_min3A_666 = vector.multi_reduction <minsi>, %select_n3A_664, %reduce_min3A_665 [1] : vector<256x128xi32> to vector<256xi32>
    %broadcast_in_dim3A_667 = vector.shape_cast %reduce_min3A_666 : vector<256xi32> to vector<256x1xi32>
    %eq3A_668 = vector.broadcast %broadcast_in_dim3A_667 : vector<256x1xi32> to vector<256x128xi32>
    %eq3A_669 = arith.cmpi eq, %iota3A_656, %eq3A_668 : vector<256x128xi32>
    %jit3A_670 = arith.constant 0xFF800000 : f32
    %broadcast_in_dim3A_671 = vector.broadcast %jit3A_670 : f32 to vector<256x128xf32>
    %select_n3A_672 = arith.select %eq3A_669, %broadcast_in_dim3A_671, %dot_general3A_655 : vector<256x128xi1>, vector<256x128xf32>
    %reduce_max3A_673 = arith.constant dense<0xFF800000> : vector<256xf32>
    %reduce_max3A_674 = vector.multi_reduction <maximumf>, %select_n3A_672, %reduce_max3A_673 [1] : vector<256x128xf32> to vector<256xf32>
    %broadcast_in_dim3A_675 = vector.shape_cast %reduce_max3A_674 : vector<256xf32> to vector<256x1xf32>
    %eq3A_676 = vector.broadcast %broadcast_in_dim3A_675 : vector<256x1xf32> to vector<256x128xf32>
    %eq3A_677 = arith.cmpf oeq, %select_n3A_672, %eq3A_676 : vector<256x128xf32>
    %jit3A_678 = arith.constant 128 : i32
    %broadcast_in_dim3A_679 = vector.broadcast %jit3A_678 : i32 to vector<256x128xi32>
    %select_n3A_680 = arith.select %eq3A_677, %iota3A_656, %broadcast_in_dim3A_679 : vector<256x128xi1>, vector<256x128xi32>
    %reduce_min3A_681 = arith.constant dense<2147483647> : vector<256xi32>
    %reduce_min3A_682 = vector.multi_reduction <minsi>, %select_n3A_680, %reduce_min3A_681 [1] : vector<256x128xi32> to vector<256xi32>
    %broadcast_in_dim3A_683 = vector.shape_cast %reduce_min3A_682 : vector<256xi32> to vector<256x1xi32>
    %add3A_684 = arith.addf %broadcast_in_dim3A_623, %broadcast_in_dim3A_659 : vector<256x1xf32>
    %mul3A_685 = arith.constant 128 : i32
    %mul3A_686 = vector.broadcast %mul3A_685 : i32 to vector<256x1xi32>
    %mul3A_687 = arith.muli %broadcast_in_dim3A_631, %mul3A_686 : vector<256x1xi32>
    %add3A_688 = arith.addi %mul3A_687, %broadcast_in_dim3A_667 : vector<256x1xi32>
    %add3A_689 = arith.addf %broadcast_in_dim3A_623, %broadcast_in_dim3A_675 : vector<256x1xf32>
    %add3A_690 = arith.addf %broadcast_in_dim3A_639, %broadcast_in_dim3A_659 : vector<256x1xf32>
    %ge3A_691 = arith.cmpf oge, %add3A_689, %add3A_690 : vector<256x1xf32>
    %select_n3A_692 = arith.select %ge3A_691, %add3A_689, %add3A_690 : vector<256x1xi1>, vector<256x1xf32>
    %mul3A_693 = arith.constant 128 : i32
    %mul3A_694 = vector.broadcast %mul3A_693 : i32 to vector<256x1xi32>
    %mul3A_695 = arith.muli %broadcast_in_dim3A_631, %mul3A_694 : vector<256x1xi32>
    %add3A_696 = arith.addi %mul3A_695, %broadcast_in_dim3A_683 : vector<256x1xi32>
    %mul3A_697 = arith.constant 128 : i32
    %mul3A_698 = vector.broadcast %mul3A_697 : i32 to vector<256x1xi32>
    %mul3A_699 = arith.muli %broadcast_in_dim3A_647, %mul3A_698 : vector<256x1xi32>
    %add3A_700 = arith.addi %mul3A_699, %broadcast_in_dim3A_667 : vector<256x1xi32>
    %select_n3A_701 = arith.select %ge3A_691, %add3A_696, %add3A_700 : vector<256x1xi1>, vector<256x1xi32>
    %sub3A_702 = arith.subf %select_n3A_692, %add3A_684 : vector<256x1xf32>
    %exp3A_703 = math.exp %sub3A_702 : vector<256x1xf32>
    %add3A_704 = arith.constant 1.000000e+00 : f32
    %add3A_705 = vector.broadcast %add3A_704 : f32 to vector<256x1xf32>
    %add3A_706 = arith.addf %add3A_705, %exp3A_703 : vector<256x1xf32>
    %div3A_707 = arith.constant 1.000000e+00 : f32
    %div3A_708 = vector.broadcast %div3A_707 : f32 to vector<256x1xf32>
    %div3A_709 = arith.divf %div3A_708, %add3A_706 : vector<256x1xf32>
    %div3A_710 = arith.divf %exp3A_703, %add3A_706 : vector<256x1xf32>
    %slice3A_711 = vector.extract_strided_slice %add3A_28 {offsets = [0, 896], sizes = [256, 128], strides = [1, 1]} : vector<256x2048xf32> to vector<256x128xf32>
    %get3A_712 = arith.constant 7 : index
    %get3A_713 = arith.constant 0 : index
    %get3A_714 = arith.constant 0 : index
    %get3A_715 = vector.load %arg6[%get3A_712, %get3A_713, %get3A_714] : memref<16x128x128xf32, #tpu.memory_space<vmem>>, vector<1x128x128xf32>
    %get3A_716 = vector.shape_cast %get3A_715 : vector<1x128x128xf32> to vector<128x128xf32>
    %dot_general3A_717 = arith.constant dense<0.000000e+00> : vector<256x128xf32>
    %dot_general3A_718 = tpu.matmul %slice3A_711, %get3A_716, %dot_general3A_717 {dimension_numbers = #tpu.dot_dimension_numbers<[1], [1], [0], [0], [0, 0, 1, 0], [], []>, transpose_lhs_hint = false} : vector<256x128xf32>, vector<128x128xf32>, vector<256x128xf32> -> vector<256x128xf32>
    %iota3A_719 = tpu.iota {dimensions = array<i32: 1>} : vector<256x128xi32>
    %reduce_max3A_720 = arith.constant dense<0xFF800000> : vector<256xf32>
    %reduce_max3A_721 = vector.multi_reduction <maximumf>, %dot_general3A_718, %reduce_max3A_720 [1] : vector<256x128xf32> to vector<256xf32>
    %broadcast_in_dim3A_722 = vector.shape_cast %reduce_max3A_721 : vector<256xf32> to vector<256x1xf32>
    %eq3A_723 = vector.broadcast %broadcast_in_dim3A_722 : vector<256x1xf32> to vector<256x128xf32>
    %eq3A_724 = arith.cmpf oeq, %dot_general3A_718, %eq3A_723 : vector<256x128xf32>
    %jit3A_725 = arith.constant 128 : i32
    %broadcast_in_dim3A_726 = vector.broadcast %jit3A_725 : i32 to vector<256x128xi32>
    %select_n3A_727 = arith.select %eq3A_724, %iota3A_719, %broadcast_in_dim3A_726 : vector<256x128xi1>, vector<256x128xi32>
    %reduce_min3A_728 = arith.constant dense<2147483647> : vector<256xi32>
    %reduce_min3A_729 = vector.multi_reduction <minsi>, %select_n3A_727, %reduce_min3A_728 [1] : vector<256x128xi32> to vector<256xi32>
    %broadcast_in_dim3A_730 = vector.shape_cast %reduce_min3A_729 : vector<256xi32> to vector<256x1xi32>
    %eq3A_731 = vector.broadcast %broadcast_in_dim3A_730 : vector<256x1xi32> to vector<256x128xi32>
    %eq3A_732 = arith.cmpi eq, %iota3A_719, %eq3A_731 : vector<256x128xi32>
    %jit3A_733 = arith.constant 0xFF800000 : f32
    %broadcast_in_dim3A_734 = vector.broadcast %jit3A_733 : f32 to vector<256x128xf32>
    %select_n3A_735 = arith.select %eq3A_732, %broadcast_in_dim3A_734, %dot_general3A_718 : vector<256x128xi1>, vector<256x128xf32>
    %reduce_max3A_736 = arith.constant dense<0xFF800000> : vector<256xf32>
    %reduce_max3A_737 = vector.multi_reduction <maximumf>, %select_n3A_735, %reduce_max3A_736 [1] : vector<256x128xf32> to vector<256xf32>
    %broadcast_in_dim3A_738 = vector.shape_cast %reduce_max3A_737 : vector<256xf32> to vector<256x1xf32>
    %eq3A_739 = vector.broadcast %broadcast_in_dim3A_738 : vector<256x1xf32> to vector<256x128xf32>
    %eq3A_740 = arith.cmpf oeq, %select_n3A_735, %eq3A_739 : vector<256x128xf32>
    %jit3A_741 = arith.constant 128 : i32
    %broadcast_in_dim3A_742 = vector.broadcast %jit3A_741 : i32 to vector<256x128xi32>
    %select_n3A_743 = arith.select %eq3A_740, %iota3A_719, %broadcast_in_dim3A_742 : vector<256x128xi1>, vector<256x128xi32>
    %reduce_min3A_744 = arith.constant dense<2147483647> : vector<256xi32>
    %reduce_min3A_745 = vector.multi_reduction <minsi>, %select_n3A_743, %reduce_min3A_744 [1] : vector<256x128xi32> to vector<256xi32>
    %broadcast_in_dim3A_746 = vector.shape_cast %reduce_min3A_745 : vector<256xi32> to vector<256x1xi32>
    %slice3A_747 = vector.extract_strided_slice %add3A_28 {offsets = [0, 1920], sizes = [256, 128], strides = [1, 1]} : vector<256x2048xf32> to vector<256x128xf32>
    %get3A_748 = arith.constant 15 : index
    %get3A_749 = arith.constant 0 : index
    %get3A_750 = arith.constant 0 : index
    %get3A_751 = vector.load %arg6[%get3A_748, %get3A_749, %get3A_750] : memref<16x128x128xf32, #tpu.memory_space<vmem>>, vector<1x128x128xf32>
    %get3A_752 = vector.shape_cast %get3A_751 : vector<1x128x128xf32> to vector<128x128xf32>
    %dot_general3A_753 = arith.constant dense<0.000000e+00> : vector<256x128xf32>
    %dot_general3A_754 = tpu.matmul %slice3A_747, %get3A_752, %dot_general3A_753 {dimension_numbers = #tpu.dot_dimension_numbers<[1], [1], [0], [0], [0, 0, 1, 0], [], []>, transpose_lhs_hint = false} : vector<256x128xf32>, vector<128x128xf32>, vector<256x128xf32> -> vector<256x128xf32>
    %iota3A_755 = tpu.iota {dimensions = array<i32: 1>} : vector<256x128xi32>
    %reduce_max3A_756 = arith.constant dense<0xFF800000> : vector<256xf32>
    %reduce_max3A_757 = vector.multi_reduction <maximumf>, %dot_general3A_754, %reduce_max3A_756 [1] : vector<256x128xf32> to vector<256xf32>
    %broadcast_in_dim3A_758 = vector.shape_cast %reduce_max3A_757 : vector<256xf32> to vector<256x1xf32>
    %eq3A_759 = vector.broadcast %broadcast_in_dim3A_758 : vector<256x1xf32> to vector<256x128xf32>
    %eq3A_760 = arith.cmpf oeq, %dot_general3A_754, %eq3A_759 : vector<256x128xf32>
    %jit3A_761 = arith.constant 128 : i32
    %broadcast_in_dim3A_762 = vector.broadcast %jit3A_761 : i32 to vector<256x128xi32>
    %select_n3A_763 = arith.select %eq3A_760, %iota3A_755, %broadcast_in_dim3A_762 : vector<256x128xi1>, vector<256x128xi32>
    %reduce_min3A_764 = arith.constant dense<2147483647> : vector<256xi32>
    %reduce_min3A_765 = vector.multi_reduction <minsi>, %select_n3A_763, %reduce_min3A_764 [1] : vector<256x128xi32> to vector<256xi32>
    %broadcast_in_dim3A_766 = vector.shape_cast %reduce_min3A_765 : vector<256xi32> to vector<256x1xi32>
    %eq3A_767 = vector.broadcast %broadcast_in_dim3A_766 : vector<256x1xi32> to vector<256x128xi32>
    %eq3A_768 = arith.cmpi eq, %iota3A_755, %eq3A_767 : vector<256x128xi32>
    %jit3A_769 = arith.constant 0xFF800000 : f32
    %broadcast_in_dim3A_770 = vector.broadcast %jit3A_769 : f32 to vector<256x128xf32>
    %select_n3A_771 = arith.select %eq3A_768, %broadcast_in_dim3A_770, %dot_general3A_754 : vector<256x128xi1>, vector<256x128xf32>
    %reduce_max3A_772 = arith.constant dense<0xFF800000> : vector<256xf32>
    %reduce_max3A_773 = vector.multi_reduction <maximumf>, %select_n3A_771, %reduce_max3A_772 [1] : vector<256x128xf32> to vector<256xf32>
    %broadcast_in_dim3A_774 = vector.shape_cast %reduce_max3A_773 : vector<256xf32> to vector<256x1xf32>
    %eq3A_775 = vector.broadcast %broadcast_in_dim3A_774 : vector<256x1xf32> to vector<256x128xf32>
    %eq3A_776 = arith.cmpf oeq, %select_n3A_771, %eq3A_775 : vector<256x128xf32>
    %jit3A_777 = arith.constant 128 : i32
    %broadcast_in_dim3A_778 = vector.broadcast %jit3A_777 : i32 to vector<256x128xi32>
    %select_n3A_779 = arith.select %eq3A_776, %iota3A_755, %broadcast_in_dim3A_778 : vector<256x128xi1>, vector<256x128xi32>
    %reduce_min3A_780 = arith.constant dense<2147483647> : vector<256xi32>
    %reduce_min3A_781 = vector.multi_reduction <minsi>, %select_n3A_779, %reduce_min3A_780 [1] : vector<256x128xi32> to vector<256xi32>
    %broadcast_in_dim3A_782 = vector.shape_cast %reduce_min3A_781 : vector<256xi32> to vector<256x1xi32>
    %add3A_783 = arith.addf %broadcast_in_dim3A_722, %broadcast_in_dim3A_758 : vector<256x1xf32>
    %mul3A_784 = arith.constant 128 : i32
    %mul3A_785 = vector.broadcast %mul3A_784 : i32 to vector<256x1xi32>
    %mul3A_786 = arith.muli %broadcast_in_dim3A_730, %mul3A_785 : vector<256x1xi32>
    %add3A_787 = arith.addi %mul3A_786, %broadcast_in_dim3A_766 : vector<256x1xi32>
    %add3A_788 = arith.addf %broadcast_in_dim3A_722, %broadcast_in_dim3A_774 : vector<256x1xf32>
    %add3A_789 = arith.addf %broadcast_in_dim3A_738, %broadcast_in_dim3A_758 : vector<256x1xf32>
    %ge3A_790 = arith.cmpf oge, %add3A_788, %add3A_789 : vector<256x1xf32>
    %select_n3A_791 = arith.select %ge3A_790, %add3A_788, %add3A_789 : vector<256x1xi1>, vector<256x1xf32>
    %mul3A_792 = arith.constant 128 : i32
    %mul3A_793 = vector.broadcast %mul3A_792 : i32 to vector<256x1xi32>
    %mul3A_794 = arith.muli %broadcast_in_dim3A_730, %mul3A_793 : vector<256x1xi32>
    %add3A_795 = arith.addi %mul3A_794, %broadcast_in_dim3A_782 : vector<256x1xi32>
    %mul3A_796 = arith.constant 128 : i32
    %mul3A_797 = vector.broadcast %mul3A_796 : i32 to vector<256x1xi32>
    %mul3A_798 = arith.muli %broadcast_in_dim3A_746, %mul3A_797 : vector<256x1xi32>
    %add3A_799 = arith.addi %mul3A_798, %broadcast_in_dim3A_766 : vector<256x1xi32>
    %select_n3A_800 = arith.select %ge3A_790, %add3A_795, %add3A_799 : vector<256x1xi1>, vector<256x1xi32>
    %sub3A_801 = arith.subf %select_n3A_791, %add3A_783 : vector<256x1xf32>
    %exp3A_802 = math.exp %sub3A_801 : vector<256x1xf32>
    %add3A_803 = arith.constant 1.000000e+00 : f32
    %add3A_804 = vector.broadcast %add3A_803 : f32 to vector<256x1xf32>
    %add3A_805 = arith.addf %add3A_804, %exp3A_802 : vector<256x1xf32>
    %div3A_806 = arith.constant 1.000000e+00 : f32
    %div3A_807 = vector.broadcast %div3A_806 : f32 to vector<256x1xf32>
    %div3A_808 = arith.divf %div3A_807, %add3A_805 : vector<256x1xf32>
    %div3A_809 = arith.divf %exp3A_802, %add3A_805 : vector<256x1xf32>
    %concatenate3A = tpu.concatenate %add3A_96, %select_n3A_108, %add3A_193, %select_n3A_206, %add3A_292, %select_n3A_305, %add3A_391, %select_n3A_404, %add3A_490, %select_n3A_503, %add3A_589, %select_n3A_602, %add3A_688, %select_n3A_701, %add3A_787, %select_n3A_800 in 1 : vector<256x1xi32>, vector<256x1xi32>, vector<256x1xi32>, vector<256x1xi32>, vector<256x1xi32>, vector<256x1xi32>, vector<256x1xi32>, vector<256x1xi32>, vector<256x1xi32>, vector<256x1xi32>, vector<256x1xi32>, vector<256x1xi32>, vector<256x1xi32>, vector<256x1xi32>, vector<256x1xi32>, vector<256x1xi32> -> vector<256x16xi32>
    %swap3A = arith.constant 0 : index
    %swap3A_810 = arith.constant 0 : index
    %swap3A_811 = vector.load %arg7[%swap3A, %swap3A_810] : memref<256x16xi32, #tpu.memory_space<vmem>>, vector<256x16xi32>
    tpu.vector_store %arg7[%swap3A, %swap3A_810], %concatenate3A {strides = array<i32>} : memref<256x16xi32, #tpu.memory_space<vmem>>, vector<256x16xi32>,
    %concatenate3A_812 = tpu.concatenate %div3A_115, %div3A_116, %div3A_214, %div3A_215, %div3A_313, %div3A_314, %div3A_412, %div3A_413, %div3A_511, %div3A_512, %div3A_610, %div3A_611, %div3A_709, %div3A_710, %div3A_808, %div3A_809 in 1 : vector<256x1xf32>, vector<256x1xf32>, vector<256x1xf32>, vector<256x1xf32>, vector<256x1xf32>, vector<256x1xf32>, vector<256x1xf32>, vector<256x1xf32>, vector<256x1xf32>, vector<256x1xf32>, vector<256x1xf32>, vector<256x1xf32>, vector<256x1xf32>, vector<256x1xf32>, vector<256x1xf32>, vector<256x1xf32> -> vector<256x16xf32>
    %swap3A_813 = arith.constant 0 : index
    %swap3A_814 = arith.constant 0 : index
    %swap3A_815 = vector.load %arg8[%swap3A_813, %swap3A_814] : memref<256x16xf32, #tpu.memory_space<vmem>>, vector<256x16xf32>
    tpu.vector_store %arg8[%swap3A_813, %swap3A_814], %concatenate3A_812 {strides = array<i32>} : memref<256x16xf32, #tpu.memory_space<vmem>>, vector<256x16xf32>,
    return
  }
  func.func @transform_0(%arg0: i32) -> (i32, i32) {
    %c0_i32 = arith.constant 0 : i32
    %c0_i32_0 = arith.constant 0 : i32
    return %arg0, %c0_i32 : i32, i32
  }
  func.func @transform_1(%arg0: i32) -> (i32, i32) {
    %c0_i32 = arith.constant 0 : i32
    %c0_i32_0 = arith.constant 0 : i32
    %c0_i32_1 = arith.constant 0 : i32
    return %c0_i32, %c0_i32_0 : i32, i32
  }
  func.func @transform_2(%arg0: i32) -> (i32, i32) {
    %c0_i32 = arith.constant 0 : i32
    %c0_i32_0 = arith.constant 0 : i32
    %c0_i32_1 = arith.constant 0 : i32
    return %c0_i32, %c0_i32_0 : i32, i32
  }
  func.func @transform_3(%arg0: i32) -> (i32, i32) {
    %c0_i32 = arith.constant 0 : i32
    %c0_i32_0 = arith.constant 0 : i32
    %c0_i32_1 = arith.constant 0 : i32
    return %c0_i32, %c0_i32_0 : i32, i32
  }
  func.func @transform_4(%arg0: i32) -> (i32, i32) {
    %c0_i32 = arith.constant 0 : i32
    %c0_i32_0 = arith.constant 0 : i32
    %c0_i32_1 = arith.constant 0 : i32
    return %c0_i32, %c0_i32_0 : i32, i32
  }
  func.func @transform_5(%arg0: i32) -> (i32, i32, i32) {
    %c0_i32 = arith.constant 0 : i32
    %c0_i32_0 = arith.constant 0 : i32
    %c0_i32_1 = arith.constant 0 : i32
    %c0_i32_2 = arith.constant 0 : i32
    return %c0_i32, %c0_i32_0, %c0_i32_1 : i32, i32, i32
  }
  func.func @transform_6(%arg0: i32) -> (i32, i32) {
    %c0_i32 = arith.constant 0 : i32
    %c0_i32_0 = arith.constant 0 : i32
    return %arg0, %c0_i32 : i32, i32
  }
  func.func @transform_7(%arg0: i32) -> (i32, i32) {
    %c0_i32 = arith.constant 0 : i32
    %c0_i32_0 = arith.constant 0 : i32
    return %arg0, %c0_i32 : i32, i32
  }
}

</mosaic_0001>

<sc_bundles>
// kernel: kernel.5.cloned.1.call-start
scs
__scs_entry_jumppad:
0x0: {  	(pc) =	sbr.rel $0x88, $3  }
0x1: {  	(tag) =	ssettag $0x0;
	lr =	simm.s32 $0x1  }
0x2: {  	[smem:$0x3F9A] =	sst lr;
	_ =	strace $0xD0000000  }
0x3: {  	_ = 	snop  }
0x4: {  	_ = 	snop  }
0x5: {  	_ = 	snop  }
0x6: {  	_ = 	snop  }
0x7: {  	_ = 	snop  }
__scs_overlays_trampoline_lowered:
0x8: {  	[smem:$0x3FA9] =	sst s0  }
0x9: {  	[smem:$0x3FAA] =	sst s1  }
0xa: {  	[smem:$0x3FAB] =	sst s2  }
0xb: {  	[smem:$0x3FAC] =	sst s3  }
0xc: {  	[smem:$0x3FAD] =	sst s4  }
0xd: {  	[smem:$0x3FAE] =	sst s5  }
0xe: {  	[smem:$0x3FAF] =	sst s6  }
0xf: {  	[smem:$0x3FB0] =	sst s7  }
0x10: {  	[smem:$0x3FB1] =	sst s8  }
0x11: {  	[smem:$0x3FB2] =	sst s9;
	s0 =	simm.s32 @!p0 $0x0  }
0x12: {  	s1 =	sld [smem:$0x3F98];
	s0 =	simm.s32 @p0 $0x1  }
0x13: {  	[smem:$0x3FB3] =	sst s0;
	s0 =	simm.s32 @!p1 $0x0  }
0x14: {  	s2 =	sld [smem:$0x3F97];
	s0 =	simm.s32 @p1 $0x1  }
0x15: {  	[smem:$0x3FB4] =	sst s0;
	s0 =	simm.s32 @!p2 $0x0  }
0x16: {  	s3 =	sld [smem:$0x3FDB];
	s0 =	simm.s32 @p2 $0x1  }
0x17: {  	s4 =	simm.s32 $0x1BF5;
	[smem:$0x3FB6] =	sst s0  }
0x18: {  	s0 =	sld [smem:$0x3F99];
	_ =	swait.ge [sflag:s4], $0x0  }
0x19: {  	s7 =	sld [smem:$0x3F9A]  }
0x1a: {  	s8 =	sadd.s32 $0xFFFFE003, lr  }
0x1b: {  	s9 =	sadd.s32 $0xFFFFFEF7, lr;
	s5 =	simm.s32 $0xFFFFFFFF;
	p2 =	slt.u32 s8, $0xFFFFF086  }
0x1c: {  	p1 =	slt.u32 s9, $0xF7A;
	s5 =	simm.s32 @!p2 $0x0  }
0x1d: {  	s5 =	simm.s32 @p1 $0x1;
	p0 =	seq.s32 s7, s2  }
0x1e: {  	s7 =	smul.u32 @!p0 $0xF7A, s2;
	p2 =	seq.s32 @!p0 s5, $0x0  }
0x1f: {  	s9 =	smul.u32 $0xF7A, s1;
	s8 =	simm.s32 @!p0 $0x1BF5;
	p2 =	por !p2, p0  }
0x20: {  	[sflag:s8] =	ssyncset.s32 @!p0 $0xFFFFF086;
	s6 =	sadd.s32 @!p0 s3, s7;
	s7 =	simm.s32 @!p0 $0x108  }
0x21: {  	s3 =	sadd.s32 s3, s9;
	s6 =	sadd.s32 @!p0 $0x88, s6;
	s7 =	simm.s32 @p2 $0x1082  }
0x22: {  	[simem:s7], [sflag:s8] =	dma.local @!p0 [hbm:s6], $0xF7A  }
0x23: {  	s9 =	sor.u32 $0xD0000000, s2;
	s6 =	simm.s32 $0x108;
	_ =	swait.ge @!p0 [sflag:s8], $0x0  }
0x24: {  	s3 =	sadd.s32 $0x88, s3;
	s6 =	simm.s32 @!p1 $0x1082;
	[sflag:s4] =	ssyncset.s32 $0xFFFFF086  }
0x25: {  	[simem:s6], [sflag:s4] =	dma.local [hbm:s3], $0xF7A  }
0x26: {  	[smem:$0x3F9A] =	sst s1;
	(tag) =	ssettag s2;
	_ =	strace s9  }
0x27: {  	s1 =	sld [smem:$0x3FAA]  }
0x28: {  	s2 =	sld [smem:$0x3FAB]  }
0x29: {  	s4 =	sld [smem:$0x3FAD]  }
0x2a: {  	p0 =	seq.s32 s5, $0x0;
	s5 =	sld [smem:$0x3FAE]  }
0x2b: {  	s6 =	sld [smem:$0x3FAF]  }
0x2c: {  	s7 =	sld [smem:$0x3FB0]  }
0x2d: {  	s3 =	simm.s32 $0x108;
	s8 =	sld [smem:$0x3FB1]  }
0x2e: {  	s3 =	simm.s32 @!p0 $0x1082;
	s9 =	sld [smem:$0x3FB2]  }
0x2f: {  	lr =	sadd.s32 s0, s3;
	s0 =	sld [smem:$0x3FA9]  }
0x30: {  	s3 =	sld [smem:$0x3FAC]  }
0x31: {  	[smem:$0x3FB5] =	sst s10  }
0x32: {  	s10 =	sld [smem:$0x3FB3];
	_ =	sdelay $0x3  }
0x33: {  	p0 =	seq.s32 s10, $0x1;
	s10 =	sld [smem:$0x3FB5];
	_ =	sdelay $0x3  }
0x34: {  	[smem:$0x3FB5] =	sst s10  }
0x35: {  	s10 =	sld [smem:$0x3FB4];
	_ =	sdelay $0x3  }
0x36: {  	p1 =	seq.s32 s10, $0x1;
	s10 =	sld [smem:$0x3FB5];
	_ =	sdelay $0x3  }
0x37: {  	[smem:$0x3FB5] =	sst s10  }
0x38: {  	s10 =	sld [smem:$0x3FB6]  }
0x39: {  	_ = 	snop;
	(pc) =	sbr.ind lr, $3  }
0x3a: {  	_ = 	snop  }
0x3b: {  	_ = 	snop  }
0x3c: {  	p2 =	seq.s32 s10, $0x1;
	s10 =	sld [smem:$0x3FB5]  }
0x3d: {  	_ =	shalt  }
0x3e: {  	_ =	shalt  }
0x3f: {  	_ =	shalt  }
0x40: {  	_ =	shalt  }
0x41: {  	_ =	shalt  }
0x42: {  	_ =	shalt  }
0x43: {  	_ =	shalt  }
0x44: {  	_ =	shalt  }
0x45: {  	_ =	shalt  }
0x46: {  	_ =	shalt  }
0x47: {  	_ =	shalt  }
0x48: {  	_ =	shalt  }
0x49: {  	_ =	shalt  }
0x4a: {  	_ =	shalt  }
0x4b: {  	_ =	shalt  }
0x4c: {  	_ =	shalt  }
0x4d: {  	_ =	shalt  }
0x4e: {  	_ =	shalt  }
0x4f: {  	_ =	shalt  }
0x50: {  	_ =	shalt  }
0x51: {  	_ =	shalt  }
0x52: {  	_ =	shalt  }
0x53: {  	_ =	shalt  }
0x54: {  	_ =	shalt  }
0x55: {  	_ =	shalt  }
0x56: {  	_ =	shalt  }
0x57: {  	_ =	shalt  }
0x58: {  	_ =	shalt  }
0x59: {  	_ =	shalt  }
0x5a: {  	_ =	shalt  }
0x5b: {  	_ =	shalt  }
0x5c: {  	_ =	shalt  }
0x5d: {  	_ =	shalt  }
0x5e: {  	_ =	shalt  }
0x5f: {  	_ =	shalt  }
0x60: {  	_ =	shalt  }
0x61: {  	_ =	shalt  }
0x62: {  	_ =	shalt  }
0x63: {  	_ =	shalt  }
0x64: {  	_ =	shalt  }
0x65: {  	_ =	shalt  }
0x66: {  	_ =	shalt  }
0x67: {  	_ =	shalt  }
0x68: {  	_ =	shalt  }
0x69: {  	_ =	shalt  }
0x6a: {  	_ =	shalt  }
0x6b: {  	_ =	shalt  }
0x6c: {  	_ =	shalt  }
0x6d: {  	_ =	shalt  }
0x6e: {  	_ =	shalt  }
0x6f: {  	_ =	shalt  }
0x70: {  	_ =	shalt  }
0x71: {  	_ =	shalt  }
0x72: {  	_ =	shalt  }
0x73: {  	_ =	shalt  }
0x74: {  	_ =	shalt  }
0x75: {  	_ =	shalt  }
0x76: {  	_ =	shalt  }
0x77: {  	_ =	shalt  }
0x78: {  	_ =	shalt  }
0x79: {  	_ =	shalt  }
0x7a: {  	_ =	shalt  }
0x7b: {  	_ =	shalt  }
0x7c: {  	_ =	shalt  }
0x7d: {  	_ =	shalt  }
0x7e: {  	_ =	shalt  }
0x7f: {  	_ =	shalt  }
0x80: {  	_ =	shalt  }
0x81: {  	_ =	shalt  }
0x82: {  	_ =	shalt  }
0x83: {  	_ =	shalt  }
0x84: {  	_ =	shalt  }
0x85: {  	_ =	shalt  }
0x86: {  	_ =	shalt  }
0x87: {  	_ =	shalt  }
.Lfunc_end0:
.L_simem_size_0:
called_computation_lowered:
.L_overlay_start_0:
0x88: {  	s2 =	sld [smem:$0x3FD9]  }
0x89: {  	s3 =	sld [smem:$0x3FFE];
	_ =	sdelay $0x1  }
0x8a: {  	s1 =	srdreg.scid  }
0x8b: {  	s0 =	sand.u32 $0x1, s1  }
0x8c: {  	s17 =	sshll.u32 s0, $0xA;
	s2 =	sadd.s32 s3, s2  }
0x8d: {  	s2 =	sadd.s32 s2, s17  }
0x8e: {  	[smem:$0x3FC1] =	sst s2  }
0x8f: {  	_ = 	snop  }
0x90: {  	s2 =	sld [smem:$0x3FC9]  }
0x91: {  	s18 =	sld [smem:$0x3FC4]  }
0x92: {  	s4 =	sld [smem:$0x3FC3]  }
0x93: {  	s5 =	sld [smem:$0x3FD0];
	(tm) =	ssettm $0x1  }
0x94: {  	s6 =	sld [smem:$0x3FFB];
	_ =	sdelay $0x3  }
0x95: {  	_ =	strace s6  }
0x96: {  	s6 =	sld [smem:$0x3FFC];
	_ =	sdelay $0x3  }
0x97: {  	_ =	strace s6  }
0x98: {  	s6 =	sld [smem:$0x3FFD];
	_ =	sdelay $0x3  }
0x99: {  	_ =	strace s6  }
0x9a: {  	_ =	strace $0x8FFFFFFF  }
0x9b: {  	s19 =	sld [smem:$0x3FDB];
	_ =	sdelay $0x1  }
0x9c: {  	s7 =	simm.s32 $_scs_section_size  }
0x9d: {  	s8 =	simm.s32 $_size__tile_overlayer_lowered;
	s9 =	simm.s32 $_tile_overlayer_lowered  }
0x9e: {  	s22 =	simm.s32 $0x1BFF;
	s21 =	sshll.u32 s9, $0x1;
	s6 =	sadd.s32 s7, s19  }
0x9f: {  	s10 =	simm.s32 $0x0;
	s20 =	sshll.u32 s8, $0x1;
	s8 =	sadd.s32 s21, s6  }
0xa0: {  	[timem:s10], [sflag:s22] =	dma.local [hbm:s8], s20  }
0xa1: {  	_ =	swait.ge [sflag:s22], s20  }
0xa2: {  	s7 =	ssub.s32 $0x0, s20;
	[sflag:s22] =	ssyncset.done $0x0  }
0xa3: {  	[sflag:s22] =	ssyncadd.s32 s7;
	_ =	sdelay $0x1  }
0xa4: {  	s23 =	simm.s32 $0x1B8B  }
0xa5: {  	_ =	swait.ge [sflag:s23], $0x1  }
0xa6: {  	[sflag:s23] =	ssyncset.done $0x0  }
0xa7: {  	s25 =	simm.s32 $0x1B8E;
	s24 =	sld [smem:$0x3FFE];
	[sflag:s23] =	ssyncadd.s32 $0xFFFFFFFF  }
0xa8: {  	s26 =	simm.s32 $execute0_lowered;
	[smem:$0x3FD2] =	sst s25  }
0xa9: {  	s8 =	sshll.u32 s26, $0x1;
	_ =	strace $0x80000046;
	[dreg:$0x1] =	wrdreg $0xFFFFFFFF  }
0xaa: {  	s28 =	simm.s32 $_size_execute0_lowered;
	s6 =	sadd.s32 s6, s8;
	[dreg:$0x0] =	wrdreg $0x0  }
0xab: {  	s8 =	sshll.u32 s28, $0x1;
	[dreg:$0x2] =	wrdreg s6  }
0xac: {  	[dreg:$0x3] =	wrdreg s8  }
0xad: {  	[dreg:$0x4] =	wrdreg $0xC0  }
0xae: {  	_ =	task [dreg:s10], $0x5FFFF  }
0xaf: {  	[dreg:$0x1] =	wrdreg $0xFFFFFFFF  }
0xb0: {  	[dreg:$0x0] =	wrdreg $0x60  }
0xb1: {  	[dreg:$0x2] =	wrdreg s2  }
0xb2: {  	[dreg:$0x3] =	wrdreg s24  }
0xb3: {  	[dreg:$0x4] =	wrdreg s18  }
0xb4: {  	[dreg:$0x5] =	wrdreg s4  }
0xb5: {  	[dreg:$0x6] =	wrdreg s5  }
0xb6: {  	[dreg:$0x7] =	wrdreg $0x9  }
0xb7: {  	_ =	task.clear_ibuf [dreg:s10], $0x8FFFF;
	_ =	strace $0x90000046  }
0xb8: {  	s29 =	simm.s32 $0x9;
	_ =	strace $0x80000048  }
0xb9: {  	_ =	swait.ge [sflag:s29], $0x1  }
0xba: {  	[sflag:s29] =	ssyncadd.s32 $0xFFFFFFFF  }
0xbb: {  	_ =	strace $0x90000048  }
0xbc: {  	_ =	sfence  }
0xbd: {  	s30 =	sld [smem:$0x0];
	_ =	sdelay $0x2  }
0xbe: {  	s31 =	sshll.u32 s1, $0xD;
	s1 =	sshrl.u32 s1, $0x2  }
0xbf: {  	s3 =	sand.u32 $0x4000, s31;
	s1 =	sadd.s32 s1, s30  }
0xc0: {  	s0 =	sor.u32 s3, s0;
	s1 =	sshll.u32 s1, $0x11  }
0xc1: {  	s0 =	sor.u32 s1, s0  }
0xc2: {  	s0 =	sadd.s32 $0x8F2B, s0  }
0xc3: {  	[sflag:s0] =	ssyncadd.remote.s32 $0x1  }
0xc4: {  	_ =	sfence.sel $0xFFFF  }
0xc5: {  	[dreg:$0x0] =	wrdreg $0xFFFFFFFF;
	(pc) =	sbr.abs _section_cstart, $3  }
0xc6: {  	[dreg:$0x1] =	wrdreg $0xFFFFFFFF  }
0xc7: {  	_ =	task.clear_ibuf [dreg:s10], $0x2FFFF;
	_ =	strace $0x9FFFFFFF  }
0xc8: {  	(tm) =	ssettm $0x7FFFFFFF  }
0xc9: {  	_ =	shalt  }
tec
execute0_lowered:
.L_overlay_start_1:
0x0: {  	(tag) =	ssettag $0x1  }
0x1: {  	s4 =	rddreg [dreg:$0x0]  }
0x2: {  	s0 =	rddreg [dreg:$0x1]  }
0x3: {  	s5 =	rddreg [dreg:$0x2]  }
0x4: {  	s7 =	rddreg [dreg:$0x3];
	s1 =	srdreg.scid  }
0x5: {  	s2 =	stileid.u32;
	s6 =	simm.s32 $0x0;
	s8 =	simm.s32 $0x2  }
0x6: {  	s9 =	simm.s32 $0x3;
	s10 =	simm.s32 $0x4;
	s25 =	simm.s32 $0x5  }
0x7: {  	s1 =	sand.u32 $0x1, s1;
	s2 =	sshll.u32 s2, $0x1;
	[smem:$0x7FF] =	sst s6  }
0x8: {  	s11 =	sadd.s32 $0x100, s5;
	s12 =	sadd.s32 $0x200, s5;
	s13 =	sadd.s32 $0x300, s5  }
0x9: {  	s14 =	sadd.s32 $0x400, s5;
	s15 =	sadd.s32 $0x500, s5;
	s16 =	sadd.s32 $0x600, s5  }
0xa: {  	s17 =	sadd.s32 $0x700, s5;
	s18 =	sadd.s32 $0x100, s7;
	s19 =	sadd.s32 $0x200, s7  }
0xb: {  	s20 =	sadd.s32 $0x300, s7;
	s21 =	sadd.s32 $0x400, s7;
	s22 =	sadd.s32 $0x500, s7  }
0xc: {  	v0 =	vlaneseq.u32;
	s2 =	sor.u32 s1, s2;
	s1 =	ssub.s32 $0x2, s1;
	_ =	strace $0x80000047  }
0xd: {  	vm0 =	vmmov $0xffff;
	vm1 =	vmmov $0x1;
	vm8 =	vcmask $0x1B20;
	s3 =	sshll.u32 s2, $0x8;
	s28 =	sshll.u32 s2, $0x7;
	s2 =	sshll.u32 s2, $0xF  }
0xe: {  	vm2 =	vmmov $0x1ff;
	vm3 =	vmmov $0x3ff;
	vm4 =	vmmov $0x7ff;
	s0 =	sadd.s32 s3, s0;
	[dreg:$0x6] =	wrdreg s28;
	s30 =	sadd.s32 s4, s2  }
0xf: {  	vm5 =	vmmov $0xfff;
	vm6 =	vmmov $0x1fff;
	vm7 =	vmmov $0x3fff;
	s26 =	sshrl.u32 s1, $0x1;
	s29 =	sadd.s32 $0xE00, s0;
	[dreg:$0x9] =	wrdreg s30  }
0x10: {  	vm9 =	vmmov $0x7fff;
	vm12 =	vcmask $0x272C;
	vm13 =	vcmask $0x2B30;
	s1 =	ssub.s32 s1, s26;
	s0 =	sadd.s32 $0x2E00, s0;
	[dreg:$0x7] =	wrdreg s29  }
0x11: {  	vm14 =	vcmask $0x2F34;
	vm15 =	vcmask $0x3338;
	s23 =	sadd.s32 $0x600, s7;
	v1 =	vshrl.u32 v0, $0x3;
	s31 =	smax.u32 s1, $0x1;
	[dreg:$0x8] =	wrdreg s0  }
0x12: {  	vm10 =	vcmask $0x373C;
	s24 =	sadd.s32 $0x700, s7;
	v0 =	vand.u32 $0x7, v0;
	v1 =	vmul.u32 $0x8, v1;
	s2 =	simm.s32 $0x0;
	[dreg:$0xa] =	wrdreg s31  }
.LBB2_1:
0x13: {  	[dreg:$0xb] =	wrdreg s2  }
0x14: {  	s0 =	rddreg [dreg:$0x7];
	s1 =	simm.s32 $0x7  }
0x15: {  	[tilespmem:s6], [sflag:$0x7] =	stream.linear.gather [hbm4b:s0+s6], $0x800, $0x38;
	[tilespmem:$0x12800] =	vst v63  }
0x16: {  	_ =	swait.ge [sflag:s1], $0x800  }
0x17: {  	[sflag:s1] =	ssyncset.done $0x0  }
0x18: {  	s31 =	simm.s32 $0x800;
	s30 =	rddreg [dreg:$0x8];
	[sflag:s1] =	ssyncadd.s32 $0xFFFFF800  }
0x19: {  	[tilespmem:s31], [sflag:$0x7] =	stream.linear.gather [hbm4b:s30+s6], $0x800, $0x38;
	[tilespmem:$0x12800] =	vst v63  }
0x1a: {  	_ =	swait.ge [sflag:s1], $0x800  }
0x1b: {  	s2 =	simm.s32 $0x80;
	s4 =	simm.s32 $0x400;
	[sflag:s1] =	ssyncset.done $0x0  }
0x1c: {  	s3 =	simm.s32 $0x1000;
	[sflag:s1] =	ssyncadd.s32 $0xFFFFF800;
	s1 =	rddreg [dreg:$0x9]  }
0x1d: {  	[tilespmem:s3], [sflag:$0x1] =	stream.strided.gather [hbm4b:s1+s2], $0x800, s4, s2, $0x38;
	[tilespmem:$0x12800] =	vst v63  }
0x1e: {  	v2 =	vld.msk [tilespmem:$0x0], $0xff;
	_ =	sdelay $0x4  }
0x1f: {  	v3 =	vshll.u32 v2, $0x4  }
0x20: {  	v2 =	vand.u32 $0x7, v2;
	v3 =	vand.u32 $0xFFFFFF80, v3  }
0x21: {  	v2 =	vor.u32 v2, v3  }
0x22: {  	v2 =	vperm.xlane v2, v0;
	_ =	sdelay $0x1  }
0x23: {  	v2 =	vadd.s32 v1, v2;
	_ =	sdelay $0x3  }
0x24: {  	s7 =	simm.s32 $0x2000;
	s5 =	rddreg [dreg:$0x2]  }
0x25: {  	[tilespmem:s7], [sflag:$0x2] =	stream.indirect_vreg.gather [hbm4b:s5+s6], $0x80, v2, vm0, $0xb8;
	[tilespmem:$0x12800] =	vst v63  }
0x26: {  	s26 =	simm.s32 $0x2800  }
0x27: {  	[tilespmem:s26], [sflag:$0x2] =	stream.indirect_vreg.gather [hbm4b:s11+s6], $0x80, v2, vm0, $0xb8;
	[tilespmem:$0x12800] =	vst v63  }
0x28: {  	s28 =	simm.s32 $0x3000  }
0x29: {  	[tilespmem:s28], [sflag:$0x2] =	stream.indirect_vreg.gather [hbm4b:s12+s6], $0x80, v2, vm0, $0xb8;
	[tilespmem:$0x12800] =	vst v63  }
0x2a: {  	s29 =	simm.s32 $0x3800  }
0x2b: {  	[tilespmem:s29], [sflag:$0x2] =	stream.indirect_vreg.gather [hbm4b:s13+s6], $0x80, v2, vm0, $0xb8;
	[tilespmem:$0x12800] =	vst v63  }
0x2c: {  	s30 =	simm.s32 $0x4000  }
0x2d: {  	[tilespmem:s30], [sflag:$0x2] =	stream.indirect_vreg.gather [hbm4b:s14+s6], $0x80, v2, vm0, $0xb8;
	[tilespmem:$0x12800] =	vst v63  }
0x2e: {  	s31 =	simm.s32 $0x4800  }
0x2f: {  	[tilespmem:s31], [sflag:$0x2] =	stream.indirect_vreg.gather [hbm4b:s15+s6], $0x80, v2, vm0, $0xb8;
	[tilespmem:$0x12800] =	vst v63  }
0x30: {  	s1 =	simm.s32 $0x5000  }
0x31: {  	[tilespmem:s1], [sflag:$0x2] =	stream.indirect_vreg.gather [hbm4b:s16+s6], $0x80, v2, vm0, $0xb8;
	[tilespmem:$0x12800] =	vst v63  }
0x32: {  	s2 =	simm.s32 $0x5800  }
0x33: {  	[tilespmem:s2], [sflag:$0x2] =	stream.indirect_vreg.gather [hbm4b:s17+s6], $0x80, v2, vm0, $0xb8;
	[tilespmem:$0x12800] =	vst v63  }
0x34: {  	v2 =	vld.msk [tilespmem:$0x0], $0xff;
	_ =	sdelay $0x4  }
0x35: {  	v3 =	vshll.u32 v2, $0x4  }
0x36: {  	v2 =	vand.u32 $0x7, v2;
	v3 =	vand.u32 $0xFFFFFF80, v3  }
0x37: {  	v2 =	vor.u32 v2, v3  }
0x38: {  	v2 =	vperm.xlane v2, v0;
	_ =	sdelay $0x1  }
0x39: {  	v2 =	vadd.s32 v1, v2;
	_ =	sdelay $0x3  }
0x3a: {  	s3 =	rddreg [dreg:$0x3];
	s4 =	simm.s32 $0xA000  }
0x3b: {  	[tilespmem:s4], [sflag:$0x3] =	stream.indirect_vreg.gather [hbm4b:s3+s6], $0x80, v2, vm0, $0xb8;
	[tilespmem:$0x12800] =	vst v63  }
0x3c: {  	s5 =	simm.s32 $0xA800  }
0x3d: {  	[tilespmem:s5], [sflag:$0x3] =	stream.indirect_vreg.gather [hbm4b:s18+s6], $0x80, v2, vm0, $0xb8;
	[tilespmem:$0x12800] =	vst v63  }
0x3e: {  	s7 =	simm.s32 $0xB000  }
0x3f: {  	[tilespmem:s7], [sflag:$0x3] =	stream.indirect_vreg.gather [hbm4b:s19+s6], $0x80, v2, vm0, $0xb8;
	[tilespmem:$0x12800] =	vst v63  }
0x40: {  	s26 =	simm.s32 $0xB800  }
0x41: {  	[tilespmem:s26], [sflag:$0x3] =	stream.indirect_vreg.gather [hbm4b:s20+s6], $0x80, v2, vm0, $0xb8;
	[tilespmem:$0x12800] =	vst v63  }
0x42: {  	s28 =	simm.s32 $0xC000  }
0x43: {  	[tilespmem:s28], [sflag:$0x3] =	stream.indirect_vreg.gather [hbm4b:s21+s6], $0x80, v2, vm0, $0xb8;
	[tilespmem:$0x12800] =	vst v63  }
0x44: {  	s29 =	simm.s32 $0xC800  }
0x45: {  	[tilespmem:s29], [sflag:$0x3] =	stream.indirect_vreg.gather [hbm4b:s22+s6], $0x80, v2, vm0, $0xb8;
	[tilespmem:$0x12800] =	vst v63  }
0x46: {  	s30 =	simm.s32 $0xD000  }
0x47: {  	[tilespmem:s30], [sflag:$0x3] =	stream.indirect_vreg.gather [hbm4b:s23+s6], $0x80, v2, vm0, $0xb8;
	[tilespmem:$0x12800] =	vst v63  }
0x48: {  	s0 =	simm.s32 $0x0;
	s31 =	simm.s32 $0xD800;
	s5 =	simm.s32 $0x0  }
0x49: {  	[tilespmem:s31], [sflag:$0x3] =	stream.indirect_vreg.gather [hbm4b:s24+s6], $0x80, v2, vm0, $0xb8;
	[tilespmem:$0x12800] =	vst v63  }
.LBB2_2:
0x4a: {  	s1 =	sshll.u32 s5, $0x4  }
0x4b: {  	s2 =	sor.u32 $0x8, s1  }
0x4c: {  	v2 =	vld.msk [tilespmem:s2+$0x0], $0xff;
	_ =	sdelay $0x4  }
0x4d: {  	v3 =	vshll.u32 v2, $0x4  }
0x4e: {  	v2 =	vand.u32 $0x7, v2;
	v3 =	vand.u32 $0xFFFFFF80, v3  }
0x4f: {  	v2 =	vor.u32 v2, v3  }
0x50: {  	v2 =	vperm.xlane v2, v0;
	_ =	sdelay $0x1  }
0x51: {  	v2 =	vadd.s32 v1, v2;
	_ =	sdelay $0x3  }
0x52: {  	s3 =	rddreg [dreg:$0x2];
	s4 =	simm.s32 $0x6000  }
0x53: {  	[tilespmem:s4], [sflag:$0x4] =	stream.indirect_vreg.gather [hbm4b:s3+s6], $0x80, v2, vm0, $0xb8;
	[tilespmem:$0x12800] =	vst v63  }
0x54: {  	s26 =	simm.s32 $0x6800  }
0x55: {  	[tilespmem:s26], [sflag:$0x4] =	stream.indirect_vreg.gather [hbm4b:s11+s6], $0x80, v2, vm0, $0xb8;
	[tilespmem:$0x12800] =	vst v63  }
0x56: {  	s31 =	simm.s32 $0x7000  }
0x57: {  	[tilespmem:s31], [sflag:$0x4] =	stream.indirect_vreg.gather [hbm4b:s12+s6], $0x80, v2, vm0, $0xb8;
	[tilespmem:$0x12800] =	vst v63  }
0x58: {  	s4 =	simm.s32 $0x7800  }
0x59: {  	[tilespmem:s4], [sflag:$0x4] =	stream.indirect_vreg.gather [hbm4b:s13+s6], $0x80, v2, vm0, $0xb8;
	[tilespmem:$0x12800] =	vst v63  }
0x5a: {  	s7 =	simm.s32 $0x8000  }
0x5b: {  	[tilespmem:s7], [sflag:$0x4] =	stream.indirect_vreg.gather [hbm4b:s14+s6], $0x80, v2, vm0, $0xb8;
	[tilespmem:$0x12800] =	vst v63  }
0x5c: {  	s26 =	simm.s32 $0x8800  }
0x5d: {  	[tilespmem:s26], [sflag:$0x4] =	stream.indirect_vreg.gather [hbm4b:s15+s6], $0x80, v2, vm0, $0xb8;
	[tilespmem:$0x12800] =	vst v63  }
0x5e: {  	s31 =	simm.s32 $0x9000  }
0x5f: {  	[tilespmem:s31], [sflag:$0x4] =	stream.indirect_vreg.gather [hbm4b:s16+s6], $0x80, v2, vm0, $0xb8;
	[tilespmem:$0x12800] =	vst v63  }
0x60: {  	s4 =	simm.s32 $0x9800  }
0x61: {  	[tilespmem:s4], [sflag:$0x4] =	stream.indirect_vreg.gather [hbm4b:s17+s6], $0x80, v2, vm0, $0xb8;
	[tilespmem:$0x12800] =	vst v63  }
0x62: {  	v2 =	vld.msk [tilespmem:s2+$0x0], $0xff;
	_ =	sdelay $0x4  }
0x63: {  	v3 =	vshll.u32 v2, $0x4  }
0x64: {  	v2 =	vand.u32 $0x7, v2;
	v3 =	vand.u32 $0xFFFFFF80, v3  }
0x65: {  	v2 =	vor.u32 v2, v3  }
0x66: {  	v2 =	vperm.xlane v2, v0;
	_ =	sdelay $0x1  }
0x67: {  	v2 =	vadd.s32 v1, v2;
	_ =	sdelay $0x3  }
0x68: {  	s7 =	rddreg [dreg:$0x3];
	s26 =	simm.s32 $0xE000  }
0x69: {  	[tilespmem:s26], [sflag:$0x5] =	stream.indirect_vreg.gather [hbm4b:s7+s6], $0x80, v2, vm0, $0xb8;
	[tilespmem:$0x12800] =	vst v63  }
0x6a: {  	s31 =	simm.s32 $0xE800  }
0x6b: {  	[tilespmem:s31], [sflag:$0x5] =	stream.indirect_vreg.gather [hbm4b:s18+s6], $0x80, v2, vm0, $0xb8;
	[tilespmem:$0x12800] =	vst v63  }
0x6c: {  	s3 =	simm.s32 $0xF000  }
0x6d: {  	[tilespmem:s3], [sflag:$0x5] =	stream.indirect_vreg.gather [hbm4b:s19+s6], $0x80, v2, vm0, $0xb8;
	[tilespmem:$0x12800] =	vst v63  }
0x6e: {  	s4 =	simm.s32 $0xF800  }
0x6f: {  	[tilespmem:s4], [sflag:$0x5] =	stream.indirect_vreg.gather [hbm4b:s20+s6], $0x80, v2, vm0, $0xb8;
	[tilespmem:$0x12800] =	vst v63  }
0x70: {  	s7 =	simm.s32 $0x10000  }
0x71: {  	[tilespmem:s7], [sflag:$0x5] =	stream.indirect_vreg.gather [hbm4b:s21+s6], $0x80, v2, vm0, $0xb8;
	[tilespmem:$0x12800] =	vst v63  }
0x72: {  	s26 =	simm.s32 $0x10800  }
0x73: {  	[tilespmem:s26], [sflag:$0x5] =	stream.indirect_vreg.gather [hbm4b:s22+s6], $0x80, v2, vm0, $0xb8;
	[tilespmem:$0x12800] =	vst v63  }
0x74: {  	p0 =	seq.s32 s5, $0x7F;
	s31 =	simm.s32 $0x11000  }
0x75: {  	[tilespmem:s31], [sflag:$0x5] =	stream.indirect_vreg.gather [hbm4b:s23+s6], $0x80, v2, vm0, $0xb8;
	[tilespmem:$0x12800] =	vst v63  }
0x76: {  	s3 =	simm.s32 $0x11800;
	s4 =	rddreg [dreg:$0x6];
	s7 =	simm.s32 $0x1  }
0x77: {  	[tilespmem:s3], [sflag:$0x5] =	stream.indirect_vreg.gather [hbm4b:s24+s6], $0x80, v2, vm0, $0xb8;
	[tilespmem:$0x12800] =	vst v63  }
0x78: {  	s2 =	sadd.s32 s4, s5;
	s3 =	sshll.u32 s5, $0xB;
	_ =	swait.ge [sflag:s7], $0x800  }
0x79: {  	s4 =	sadd.s32 @!p0 $0x1, s2;
	s3 =	sxor.u32 @!p0 $0xFFFFFFFF, s3;
	[sflag:s7] =	ssyncset.done $0x0  }
0x7a: {  	s3 =	sand.u32 @!p0 $0x800, s3;
	[sflag:s7] =	ssyncadd.s32 $0xFFFFF800;
	s7 =	sshll.u32 @!p0 s4, $0x4  }
0x7b: {  	s4 =	sshll.u32 @!p0 s4, $0x8;
	s7 =	sand.u32 @!p0 $0x70, s7;
	s26 =	rddreg [dreg:$0x0]  }
0x7c: {  	s3 =	sor.u32 @!p0 $0x1000, s3;
	s4 =	sand.u32 @!p0 $0xFFFF800, s4;
	s7 =	sadd.s32 @!p0 s26, s7  }
0x7d: {  	s26 =	simm.s32 @!p0 $0x400;
	s4 =	sadd.s32 @!p0 s4, s7;
	s7 =	simm.s32 @!p0 $0x80  }
0x7e: {  	[tilespmem:s3], [sflag:$0x1] =	stream.strided.gather @!p0 [hbm4b:s4+s7], $0x800, s26, s7, $0x38;
	[tilespmem:$0x12800] =	vst v63  }
0x7f: {  	s3 =	simm.s32 $0x0;
	s26 =	sadd.s32 $0x0, s0  }
0x80: {  	v2 =	vld [tilespmem:s1+$0x800];
	_ =	swait.ge [sflag:s8], $0x4000;
	s7 =	sand.u32 $0x7, s3;
	s31 =	sand.u32 $0x70, s3  }
0x81: {  	[sflag:s8] =	ssyncset.done $0x0;
	s4 =	sshll.u32 s7, $0x4;
	s7 =	sand.u32 $0xF80, s26  }
0x82: {  	[sflag:s8] =	ssyncadd.s32 $0xFFFFC000;
	s4 =	sadd.s32 $0x0, s4;
	s7 =	sor.u32 s31, s7  }
0x83: {  	s3 =	sand.u32 $0x3C00, s3;
	v4 =	vld [tilespmem:s7+$0x1000];
	s4 =	sor.u32 $0x380, s4  }
0x84: {  	s3 =	sor.u32 s31, s3;
	v5 =	vld [tilespmem:s4+$0x2000]  }
0x85: {  	v16 =	vld [tilespmem:s3+$0x2000]  }
0x86: {  	s2 =	sshll.u32 s2, $0x8;
	v14 =	vld [tilespmem:s3+$0x2080]  }
0x87: {  	v10 =	vimm.f32 $0.0e+00;
	v11 =	vimm.f32 $0.0e+00;
	v8 =	vimm.f32 $0.0e+00;
	s28 =	simm.s32 $0x20;
	s30 =	sand.u32 $0x70, s1;
	s29 =	sand.u32 $0xFFFF800, s2;
	v13 =	vld [tilespmem:s3+$0x2100]  }
0x88: {  	v7 =	vimm.f32 $0.0e+00;
	v9 =	vimm.f32 $0.0e+00;
	v6 =	vimm.f32 $0.0e+00;
	s1 =	simm.s32 $0x80;
	s26 =	simm.s32 $0x1;
	s31 =	simm.s32 $0x10;
	v15 =	vld [tilespmem:s3+$0x2180]  }
0x89: {  	v3 =	vimm.f32 $0.0e+00;
	s2 =	sand.u32 $0x7, s26;
	s7 =	sand.u32 $0x70, s31;
	v17 =	vld [tilespmem:s3+$0x2200];
	s4 =	sadd.s32 $0x10, s0;
	v12 =	vmul.f32 v5, v4;
	v5 =	vimm.f32 $0.0e+00  }
.LBB2_3:
0x8a: {  	p1 =	sne.s32 s28, $0x7F0;
	s2 =	sshll.u32 s2, $0x4;
	s4 =	sand.u32 $0xF80, s4;
	v16 =	vmul.f32 v16, v4;
	v18 =	vld [tilespmem:s3+$0x2280]  }
0x8b: {  	s31 =	sand.u32 $0x3C00, s1;
	s2 =	sadd.s32 s2, s1;
	s4 =	sor.u32 s7, s4;
	v14 =	vmul.f32 v14, v4;
	v19 =	vld [tilespmem:s3+$0x2300];
	v3 =	vadd.f32 v12, v3  }
0x8c: {  	s3 =	sor.u32 s7, s31;
	v12 =	vld [tilespmem:s4+$0x1000];
	s2 =	sor.u32 $0x380, s2;
	v10 =	vadd.f32 v16, v10;
	v13 =	vmul.f32 v13, v4  }
0x8d: {  	v20 =	vld [tilespmem:s2+$0x2000];
	v11 =	vadd.f32 v14, v11;
	v15 =	vmul.f32 v15, v4  }
.Ltmp0:
0x8e: {  	v16 =	vld [tilespmem:s3+$0x2000];
	v8 =	vadd.f32 v13, v8;
	v17 =	vmul.f32 v17, v4;
	(pc) =	sbr.rel @p1 .LBB2_3-.Ltmp0, $4  }
0x8f: {  	v14 =	vld [tilespmem:s3+$0x2080];
	v7 =	vadd.f32 v15, v7;
	v18 =	vmul.f32 v18, v4  }
0x90: {  	v13 =	vld [tilespmem:s3+$0x2100];
	v9 =	vadd.f32 v17, v9;
	v19 =	vmul.f32 v19, v4  }
0x91: {  	s26 =	sadd.s32 $0x1, s26;
	s7 =	sand.u32 $0x70, s28;
	s1 =	sadd.s32 $0x80, s1;
	v15 =	vld [tilespmem:s3+$0x2180];
	v6 =	vadd.f32 v18, v6;
	v4 =	vmov v12  }
0x92: {  	s4 =	sadd.s32 s28, s0;
	s28 =	sadd.s32 $0x10, s28;
	s2 =	sand.u32 $0x7, s26;
	v17 =	vld [tilespmem:s3+$0x2200];
	v12 =	vmul.f32 v20, v4;
	v5 =	vadd.f32 v19, v5  }
0x93: {  	s4 =	sand.u32 $0xF80, s4;
	v18 =	vld [tilespmem:s3+$0x2280]  }
0x94: {  	v19 =	vld [tilespmem:s3+$0x2300];
	s31 =	sand.u32 $0x3C00, s1;
	s4 =	sor.u32 s7, s4  }
0x95: {  	s3 =	sor.u32 s7, s31;
	v20 =	vld [tilespmem:s4+$0x1000]  }
0x96: {  	v21 =	vld [tilespmem:s3+$0x2000]  }
0x97: {  	v22 =	vld [tilespmem:s3+$0x2080]  }
0x98: {  	v16 =	vmul.f32 v16, v4;
	v23 =	vld [tilespmem:s3+$0x2100]  }
0x99: {  	v14 =	vmul.f32 v14, v4;
	v24 =	vld [tilespmem:s3+$0x2180]  }
0x9a: {  	s2 =	sshll.u32 s2, $0x4;
	v10 =	vadd.f32 v16, v10;
	v13 =	vmul.f32 v13, v4;
	v40 =	vld [tilespmem:s3+$0x2200];
	v15 =	vmul.f32 v15, v4  }
0x9b: {  	s2 =	sadd.s32 s2, s1;
	v43 =	vld [tilespmem:s3+$0x2280];
	v11 =	vadd.f32 v14, v11;
	v41 =	vmul.f32 v17, v4;
	v42 =	vmul.f32 v21, v20  }
0x9c: {  	s1 =	sor.u32 $0x380, s2;
	v45 =	vld [tilespmem:s3+$0x2300];
	v8 =	vadd.f32 v13, v8;
	v7 =	vadd.f32 v15, v7;
	v44 =	vmul.f32 v22, v20  }
0x9d: {  	v46 =	vld [tilespmem:s1+$0x2000];
	v48 =	vmul.f32 v18, v4;
	v47 =	vmul.f32 v23, v20;
	v10 =	vadd.f32 v42, v10  }
0x9e: {  	v4 =	vmul.f32 v19, v4;
	v49 =	vmul.f32 v24, v20;
	v11 =	vadd.f32 v44, v11  }
0x9f: {  	v9 =	vadd.f32 v41, v9;
	v16 =	vmul.f32 v40, v20;
	v8 =	vadd.f32 v47, v8;
	(xrf2) =	vadd.scan.msk.f32 $0xffff, v10  }
0xa0: {  	v6 =	vadd.f32 v48, v6;
	v7 =	vadd.f32 v49, v7;
	v10 =	vmul.f32 v43, v20;
	(xrf2) =	vadd.scan.msk.f32 $0xffff, v11  }
0xa1: {  	v4 =	vadd.f32 v4, v5;
	v5 =	vadd.f32 v16, v9;
	v9 =	vmul.f32 v45, v20;
	(xrf2) =	vadd.scan.msk.f32 $0xffff, v8  }
0xa2: {  	v3 =	vadd.f32 v12, v3;
	v8 =	vmul.f32 v46, v20;
	v6 =	vadd.f32 v10, v6;
	(xrf2) =	vadd.scan.msk.f32 $0xffff, v7  }
0xa3: {  	v4 =	vadd.f32 v9, v4;
	(xrf2) =	vadd.scan.msk.f32 $0xffff, v5  }
0xa4: {  	v3 =	vadd.f32 v8, v3;
	(xrf2) =	vadd.scan.msk.f32 $0xffff, v6  }
0xa5: {  	(xrf2) =	vadd.scan.msk.f32 $0xffff, v4  }
0xa6: {  	(xrf2) =	vadd.scan.msk.f32 $0xffff, v3;
	_ =	sdelay $0x2  }
0xa7: {  	v3, _, _ =	vpop (xrf2)  }
0xa8: {  	v3 =	vbroadcast v3, $0xF;
	v4, _, _ =	vpop (xrf2)  }
0xa9: {  	v4 =	vbroadcast v4, $0xF;
	v5, _, _ =	vpop (xrf2)  }
0xaa: {  	vm11 =	vcmask $0x320;
	v3 =	vnsel vm1, $0x0, v3;
	v5 =	vbroadcast v5, $0xF;
	v6, _, _ =	vpop (xrf2)  }
0xab: {  	v3 =	vsel vm11, v3, v4;
	v4 =	vbroadcast v6, $0xF;
	v6, _, _ =	vpop (xrf2);
	vm11 =	vcmask $0x720  }
0xac: {  	v3 =	vsel vm11, v3, v5;
	v5 =	vbroadcast v6, $0xF;
	v6, _, _ =	vpop (xrf2);
	vm11 =	vcmask $0xB20  }
0xad: {  	v3 =	vsel vm11, v3, v4;
	v4 =	vbroadcast v6, $0xF;
	v6, _, _ =	vpop (xrf2);
	vm11 =	vcmask $0xF20  }
0xae: {  	v3 =	vsel vm11, v3, v5;
	v5 =	vbroadcast v6, $0xF;
	v6, _, _ =	vpop (xrf2);
	vm11 =	vcmask $0x1320  }
0xaf: {  	v3 =	vsel vm11, v3, v4;
	v4 =	vbroadcast v6, $0xF;
	vm11 =	vcmask $0x1720  }
0xb0: {  	v3 =	vsel vm11, v3, v5  }
0xb1: {  	v3 =	vsel vm8, v3, v4  }
0xb2: {  	v4 =	vmul.f32 $4.471499850e-02, v3;
	_ =	sdelay $0x1  }
0xb3: {  	v4 =	vmul.f32 v4, v3;
	_ =	sdelay $0x1  }
0xb4: {  	v4 =	vmul.f32 v4, v3;
	_ =	sdelay $0x1  }
0xb5: {  	v4 =	vadd.f32 v4, v3;
	_ =	sdelay $0x1  }
0xb6: {  	v4 =	vmul.f32 $7.978845830e-01, v4;
	_ =	sdelay $0x1  }
0xb7: {  	v4 =	vadd.f32 v4, v4;
	_ =	sdelay $0x1  }
0xb8: {  	v4 =	vmul.f32 $1.442695020e+00, v4;
	_ =	sdelay $0x1  }
0xb9: {  	(erf) = vpow2.f32 v4;
	_ =	sdelay $0x8  }
0xba: {  	v4 =	vpop (erf)  }
0xbb: {  	v4 =	vadd.f32 $1.000000000e+00, v4;
	_ =	sdelay $0x1  }
0xbc: {  	(erf) = vrcp.f32 v4;
	_ =	sdelay $0x8  }
0xbd: {  	v4 =	vpop (erf)  }
0xbe: {  	v4 =	vadd.f32 v4, v4;
	_ =	sdelay $0x1  }
0xbf: {  	v4 =	vsub.f32 $1.000000000e+00, v4;
	_ =	sdelay $0x1  }
0xc0: {  	v3 =	vmul.f32 $5.000000000e-01, v3;
	v4 =	vadd.f32 $1.000000000e+00, v4;
	_ =	sdelay $0x1  }
0xc1: {  	v3 =	vmul.f32 v4, v3;
	_ =	sdelay $0x1  }
0xc2: {  	v3 =	vmul.f32 v3, v2;
	_ =	sdelay $0x1  }
0xc3: {  	vm11 =	vcmask $0x308;
	v4 =	vnsel vm1, $0x0, v3  }
0xc4: {  	(xrf2) =	vadd.scan.msk.f32 $0xffff, v4;
	v4 =	vsel vm11, $0x0, v3;
	vm11 =	vcmask $0x70C  }
0xc5: {  	(xrf2) =	vadd.scan.msk.f32 $0xffff, v4;
	v4 =	vsel vm11, $0x0, v3;
	vm11 =	vcmask $0xB10  }
0xc6: {  	(xrf2) =	vadd.scan.msk.f32 $0xffff, v4;
	v4 =	vsel vm11, $0x0, v3;
	vm11 =	vcmask $0xF14  }
0xc7: {  	(xrf2) =	vadd.scan.msk.f32 $0xffff, v4;
	v4 =	vsel vm11, $0x0, v3;
	vm11 =	vcmask $0x1318  }
0xc8: {  	(xrf2) =	vadd.scan.msk.f32 $0xffff, v4;
	v4 =	vsel vm11, $0x0, v3;
	vm11 =	vcmask $0x171C  }
0xc9: {  	(xrf2) =	vadd.scan.msk.f32 $0xffff, v4;
	v4 =	vsel vm11, $0x0, v3  }
0xca: {  	v3 =	vsel vm8, $0x0, v3;
	(xrf2) =	vadd.scan.msk.f32 $0xffff, v4  }
0xcb: {  	(xrf2) =	vadd.scan.msk.f32 $0xffff, v3;
	_ =	sdelay $0x2  }
0xcc: {  	v3, _, _ =	vpop (xrf2)  }
0xcd: {  	v5, _, _ =	vpop (xrf2)  }
0xce: {  	v6, _, _ =	vpop (xrf2)  }
0xcf: {  	v7, _, _ =	vpop (xrf2)  }
0xd0: {  	v8, _, _ =	vpop (xrf2)  }
0xd1: {  	v9, _, _ =	vpop (xrf2)  }
0xd2: {  	p1 =	seq.s32 s5, $0x0;
	v10, _, _ =	vpop (xrf2)  }
0xd3: {  	s1 =	simm.s32 @!p1 $0x6;
	v11, _, _ =	vpop (xrf2)  }
0xd4: {  	_ =	swait.ge @!p1 [sflag:s1], $0x800  }
0xd5: {  	[sflag:s1] =	ssyncset.done @!p1 $0x0  }
0xd6: {  	[sflag:s1] =	ssyncadd.s32 @!p1 $0xFFFFF800  }
0xd7: {  	s4 =	simm.s32 $0x0;
	_ =	swait.ge [sflag:s9], $0x4000  }
0xd8: {  	s7 =	sand.u32 $0x70, s4;
	s1 =	sand.u32 $0x3C00, s4;
	[sflag:s9] =	ssyncset.done $0x0  }
0xd9: {  	s1 =	sor.u32 s7, s1;
	[sflag:s9] =	ssyncadd.s32 $0xFFFFC000  }
0xda: {  	v50 =	vld [tilespmem:s1+$0xA000]  }
0xdb: {  	v51 =	vld [tilespmem:s1+$0xA080];
	_ =	sdelay $0x1  }
0xdc: {  	v52 =	vld [tilespmem:s1+$0xA100]  }
0xdd: {  	v4 =	vbroadcast v3, $0xF;
	v5 =	vbroadcast v5, $0xF  }
0xde: {  	v3 =	vbroadcast v6, $0xF;
	v53 =	vld [tilespmem:s1+$0xA180]  }
0xdf: {  	v12 =	vmul.f32 v50, v4;
	v13 =	vmul.f32 v51, v5  }
0xe0: {  	v54 =	vld [tilespmem:s1+$0xA200]  }
0xe1: {  	v6 =	vbroadcast v7, $0xF;
	v55 =	vmul.f32 v52, v3;
	v12 =	vadd.f32 v13, v12  }
0xe2: {  	v56 =	vld [tilespmem:s1+$0xA280]  }
0xe3: {  	v7 =	vbroadcast v8, $0xF;
	v57 =	vmul.f32 v53, v6;
	v12 =	vadd.f32 v55, v12  }
0xe4: {  	v58 =	vld [tilespmem:s1+$0xA300]  }
0xe5: {  	v8 =	vbroadcast v9, $0xF;
	v59 =	vmul.f32 v54, v7;
	v12 =	vadd.f32 v57, v12  }
0xe6: {  	v60 =	vld [tilespmem:s1+$0xA380]  }
0xe7: {  	v9 =	vbroadcast v10, $0xF;
	v61 =	vmul.f32 v56, v8;
	v12 =	vadd.f32 v59, v12;
	_ =	sdelay $0x1  }
0xe8: {  	v10 =	vbroadcast v11, $0xF;
	v62 =	vmul.f32 v58, v9;
	v11 =	vadd.f32 v61, v12;
	_ =	sdelay $0x1  }
0xe9: {  	v63 =	vmul.f32 v60, v10;
	v11 =	vadd.f32 v62, v11;
	_ =	sdelay $0x1  }
0xea: {  	s26 =	simm.s32 $0x10;
	s3 =	simm.s32 $0x80;
	v11 =	vadd.f32 v63, v11  }
0xeb: {  	s2 =	sand.u32 $0x70, s26;
	s31 =	sand.u32 $0x3C00, s3;
	s1 =	simm.s32 $0x12000  }
0xec: {  	s26 =	simm.s32 $0x20;
	s28 =	sor.u32 s2, s31;
	[tilespmem:s1+$0x0] =	vst v11  }
.LBB2_5:
0xed: {  	p1 =	sne.s32 s26, $0x7F0;
	v11 =	vld [tilespmem:s28+$0xA000]  }
0xee: {  	v12 =	vld [tilespmem:s28+$0xA080];
	_ =	sdelay $0x1  }
0xef: {  	v13 =	vld [tilespmem:s28+$0xA100];
	_ =	sdelay $0x1  }
0xf0: {  	v14 =	vld [tilespmem:s28+$0xA180]  }
0xf1: {  	v11 =	vmul.f32 v11, v4;
	v12 =	vmul.f32 v12, v5  }
0xf2: {  	v15 =	vld [tilespmem:s28+$0xA200]  }
0xf3: {  	v11 =	vadd.f32 v12, v11;
	v12 =	vmul.f32 v13, v3  }
0xf4: {  	v13 =	vld [tilespmem:s28+$0xA280]  }
0xf5: {  	v11 =	vadd.f32 v12, v11;
	v12 =	vmul.f32 v14, v6  }
0xf6: {  	v14 =	vld [tilespmem:s28+$0xA300]  }
0xf7: {  	v11 =	vadd.f32 v12, v11;
	v12 =	vmul.f32 v15, v7  }
0xf8: {  	v15 =	vld [tilespmem:s28+$0xA380]  }
0xf9: {  	v11 =	vadd.f32 v12, v11;
	v12 =	vmul.f32 v13, v8;
	_ =	sdelay $0x1  }
0xfa: {  	v11 =	vadd.f32 v12, v11;
	v12 =	vmul.f32 v14, v9;
	_ =	sdelay $0x1  }
.Ltmp1:
0xfb: {  	v11 =	vadd.f32 v12, v11;
	v12 =	vmul.f32 v15, v10;
	(pc) =	sbr.rel @p1 .LBB2_5-.Ltmp1, $4  }
0xfc: {  	_ = 	snop  }
0xfd: {  	s3 =	sadd.s32 $0x80, s3;
	v11 =	vadd.f32 v12, v11  }
0xfe: {  	s2 =	sand.u32 $0x70, s26;
	s1 =	sadd.s32 $0x10, s1;
	s4 =	sand.u32 $0x3C00, s3  }
0xff: {  	s26 =	sadd.s32 $0x10, s26;
	s28 =	sor.u32 s2, s4;
	[tilespmem:s1+$0x0] =	vst v11  }
0x100: {  	v11 =	vld [tilespmem:s28+$0xA000]  }
0x101: {  	v12 =	vld [tilespmem:s28+$0xA080];
	_ =	sdelay $0x1  }
0x102: {  	v13 =	vld [tilespmem:s28+$0xA100];
	_ =	sdelay $0x1  }
0x103: {  	v14 =	vld [tilespmem:s28+$0xA180]  }
0x104: {  	v4 =	vmul.f32 v11, v4;
	v5 =	vmul.f32 v12, v5  }
0x105: {  	v11 =	vld [tilespmem:s28+$0xA200]  }
0x106: {  	v3 =	vmul.f32 v13, v3;
	v4 =	vadd.f32 v5, v4  }
0x107: {  	v5 =	vld [tilespmem:s28+$0xA280]  }
0x108: {  	v3 =	vadd.f32 v3, v4;
	v4 =	vmul.f32 v14, v6  }
0x109: {  	v6 =	vld [tilespmem:s28+$0xA300]  }
0x10a: {  	v3 =	vadd.f32 v4, v3;
	v4 =	vmul.f32 v11, v7  }
0x10b: {  	v7 =	vld [tilespmem:s28+$0xA380]  }
0x10c: {  	v3 =	vadd.f32 v4, v3;
	v4 =	vmul.f32 v5, v8;
	_ =	sdelay $0x1  }
0x10d: {  	v3 =	vadd.f32 v4, v3;
	v4 =	vmul.f32 v6, v9;
	_ =	sdelay $0x1  }
0x10e: {  	v3 =	vadd.f32 v4, v3;
	v4 =	vmul.f32 v7, v10;
	_ =	sdelay $0x1  }
0x10f: {  	v3 =	vadd.f32 v4, v3  }
0x110: {  	s1 =	sadd.s32 $0x10, s1;
	s2 =	sshll.u32 @!p0 s5, $0x4  }
0x111: {  	[tilespmem:s1+$0x0] =	vst v3;
	s1 =	sand.u32 @!p0 $0x3FFFFFF0, s2  }
0x112: {  	v3 =	vld.msk @!p0 [tilespmem:s1+$0x10], $0xff;
	_ =	sdelay $0x4  }
0x113: {  	v4 =	vshll.u32 @!p0 v3, $0x4  }
0x114: {  	v5 =	vlaneseq.u32 @!p0;
	v3 =	vand.u32 @!p0 $0x7, v3;
	v4 =	vand.u32 @!p0 $0xFFFFFF80, v4  }
0x115: {  	v3 =	vor.u32 @!p0 v3, v4;
	v4 =	vand.u32 @!p0 $0x7, v5;
	v5 =	vshrl.u32 @!p0 v5, $0x3  }
0x116: {  	v3 =	vperm.xlane @!p0 v3, v4;
	v5 =	vmul.u32 @!p0 $0x8, v5;
	_ =	sdelay $0x1  }
0x117: {  	v3 =	vadd.s32 @!p0 v5, v3;
	_ =	sdelay $0x3  }
0x118: {  	vm11 =	vmmov @!p0 $0xffff;
	s3 =	simm.s32 @!p0 $0x2000;
	s4 =	rddreg [dreg:$0x2];
	s2 =	simm.s32 @!p0 $0x0  }
0x119: {  	[tilespmem:s3], [sflag:$0x2] =	stream.indirect_vreg.gather @!p0 [hbm4b:s4+s2], $0x80, v3, vm11, $0xb8;
	[tilespmem:$0x12800] =	vst v63  }
0x11a: {  	s3 =	simm.s32 @!p0 $0x2800  }
0x11b: {  	[tilespmem:s3], [sflag:$0x2] =	stream.indirect_vreg.gather @!p0 [hbm4b:s11+s2], $0x80, v3, vm11, $0xb8;
	[tilespmem:$0x12800] =	vst v63  }
0x11c: {  	s3 =	simm.s32 @!p0 $0x3000  }
0x11d: {  	[tilespmem:s3], [sflag:$0x2] =	stream.indirect_vreg.gather @!p0 [hbm4b:s12+s2], $0x80, v3, vm11, $0xb8;
	[tilespmem:$0x12800] =	vst v63  }
0x11e: {  	s3 =	simm.s32 @!p0 $0x3800  }
0x11f: {  	[tilespmem:s3], [sflag:$0x2] =	stream.indirect_vreg.gather @!p0 [hbm4b:s13+s2], $0x80, v3, vm11, $0xb8;
	[tilespmem:$0x12800] =	vst v63  }
0x120: {  	s3 =	simm.s32 @!p0 $0x4000  }
0x121: {  	[tilespmem:s3], [sflag:$0x2] =	stream.indirect_vreg.gather @!p0 [hbm4b:s14+s2], $0x80, v3, vm11, $0xb8;
	[tilespmem:$0x12800] =	vst v63  }
0x122: {  	s3 =	simm.s32 @!p0 $0x4800  }
0x123: {  	[tilespmem:s3], [sflag:$0x2] =	stream.indirect_vreg.gather @!p0 [hbm4b:s15+s2], $0x80, v3, vm11, $0xb8;
	[tilespmem:$0x12800] =	vst v63  }
0x124: {  	s3 =	simm.s32 @!p0 $0x5000  }
0x125: {  	[tilespmem:s3], [sflag:$0x2] =	stream.indirect_vreg.gather @!p0 [hbm4b:s16+s2], $0x80, v3, vm11, $0xb8;
	[tilespmem:$0x12800] =	vst v63  }
0x126: {  	s3 =	simm.s32 @!p0 $0x5800  }
0x127: {  	[tilespmem:s3], [sflag:$0x2] =	stream.indirect_vreg.gather @!p0 [hbm4b:s17+s2], $0x80, v3, vm11, $0xb8;
	[tilespmem:$0x12800] =	vst v63  }
0x128: {  	v3 =	vld.msk @!p0 [tilespmem:s1+$0x10], $0xff;
	_ =	sdelay $0x4  }
0x129: {  	v6 =	vshll.u32 @!p0 v3, $0x4  }
0x12a: {  	v3 =	vand.u32 @!p0 $0x7, v3;
	v6 =	vand.u32 @!p0 $0xFFFFFF80, v6  }
0x12b: {  	v3 =	vor.u32 @!p0 v3, v6  }
0x12c: {  	v3 =	vperm.xlane @!p0 v3, v4;
	_ =	sdelay $0x1  }
0x12d: {  	v3 =	vadd.s32 @!p0 v5, v3;
	_ =	sdelay $0x3  }
0x12e: {  	s3 =	rddreg [dreg:$0x3];
	s1 =	simm.s32 @!p0 $0xA000  }
0x12f: {  	[tilespmem:s1], [sflag:$0x3] =	stream.indirect_vreg.gather @!p0 [hbm4b:s3+s2], $0x80, v3, vm11, $0xb8;
	[tilespmem:$0x12800] =	vst v63  }
0x130: {  	s1 =	simm.s32 @!p0 $0xA800  }
0x131: {  	[tilespmem:s1], [sflag:$0x3] =	stream.indirect_vreg.gather @!p0 [hbm4b:s18+s2], $0x80, v3, vm11, $0xb8;
	[tilespmem:$0x12800] =	vst v63  }
0x132: {  	s1 =	simm.s32 @!p0 $0xB000  }
0x133: {  	[tilespmem:s1], [sflag:$0x3] =	stream.indirect_vreg.gather @!p0 [hbm4b:s19+s2], $0x80, v3, vm11, $0xb8;
	[tilespmem:$0x12800] =	vst v63  }
0x134: {  	s1 =	simm.s32 @!p0 $0xB800  }
0x135: {  	[tilespmem:s1], [sflag:$0x3] =	stream.indirect_vreg.gather @!p0 [hbm4b:s20+s2], $0x80, v3, vm11, $0xb8;
	[tilespmem:$0x12800] =	vst v63  }
0x136: {  	s1 =	simm.s32 @!p0 $0xC000  }
0x137: {  	[tilespmem:s1], [sflag:$0x3] =	stream.indirect_vreg.gather @!p0 [hbm4b:s21+s2], $0x80, v3, vm11, $0xb8;
	[tilespmem:$0x12800] =	vst v63  }
0x138: {  	s1 =	simm.s32 @!p0 $0xC800  }
0x139: {  	[tilespmem:s1], [sflag:$0x3] =	stream.indirect_vreg.gather @!p0 [hbm4b:s22+s2], $0x80, v3, vm11, $0xb8;
	[tilespmem:$0x12800] =	vst v63  }
0x13a: {  	s1 =	simm.s32 @!p0 $0xD000  }
0x13b: {  	[tilespmem:s1], [sflag:$0x3] =	stream.indirect_vreg.gather @!p0 [hbm4b:s23+s2], $0x80, v3, vm11, $0xb8;
	[tilespmem:$0x12800] =	vst v63  }
0x13c: {  	s31 =	simm.s32 $0x0;
	s7 =	sadd.s32 $0x0, s0;
	s1 =	simm.s32 @!p0 $0xD800  }
0x13d: {  	[tilespmem:s1], [sflag:$0x3] =	stream.indirect_vreg.gather @!p0 [hbm4b:s24+s2], $0x80, v3, vm11, $0xb8;
	[tilespmem:$0x12800] =	vst v63  }
0x13e: {  	s26 =	sand.u32 $0x70, s31;
	s4 =	sand.u32 $0x7, s31;
	_ =	swait.ge [sflag:s10], $0x4000  }
0x13f: {  	s3 =	sand.u32 $0xF80, s7;
	s2 =	sshll.u32 s4, $0x4;
	[sflag:s10] =	ssyncset.done $0x0  }
0x140: {  	s3 =	sor.u32 s26, s3;
	s2 =	sadd.s32 $0x0, s2;
	[sflag:s10] =	ssyncadd.s32 $0xFFFFC000  }
0x141: {  	s1 =	sand.u32 $0x3C00, s31;
	s2 =	sor.u32 $0x380, s2;
	v4 =	vld [tilespmem:s3+$0x1000]  }
0x142: {  	v5 =	vld [tilespmem:s2+$0x6000];
	s3 =	sor.u32 s26, s1  }
0x143: {  	v16 =	vld [tilespmem:s3+$0x6000]  }
0x144: {  	v14 =	vld [tilespmem:s3+$0x6080]  }
0x145: {  	v12 =	vimm.f32 $0.0e+00;
	v11 =	vimm.f32 $0.0e+00;
	s28 =	simm.s32 $0x20;
	v8 =	vimm.f32 $0.0e+00;
	v13 =	vld [tilespmem:s3+$0x6100]  }
0x146: {  	v9 =	vimm.f32 $0.0e+00;
	v10 =	vimm.f32 $0.0e+00;
	v6 =	vimm.f32 $0.0e+00;
	s31 =	simm.s32 $0x10;
	s4 =	sadd.s32 $0x10, s0;
	s26 =	simm.s32 $0x1;
	v15 =	vld [tilespmem:s3+$0x6180]  }
0x147: {  	v3 =	vimm.f32 $0.0e+00;
	s7 =	sand.u32 $0x70, s31;
	s1 =	simm.s32 $0x80;
	s2 =	sand.u32 $0x7, s26;
	v17 =	vld [tilespmem:s3+$0x6200];
	v7 =	vmul.f32 v5, v4;
	v5 =	vimm.f32 $0.0e+00  }
.LBB2_7:
0x148: {  	p0 =	sne.s32 s28, $0x7F0;
	s2 =	sshll.u32 s2, $0x4;
	s4 =	sand.u32 $0xF80, s4;
	v16 =	vmul.f32 v16, v4;
	v18 =	vld [tilespmem:s3+$0x6280]  }
0x149: {  	s31 =	sand.u32 $0x3C00, s1;
	s2 =	sadd.s32 s2, s1;
	s4 =	sor.u32 s7, s4;
	v14 =	vmul.f32 v14, v4;
	v19 =	vld [tilespmem:s3+$0x6300];
	v3 =	vadd.f32 v7, v3  }
0x14a: {  	s3 =	sor.u32 s7, s31;
	v7 =	vld [tilespmem:s4+$0x1000];
	s2 =	sor.u32 $0x380, s2;
	v11 =	vadd.f32 v16, v11;
	v13 =	vmul.f32 v13, v4  }
0x14b: {  	v20 =	vld [tilespmem:s2+$0x6000];
	v12 =	vadd.f32 v14, v12;
	v15 =	vmul.f32 v15, v4  }
.Ltmp2:
0x14c: {  	v16 =	vld [tilespmem:s3+$0x6000];
	v9 =	vadd.f32 v13, v9;
	v17 =	vmul.f32 v17, v4;
	(pc) =	sbr.rel @p0 .LBB2_7-.Ltmp2, $4  }
0x14d: {  	v14 =	vld [tilespmem:s3+$0x6080];
	v8 =	vadd.f32 v15, v8;
	v18 =	vmul.f32 v18, v4  }
0x14e: {  	v13 =	vld [tilespmem:s3+$0x6100];
	v10 =	vadd.f32 v17, v10;
	v19 =	vmul.f32 v19, v4  }
0x14f: {  	s26 =	sadd.s32 $0x1, s26;
	s7 =	sand.u32 $0x70, s28;
	s1 =	sadd.s32 $0x80, s1;
	v15 =	vld [tilespmem:s3+$0x6180];
	v6 =	vadd.f32 v18, v6;
	v4 =	vmov v7  }
0x150: {  	s4 =	sadd.s32 s28, s0;
	s28 =	sadd.s32 $0x10, s28;
	s2 =	sand.u32 $0x7, s26;
	v17 =	vld [tilespmem:s3+$0x6200];
	v7 =	vmul.f32 v20, v4;
	v5 =	vadd.f32 v19, v5  }
0x151: {  	s4 =	sand.u32 $0xF80, s4;
	v18 =	vld [tilespmem:s3+$0x6280]  }
0x152: {  	s26 =	sand.u32 $0x3C00, s1;
	v19 =	vld [tilespmem:s3+$0x6300];
	s4 =	sor.u32 s7, s4  }
0x153: {  	s26 =	sor.u32 s7, s26;
	v20 =	vld [tilespmem:s4+$0x1000]  }
0x154: {  	v21 =	vld [tilespmem:s26+$0x6000]  }
0x155: {  	v22 =	vld [tilespmem:s26+$0x6080]  }
0x156: {  	v16 =	vmul.f32 v16, v4;
	v23 =	vld [tilespmem:s26+$0x6100]  }
0x157: {  	v14 =	vmul.f32 v14, v4;
	v24 =	vld [tilespmem:s26+$0x6180]  }
0x158: {  	v11 =	vadd.f32 v16, v11;
	v13 =	vmul.f32 v13, v4;
	v41 =	vld [tilespmem:s26+$0x6200];
	v15 =	vmul.f32 v15, v4  }
0x159: {  	s2 =	sshll.u32 s2, $0x4;
	v44 =	vld [tilespmem:s26+$0x6280];
	v12 =	vadd.f32 v14, v12;
	v42 =	vmul.f32 v17, v4;
	v43 =	vmul.f32 v21, v20  }
0x15a: {  	s31 =	sadd.s32 s2, s1;
	v9 =	vadd.f32 v13, v9;
	v8 =	vadd.f32 v15, v8;
	v45 =	vmul.f32 v22, v20  }
0x15b: {  	v46 =	vld [tilespmem:s26+$0x6300];
	s1 =	sor.u32 $0x380, s31;
	v48 =	vmul.f32 v18, v4;
	v47 =	vmul.f32 v23, v20;
	v11 =	vadd.f32 v43, v11  }
0x15c: {  	v50 =	vld [tilespmem:s1+$0x6000];
	v4 =	vmul.f32 v19, v4;
	v49 =	vmul.f32 v24, v20;
	v12 =	vadd.f32 v45, v12  }
0x15d: {  	v10 =	vadd.f32 v42, v10;
	v16 =	vmul.f32 v41, v20;
	v9 =	vadd.f32 v47, v9;
	(xrf2) =	vadd.scan.msk.f32 $0xffff, v11  }
0x15e: {  	v6 =	vadd.f32 v48, v6;
	v8 =	vadd.f32 v49, v8;
	v11 =	vmul.f32 v44, v20;
	(xrf2) =	vadd.scan.msk.f32 $0xffff, v12  }
0x15f: {  	v4 =	vadd.f32 v4, v5;
	v5 =	vadd.f32 v16, v10;
	(xrf2) =	vadd.scan.msk.f32 $0xffff, v9  }
0x160: {  	v10 =	vmul.f32 v46, v20;
	v6 =	vadd.f32 v11, v6;
	(xrf2) =	vadd.scan.msk.f32 $0xffff, v8  }
0x161: {  	v3 =	vadd.f32 v7, v3;
	(xrf2) =	vadd.scan.msk.f32 $0xffff, v5;
	v5 =	vmul.f32 v50, v20  }
0x162: {  	v4 =	vadd.f32 v10, v4;
	(xrf2) =	vadd.scan.msk.f32 $0xffff, v6  }
0x163: {  	v3 =	vadd.f32 v5, v3  }
0x164: {  	(xrf2) =	vadd.scan.msk.f32 $0xffff, v4;
	_ =	sdelay $0x2  }
0x165: {  	(xrf2) =	vadd.scan.msk.f32 $0xffff, v3;
	v3, _, _ =	vpop (xrf2)  }
0x166: {  	v3 =	vbroadcast v3, $0xF;
	v4, _, _ =	vpop (xrf2)  }
0x167: {  	vm11 =	vcmask $0x2320;
	v4 =	vbroadcast v4, $0xF;
	v5, _, _ =	vpop (xrf2)  }
0x168: {  	v3 =	vnsel vm11, $0x0, v3;
	v5 =	vbroadcast v5, $0xF;
	v6, _, _ =	vpop (xrf2)  }
0x169: {  	v3 =	vsel vm2, v3, v4;
	v4 =	vbroadcast v6, $0xF;
	v6, _, _ =	vpop (xrf2)  }
0x16a: {  	v3 =	vsel vm3, v3, v5;
	v5 =	vbroadcast v6, $0xF;
	v6, _, _ =	vpop (xrf2)  }
0x16b: {  	v3 =	vsel vm4, v3, v4;
	v4 =	vbroadcast v6, $0xF  }
0x16c: {  	v6, _, _ =	vpop (xrf2)  }
0x16d: {  	v3 =	vsel vm5, v3, v5;
	v5 =	vbroadcast v6, $0xF  }
0x16e: {  	v3 =	vsel vm6, v3, v4  }
0x16f: {  	v3 =	vsel vm7, v3, v5;
	v4, _, _ =	vpop (xrf2)  }
0x170: {  	v3 =	vsel vm9, v3, v4  }
0x171: {  	v4 =	vmul.f32 $4.471499850e-02, v3;
	_ =	sdelay $0x1  }
0x172: {  	v4 =	vmul.f32 v4, v3;
	_ =	sdelay $0x1  }
0x173: {  	v4 =	vmul.f32 v4, v3;
	_ =	sdelay $0x1  }
0x174: {  	v4 =	vadd.f32 v4, v3;
	_ =	sdelay $0x1  }
0x175: {  	v4 =	vmul.f32 $7.978845830e-01, v4;
	_ =	sdelay $0x1  }
0x176: {  	v4 =	vadd.f32 v4, v4;
	_ =	sdelay $0x1  }
0x177: {  	v4 =	vmul.f32 $1.442695020e+00, v4;
	_ =	sdelay $0x1  }
0x178: {  	(erf) = vpow2.f32 v4;
	_ =	sdelay $0x8  }
0x179: {  	v4 =	vpop (erf)  }
0x17a: {  	v4 =	vadd.f32 $1.000000000e+00, v4;
	_ =	sdelay $0x1  }
0x17b: {  	(erf) = vrcp.f32 v4;
	_ =	sdelay $0x8  }
0x17c: {  	v4 =	vpop (erf)  }
0x17d: {  	v4 =	vadd.f32 v4, v4;
	_ =	sdelay $0x1  }
0x17e: {  	v4 =	vsub.f32 $1.000000000e+00, v4;
	_ =	sdelay $0x1  }
0x17f: {  	v3 =	vmul.f32 $5.000000000e-01, v3;
	v4 =	vadd.f32 $1.000000000e+00, v4;
	_ =	sdelay $0x1  }
0x180: {  	v3 =	vmul.f32 v4, v3;
	_ =	sdelay $0x1  }
0x181: {  	v2 =	vmul.f32 v3, v2  }
0x182: {  	vm11 =	vcmask $0x1F24  }
0x183: {  	v3 =	vsel vm11, $0x0, v2;
	vm11 =	vcmask $0x2328  }
0x184: {  	(xrf2) =	vadd.scan.msk.f32 $0xffff, v3;
	v3 =	vsel vm11, $0x0, v2  }
0x185: {  	(xrf2) =	vadd.scan.msk.f32 $0xffff, v3;
	v3 =	vsel vm12, $0x0, v2  }
0x186: {  	(xrf2) =	vadd.scan.msk.f32 $0xffff, v3;
	v3 =	vsel vm13, $0x0, v2  }
0x187: {  	(xrf2) =	vadd.scan.msk.f32 $0xffff, v3;
	v3 =	vsel vm14, $0x0, v2  }
0x188: {  	(xrf2) =	vadd.scan.msk.f32 $0xffff, v3;
	v3 =	vsel vm15, $0x0, v2  }
0x189: {  	(xrf2) =	vadd.scan.msk.f32 $0xffff, v3;
	v3 =	vsel vm10, $0x0, v2  }
0x18a: {  	v2 =	vsel vm9, $0x0, v2;
	(xrf2) =	vadd.scan.msk.f32 $0xffff, v3  }
0x18b: {  	(xrf2) =	vadd.scan.msk.f32 $0xffff, v2;
	_ =	sdelay $0x2  }
0x18c: {  	v2, _, _ =	vpop (xrf2)  }
0x18d: {  	v3, _, _ =	vpop (xrf2)  }
0x18e: {  	v5, _, _ =	vpop (xrf2)  }
0x18f: {  	v7, _, _ =	vpop (xrf2)  }
0x190: {  	v8, _, _ =	vpop (xrf2)  }
0x191: {  	v9, _, _ =	vpop (xrf2)  }
0x192: {  	v10, _, _ =	vpop (xrf2)  }
0x193: {  	v11, _, _ =	vpop (xrf2)  }
0x194: {  	s3 =	simm.s32 $0x0;
	_ =	swait.ge [sflag:s25], $0x4000  }
0x195: {  	s2 =	sand.u32 $0x70, s3;
	s4 =	sand.u32 $0x3C00, s3;
	[sflag:s25] =	ssyncset.done $0x0  }
0x196: {  	s2 =	sor.u32 s2, s4;
	[sflag:s25] =	ssyncadd.s32 $0xFFFFC000  }
0x197: {  	s1 =	simm.s32 $0x12000;
	v51 =	vld [tilespmem:s2+$0xE000]  }
0x198: {  	v52 =	vld [tilespmem:s1+$0x0]  }
0x199: {  	v53 =	vld [tilespmem:s2+$0xE080]  }
0x19a: {  	v6 =	vbroadcast v2, $0xF  }
0x19b: {  	v54 =	vld [tilespmem:s2+$0xE100]  }
0x19c: {  	v4 =	vbroadcast v3, $0xF;
	v2 =	vmul.f32 v51, v6  }
0x19d: {  	v55 =	vld [tilespmem:s2+$0xE180]  }
0x19e: {  	v5 =	vbroadcast v5, $0xF;
	v56 =	vmul.f32 v53, v4;
	v3 =	vadd.f32 v2, v52  }
0x19f: {  	v57 =	vld [tilespmem:s2+$0xE200]  }
0x1a0: {  	v58 =	vmul.f32 v54, v5;
	v2 =	vbroadcast v7, $0xF;
	v7 =	vadd.f32 v56, v3  }
0x1a1: {  	s7 =	sand.u32 $0x7, s3;
	v59 =	vld [tilespmem:s2+$0xE280]  }
0x1a2: {  	s4 =	sshll.u32 s7, $0x4;
	v3 =	vbroadcast v8, $0xF;
	v12 =	vmul.f32 v55, v2;
	v8 =	vadd.f32 v58, v7  }
0x1a3: {  	s4 =	sadd.s32 $0x0, s4;
	v60 =	vld [tilespmem:s2+$0xE300]  }
0x1a4: {  	s26 =	sor.u32 $0x380, s4;
	v7 =	vbroadcast v9, $0xF;
	v61 =	vmul.f32 v57, v3;
	v9 =	vadd.f32 v12, v8  }
0x1a5: {  	v62 =	vld [tilespmem:s26+$0xE000]  }
0x1a6: {  	v8 =	vbroadcast v10, $0xF;
	v63 =	vmul.f32 v59, v7;
	v10 =	vadd.f32 v61, v9;
	_ =	sdelay $0x1  }
0x1a7: {  	v9 =	vbroadcast v11, $0xF;
	v11 =	vmul.f32 v60, v8;
	v10 =	vadd.f32 v63, v10;
	_ =	sdelay $0x1  }
0x1a8: {  	v10 =	vadd.f32 v11, v10;
	v11 =	vmul.f32 v62, v9;
	_ =	sdelay $0x1  }
0x1a9: {  	s28 =	simm.s32 $0x80;
	s31 =	simm.s32 $0x10;
	v10 =	vadd.f32 v11, v10  }
0x1aa: {  	s4 =	sand.u32 $0x3C00, s28;
	s2 =	sand.u32 $0x70, s31;
	s26 =	simm.s32 $0x20  }
.LBB2_9:
0x1ab: {  	p0 =	sne.s32 s26, $0x7F0;
	s2 =	sor.u32 s2, s4;
	[tilespmem:s1+$0x0] =	vst v10  }
0x1ac: {  	s1 =	sadd.s32 $0x10, s1;
	v10 =	vld [tilespmem:s2+$0xE000]  }
0x1ad: {  	v11 =	vld [tilespmem:s1+$0x0]  }
0x1ae: {  	v12 =	vld [tilespmem:s2+$0xE080];
	_ =	sdelay $0x1  }
0x1af: {  	v13 =	vld [tilespmem:s2+$0xE100]  }
0x1b0: {  	v10 =	vmul.f32 v10, v6  }
0x1b1: {  	v14 =	vld [tilespmem:s2+$0xE180]  }
0x1b2: {  	v10 =	vadd.f32 v10, v11;
	v11 =	vmul.f32 v12, v4  }
0x1b3: {  	v12 =	vld [tilespmem:s2+$0xE200]  }
0x1b4: {  	s3 =	sadd.s32 $0x1, s3;
	v10 =	vadd.f32 v11, v10;
	v11 =	vmul.f32 v13, v5  }
0x1b5: {  	s4 =	sand.u32 $0x7, s3;
	v13 =	vld [tilespmem:s2+$0xE280]  }
0x1b6: {  	s4 =	sshll.u32 s4, $0x4;
	v10 =	vadd.f32 v11, v10;
	v11 =	vmul.f32 v14, v2  }
0x1b7: {  	s4 =	sadd.s32 s4, s28;
	v14 =	vld [tilespmem:s2+$0xE300]  }
0x1b8: {  	s2 =	sor.u32 $0x380, s4;
	v10 =	vadd.f32 v11, v10;
	v11 =	vmul.f32 v12, v3  }
0x1b9: {  	v12 =	vld [tilespmem:s2+$0xE000]  }
0x1ba: {  	v10 =	vadd.f32 v11, v10;
	v11 =	vmul.f32 v13, v7;
	_ =	sdelay $0x1  }
0x1bb: {  	v10 =	vadd.f32 v11, v10;
	v11 =	vmul.f32 v14, v8  }
.Ltmp3:
0x1bc: {  	(pc) =	sbr.rel @p0 .LBB2_9-.Ltmp3, $3  }
0x1bd: {  	v10 =	vadd.f32 v11, v10;
	v11 =	vmul.f32 v12, v9;
	_ =	sdelay $0x1  }
0x1be: {  	s28 =	sadd.s32 $0x80, s28;
	v10 =	vadd.f32 v11, v10  }
0x1bf: {  	s4 =	sand.u32 $0x3C00, s28;
	s2 =	sand.u32 $0x70, s26;
	s26 =	sadd.s32 $0x10, s26  }
0x1c0: {  	s2 =	sor.u32 s2, s4;
	[tilespmem:s1+$0x0] =	vst v10  }
0x1c1: {  	s4 =	sadd.s32 $0x10, s1;
	v10 =	vld [tilespmem:s2+$0xE000]  }
0x1c2: {  	v11 =	vld [tilespmem:s4+$0x0]  }
0x1c3: {  	v12 =	vld [tilespmem:s2+$0xE080];
	_ =	sdelay $0x1  }
0x1c4: {  	v13 =	vld [tilespmem:s2+$0xE100]  }
0x1c5: {  	v6 =	vmul.f32 v10, v6  }
0x1c6: {  	v59 =	vld [tilespmem:s2+$0xE180]  }
0x1c7: {  	v4 =	vmul.f32 v12, v4;
	v6 =	vadd.f32 v6, v11  }
0x1c8: {  	v60 =	vld [tilespmem:s2+$0xE200]  }
0x1c9: {  	s3 =	sadd.s32 $0x1, s3;
	v5 =	vmul.f32 v13, v5;
	v4 =	vadd.f32 v4, v6  }
0x1ca: {  	s3 =	sand.u32 $0x7, s3;
	v61 =	vld [tilespmem:s2+$0xE280]  }
0x1cb: {  	s3 =	sshll.u32 s3, $0x4;
	v2 =	vmul.f32 v59, v2;
	v4 =	vadd.f32 v5, v4  }
0x1cc: {  	v62 =	vld [tilespmem:s2+$0xE300];
	s3 =	sadd.s32 s3, s28  }
0x1cd: {  	s7 =	sor.u32 $0x380, s3;
	v3 =	vmul.f32 v60, v3;
	v2 =	vadd.f32 v2, v4  }
0x1ce: {  	v63 =	vld [tilespmem:s7+$0xE000]  }
0x1cf: {  	v2 =	vadd.f32 v3, v2;
	v3 =	vmul.f32 v61, v7;
	_ =	sdelay $0x1  }
0x1d0: {  	v2 =	vadd.f32 v3, v2;
	v3 =	vmul.f32 v62, v8  }
0x1d1: {  	s5 =	sadd.s32 $0x1, s5  }
0x1d2: {  	p0 =	sne.s32 s5, $0x80;
	v2 =	vadd.f32 v3, v2;
	v3 =	vmul.f32 v63, v9  }
.Ltmp4:
0x1d3: {  	_ = 	snop;
	(pc) =	sbr.rel @p0 .LBB2_2-.Ltmp4, $4  }
0x1d4: {  	s26 =	rddreg [dreg:$0x4];
	v2 =	vadd.f32 v3, v2  }
0x1d5: {  	s31 =	simm.s32 $0x12000;
	s0 =	sadd.s32 $0x800, s0;
	s2 =	sadd.s32 s26, s30  }
0x1d6: {  	s30 =	simm.s32 $0x400;
	s28 =	sadd.s32 s29, s2;
	s29 =	simm.s32 $0x80;
	[tilespmem:s4+$0x0] =	vst v2  }
0x1d7: {  	[hbm4b:s28+s29] =	stream.strided.scatter [tilespmem:s31], [sflag:$0x6], $0x800, s30, s29, $0x38;
	[tilespmem:$0x12800] =	vst v63  }
0x1d8: {  	s1 =	simm.s32 $0x6  }
0x1d9: {  	_ =	swait.ge [sflag:s1], $0x800  }
0x1da: {  	s2 =	rddreg [dreg:$0xb]  }
0x1db: {  	s0 =	rddreg [dreg:$0xa];
	s2 =	sadd.s32 $0x1, s2  }
0x1dc: {  	p0 =	sne.s32 s2, s0  }
.Ltmp5:
0x1dd: {  	_ = 	snop;
	(pc) =	sbr.rel @p0 .LBB2_1-.Ltmp5, $3  }
0x1de: {  	_ =	sdelay $0x1  }
0x1df: {  	[sflag:s1] =	ssyncset.done $0x0  }
0x1e0: {  	[sflag:s1] =	ssyncadd.s32 $0xFFFFF800  }
0x1e1: {  	_ =	sfence.sel $0x180000  }
0x1e2: {  	[bflag:$0x0] =	sbarrier.arrive $0xFFFF  }
0x1e3: {  	_ =	strace $0x90000047  }
0x1e4: {  	s0 =	stileid.u32;
	[bflag:$0x2] =	sbarrier.arrive $0xFFFF  }
0x1e5: {  	p0 =	sne.s32 s0, $0x0;
	s0 =	rddreg [dreg:$0x5]  }
0x1e6: {  	s0 =	sadd.s32 @!p0 $0x100000, s0  }
0x1e7: {  	[sflag:s0] =	ssyncadd.tile.s32 @!p0 $0x1;
	_ =	shalt  }
.Lfunc_end2:
_tile_overlayer_lowered:
.L_overlay_start_2:
0x1e8: {  	(tag) =	ssettag $0x2  }
0x1e9: {  	s0 =	rddreg [dreg:$0x0];
	s2 =	stileid.u32  }
0x1ea: {  	s1 =	rddreg [dreg:$0x1];
	p0 =	sne.s32 s2, $0x0  }
0x1eb: {  	s3 =	rddreg [dreg:$0x2];
	[bflag:$0x3] =	sbarrier.arrive $0xFFFF;
	s2 =	simm.s32 @!p0 $0x1C07  }
0x1ec: {  	[timem:s3], [sflag:s2] =	dma.local @!p0 [hbm:s0], s1  }
0x1ed: {  	s0 =	simm.s32 @!p0 $0x7  }
0x1ee: {  	_ =	swait.ge @!p0 [sflag:s0], s1  }
0x1ef: {  	s1 =	ssub.s32 @!p0 $0x0, s1;
	[sflag:s0] =	ssyncset.done @!p0 $0x0  }
0x1f0: {  	[sflag:s0] =	ssyncadd.s32 @!p0 s1  }
0x1f1: {  	[bflag:$0x3] =	sbarrier.arrive $0xFFFF  }
0x1f2: {  	_ =	shalt  }

</sc_bundles>
